<compile_context>
chip_gen: v7x
topology: tpu7x:2x2x1
jax: 0.10.2.dev20260603
libtpu: 0.0.44.dev20260713+nightly
codegen_flags: <defaults>
</compile_context>

<pallas_src>
import jax
import jax.numpy as jnp
from jax import lax
from jax.experimental import pallas as pl
from jax.experimental.pallas import tpu as pltpu
from jax.experimental.pallas import tpu_sc as plsc

NBITS = 256
HIDDEN = 256
SPATIAL = 32
B = 128
C = 128
HW = SPATIAL * SPATIAL

NB = 8
GRID = B // NB

NC = 2
NS = 16
NW = NC * NS
BPW = B // NW
LANES = 16


def _sc_lookup_body(msg_hbm, w_hbm, out_hbm, msg_v, idx_v, rows_v, acc_v, sem):
    wid = lax.axis_index("s") * NC + lax.axis_index("c")
    lane = lax.iota(jnp.int32, LANES)
    nh = HIDDEN // LANES
    for j in range(BPW):
        b = wid * BPW + j
        pltpu.sync_copy(msg_hbm.at[b], msg_v)
        for t in range(NBITS // LANES):
            idx_v[pl.ds(t * LANES, LANES)] = (
                2 * (t * LANES + lane) + msg_v[pl.ds(t * LANES, LANES)])
        pltpu.async_copy(w_hbm.at[idx_v], rows_v, sem).wait()

        def _row(r, accs):
            return tuple(
                accs[t] + rows_v[r, pl.ds(t * LANES, LANES)]
                for t in range(nh))

        accs = tuple(jnp.zeros((LANES,), jnp.float32) for _ in range(nh))
        accs = lax.fori_loop(0, NBITS, _row, accs)
        for t in range(nh):
            acc_v[pl.ds(t * LANES, LANES)] = accs[t]
        pltpu.sync_copy(acc_v, out_hbm.at[b])


def _sc_lookup(msg, w):
    mesh = plsc.VectorSubcoreMesh(core_axis_name="c", subcore_axis_name="s",
                                  num_cores=NC)
    return pl.kernel(
        _sc_lookup_body,
        out_type=jax.ShapeDtypeStruct((B, HIDDEN), jnp.float32),
        mesh=mesh,
        scratch_types=[
            pltpu.VMEM((NBITS,), jnp.int32),
            pltpu.VMEM((NBITS,), jnp.int32),
            pltpu.VMEM((NBITS, HIDDEN), jnp.float32),
            pltpu.VMEM((HIDDEN,), jnp.float32),
            pltpu.SemaphoreType.DMA,
        ],
    )(msg, w)


def _bcast_body(aux_ref, lat_ref, out_ref):
    out_ref[:, :C, :] = lat_ref[...]
    out_ref[:, C:, :] = jnp.broadcast_to(aux_ref[...], (NB, HIDDEN, HW))


def kernel(latents, msg, W):
    lat3 = latents.reshape(B, C, HW)
    aux = _sc_lookup(msg.astype(jnp.int32), W)
    aux3 = aux.reshape(B, HIDDEN, 1)
    out = pl.pallas_call(
        _bcast_body,
        grid=(GRID,),
        in_specs=[
            pl.BlockSpec((NB, HIDDEN, 1), lambda g: (g, 0, 0)),
            pl.BlockSpec((NB, C, HW), lambda g: (g, 0, 0)),
        ],
        out_specs=pl.BlockSpec((NB, C + HIDDEN, HW), lambda g: (g, 0, 0)),
        out_shape=jax.ShapeDtypeStruct((B, C + HIDDEN, HW), jnp.float32),
    )(aux3, lat3)
    return out.reshape(B, C + HIDDEN, SPATIAL, SPATIAL)

# --- scband reference (transcript-rebuilt; emitter-appended) ---
"""Pipeline reference for scband-tflite-friendly-msg-processor-36318243455004 (READ-ONLY COPY).

The authoritative reference and input builder live on the scoring server;
editing this copy changes nothing except your own understanding.
"""

import jax, jax.numpy as jnp
import numpy as np

NBITS = 256
HIDDEN = 256
SPATIAL = 32
MSG_MULT = 1.0
B = 128
C = 128


def setup_inputs(seed: int = 0) -> dict:
    key = jax.random.key(seed)
    k1, k2, k3 = jax.random.split(key, 3)
    latents = jax.random.normal(k1, (B, C, SPATIAL, SPATIAL), dtype=jnp.float32)
    msg = jax.random.randint(k2, (B, NBITS), 0, 2, dtype=jnp.int64) if jax.config.jax_enable_x64 else jax.random.randint(k2, (B, NBITS), 0, 2, dtype=jnp.int32)
    W = jax.random.normal(k3, (2 * NBITS, HIDDEN), dtype=jnp.float32) * 0.02
    return {"latents": latents, "msg": msg, "W": W}


def reference(latents, msg, W):
    # binary message type: indices = 2*arange(nbits) + msg, gather embeddings, sum over bits
    base_indices = 2 * jnp.arange(NBITS, dtype=msg.dtype)
    indices = base_indices[None, :] + msg  # [B, nbits]
    msg_aux = jnp.take(W, indices, axis=0)  # [B, nbits, hidden] gather
    msg_aux = msg_aux.sum(axis=1)  # [B, hidden]
    msg_aux = msg_aux.reshape(-1, HIDDEN, 1, 1)
    # TFLite-friendly static tiling via repeated concat along H then W
    msg_aux_h = jnp.concatenate([msg_aux for _ in range(SPATIAL)], axis=2)
    msg_aux_full = jnp.concatenate([msg_aux_h for _ in range(SPATIAL)], axis=3)
    # concat aggregation along channel dim
    out = jnp.concatenate([latents, MSG_MULT * msg_aux_full], axis=1)
    return out

if __name__ == "__main__":
    import jax
    _d = setup_inputs()
    print(jax.jit(kernel)(*tuple(_d.values())))

</pallas_src>

<mosaic_0001>
#map = affine_map<(d0, d1) -> (0, 0)>
module attributes {stable_mosaic.version = 14 : i64} {
  func.func @_sc_lookup_body(%arg0: i32, %arg1: i32, %arg2: memref<128x256xi32, #tpu.memory_space<hbm>>, %arg3: memref<512x256xf32, #tpu.memory_space<hbm>>, %arg4: memref<128x256xf32, #tpu.memory_space<hbm>>, %arg5: memref<256xi32, #tpu.memory_space<vmem>>, %arg6: memref<256xi32, #tpu.memory_space<vmem>>, %arg7: memref<256x256xf32, #tpu.memory_space<vmem>>, %arg8: memref<256xf32, #tpu.memory_space<vmem>>, %arg9: memref<!tpu.dma_semaphore, #tpu.memory_space<semaphore_mem>>) attributes {dimension_semantics = [#tpu.dimension_semantics<core_parallel>, #tpu.dimension_semantics<subcore_parallel>], iteration_bounds = array<i64: 2, 16>, scalar_prefetch = 0 : i64, scratch_operands = 5 : i64, tpu.core_type = #tpu.core_type<sc_vector_subcore>, window_params = [{transform_indices = #map}, {transform_indices = #map}, {transform_indices = #map}]} {
    %mul3A = arith.constant 2 : i32
    %mul3A_0 = arith.muli %arg1, %mul3A : i32
    %add3A = arith.addi %mul3A_0, %arg0 : i32
    %iota3A = tpu.iota {dimensions = array<i32: 0>} : vector<16xi32>
    %mul3A_1 = arith.constant 4 : i32
    %mul3A_2 = arith.muli %add3A, %mul3A_1 : i32
    %add3A_3 = arith.constant 0 : i32
    %add3A_4 = arith.addi %mul3A_2, %add3A_3 : i32
    "tpu.region"() ({
      %run_scoped3A = tpu.sem_alloc : memref<!tpu.dma_semaphore, #tpu.memory_space<semaphore_mem>>
      %dma_start3A_1339 = arith.constant 0 : i32
      %dma_start3A_1340 = tpu.memref_slice %arg2[%add3A_4, %dma_start3A_1339] : memref<128x256xi32, #tpu.memory_space<hbm>> -> memref<1x256xi32, #tpu.memory_space<hbm>>
      %dma_start3A_1341 = tpu.memref_squeeze %dma_start3A_1340 : memref<1x256xi32, #tpu.memory_space<hbm>> -> memref<256xi32, #tpu.memory_space<hbm>>
      %dma_start3A_1342 = arith.constant 0 : i32
      %dma_start3A_1343 = tpu.memref_slice %arg2[%add3A_4, %dma_start3A_1342] : memref<128x256xi32, #tpu.memory_space<hbm>> -> memref<1x256xi32, #tpu.memory_space<hbm>>
      %dma_start3A_1344 = tpu.memref_squeeze %dma_start3A_1343 : memref<1x256xi32, #tpu.memory_space<hbm>> -> memref<256xi32, #tpu.memory_space<hbm>>
      tpu.enqueue_dma source(%dma_start3A_1344 : memref<256xi32, #tpu.memory_space<hbm>>) target(%arg5 : memref<256xi32, #tpu.memory_space<vmem>>) target_semaphore(%run_scoped3A : memref<!tpu.dma_semaphore, #tpu.memory_space<semaphore_mem>>)
      %dma_wait3A_1345 = arith.constant 0 : i32
      %dma_wait3A_1346 = tpu.memref_slice %arg2[%add3A_4, %dma_wait3A_1345] : memref<128x256xi32, #tpu.memory_space<hbm>> -> memref<1x256xi32, #tpu.memory_space<hbm>>
      %dma_wait3A_1347 = tpu.memref_squeeze %dma_wait3A_1346 : memref<1x256xi32, #tpu.memory_space<hbm>> -> memref<256xi32, #tpu.memory_space<hbm>>
      %dma_wait3A_1348 = arith.constant 0 : i32
      %dma_wait3A_1349 = tpu.memref_slice %arg2[%add3A_4, %dma_wait3A_1348] : memref<128x256xi32, #tpu.memory_space<hbm>> -> memref<1x256xi32, #tpu.memory_space<hbm>>
      %dma_wait3A_1350 = tpu.memref_squeeze %dma_wait3A_1349 : memref<1x256xi32, #tpu.memory_space<hbm>> -> memref<256xi32, #tpu.memory_space<hbm>>
      tpu.wait_dma2 semaphore(%run_scoped3A : memref<!tpu.dma_semaphore, #tpu.memory_space<semaphore_mem>>) src(%dma_wait3A_1350 : memref<256xi32, #tpu.memory_space<hbm>>) dst(%arg5 : memref<256xi32, #tpu.memory_space<vmem>>)
      tpu.yield
    }) : () -> ()
    %add3A_5 = arith.constant 0 : i32
    %add3A_6 = vector.broadcast %add3A_5 : i32 to vector<16xi32>
    %add3A_7 = arith.addi %add3A_6, %iota3A : vector<16xi32>
    %mul3A_8 = arith.constant 2 : i32
    %mul3A_9 = vector.broadcast %mul3A_8 : i32 to vector<16xi32>
    %mul3A_10 = arith.muli %mul3A_9, %add3A_7 : vector<16xi32>
    %get3A = arith.constant 0 : index
    %get3A_11 = tpu.vector_load %arg5[%get3A] {strides = array<i32>} : memref<256xi32, #tpu.memory_space<vmem>>, vector<16xi32>,
    %get3A_12 = vector.shape_cast %get3A_11 : vector<16xi32> to vector<16xi32>
    %add3A_13 = arith.addi %mul3A_10, %get3A_12 : vector<16xi32>
    %swap3A = arith.constant 0 : index
    %swap3A_14 = tpu.vector_load %arg6[%swap3A] {strides = array<i32>} : memref<256xi32, #tpu.memory_space<vmem>>, vector<16xi32>,
    %swap3A_15 = vector.shape_cast %swap3A_14 : vector<16xi32> to vector<16xi32>
    %swap3A_16 = vector.shape_cast %add3A_13 : vector<16xi32> to vector<16xi32>
    tpu.vector_store %arg6[%swap3A], %swap3A_16 {strides = array<i32>} : memref<256xi32, #tpu.memory_space<vmem>>, vector<16xi32>,
    %add3A_17 = arith.constant 16 : i32
    %add3A_18 = vector.broadcast %add3A_17 : i32 to vector<16xi32>
    %add3A_19 = arith.addi %add3A_18, %iota3A : vector<16xi32>
    %mul3A_20 = arith.constant 2 : i32
    %mul3A_21 = vector.broadcast %mul3A_20 : i32 to vector<16xi32>
    %mul3A_22 = arith.muli %mul3A_21, %add3A_19 : vector<16xi32>
    %get3A_23 = arith.constant 16 : index
    %get3A_24 = tpu.vector_load %arg5[%get3A_23] {strides = array<i32>} : memref<256xi32, #tpu.memory_space<vmem>>, vector<16xi32>,
    %get3A_25 = vector.shape_cast %get3A_24 : vector<16xi32> to vector<16xi32>
    %add3A_26 = arith.addi %mul3A_22, %get3A_25 : vector<16xi32>
    %swap3A_27 = arith.constant 16 : index
    %swap3A_28 = tpu.vector_load %arg6[%swap3A_27] {strides = array<i32>} : memref<256xi32, #tpu.memory_space<vmem>>, vector<16xi32>,
    %swap3A_29 = vector.shape_cast %swap3A_28 : vector<16xi32> to vector<16xi32>
    %swap3A_30 = vector.shape_cast %add3A_26 : vector<16xi32> to vector<16xi32>
    tpu.vector_store %arg6[%swap3A_27], %swap3A_30 {strides = array<i32>} : memref<256xi32, #tpu.memory_space<vmem>>, vector<16xi32>,
    %add3A_31 = arith.constant 32 : i32
    %add3A_32 = vector.broadcast %add3A_31 : i32 to vector<16xi32>
    %add3A_33 = arith.addi %add3A_32, %iota3A : vector<16xi32>
    %mul3A_34 = arith.constant 2 : i32
    %mul3A_35 = vector.broadcast %mul3A_34 : i32 to vector<16xi32>
    %mul3A_36 = arith.muli %mul3A_35, %add3A_33 : vector<16xi32>
    %get3A_37 = arith.constant 32 : index
    %get3A_38 = tpu.vector_load %arg5[%get3A_37] {strides = array<i32>} : memref<256xi32, #tpu.memory_space<vmem>>, vector<16xi32>,
    %get3A_39 = vector.shape_cast %get3A_38 : vector<16xi32> to vector<16xi32>
    %add3A_40 = arith.addi %mul3A_36, %get3A_39 : vector<16xi32>
    %swap3A_41 = arith.constant 32 : index
    %swap3A_42 = tpu.vector_load %arg6[%swap3A_41] {strides = array<i32>} : memref<256xi32, #tpu.memory_space<vmem>>, vector<16xi32>,
    %swap3A_43 = vector.shape_cast %swap3A_42 : vector<16xi32> to vector<16xi32>
    %swap3A_44 = vector.shape_cast %add3A_40 : vector<16xi32> to vector<16xi32>
    tpu.vector_store %arg6[%swap3A_41], %swap3A_44 {strides = array<i32>} : memref<256xi32, #tpu.memory_space<vmem>>, vector<16xi32>,
    %add3A_45 = arith.constant 48 : i32
    %add3A_46 = vector.broadcast %add3A_45 : i32 to vector<16xi32>
    %add3A_47 = arith.addi %add3A_46, %iota3A : vector<16xi32>
    %mul3A_48 = arith.constant 2 : i32
    %mul3A_49 = vector.broadcast %mul3A_48 : i32 to vector<16xi32>
    %mul3A_50 = arith.muli %mul3A_49, %add3A_47 : vector<16xi32>
    %get3A_51 = arith.constant 48 : index
    %get3A_52 = tpu.vector_load %arg5[%get3A_51] {strides = array<i32>} : memref<256xi32, #tpu.memory_space<vmem>>, vector<16xi32>,
    %get3A_53 = vector.shape_cast %get3A_52 : vector<16xi32> to vector<16xi32>
    %add3A_54 = arith.addi %mul3A_50, %get3A_53 : vector<16xi32>
    %swap3A_55 = arith.constant 48 : index
    %swap3A_56 = tpu.vector_load %arg6[%swap3A_55] {strides = array<i32>} : memref<256xi32, #tpu.memory_space<vmem>>, vector<16xi32>,
    %swap3A_57 = vector.shape_cast %swap3A_56 : vector<16xi32> to vector<16xi32>
    %swap3A_58 = vector.shape_cast %add3A_54 : vector<16xi32> to vector<16xi32>
    tpu.vector_store %arg6[%swap3A_55], %swap3A_58 {strides = array<i32>} : memref<256xi32, #tpu.memory_space<vmem>>, vector<16xi32>,
    %add3A_59 = arith.constant 64 : i32
    %add3A_60 = vector.broadcast %add3A_59 : i32 to vector<16xi32>
    %add3A_61 = arith.addi %add3A_60, %iota3A : vector<16xi32>
    %mul3A_62 = arith.constant 2 : i32
    %mul3A_63 = vector.broadcast %mul3A_62 : i32 to vector<16xi32>
    %mul3A_64 = arith.muli %mul3A_63, %add3A_61 : vector<16xi32>
    %get3A_65 = arith.constant 64 : index
    %get3A_66 = tpu.vector_load %arg5[%get3A_65] {strides = array<i32>} : memref<256xi32, #tpu.memory_space<vmem>>, vector<16xi32>,
    %get3A_67 = vector.shape_cast %get3A_66 : vector<16xi32> to vector<16xi32>
    %add3A_68 = arith.addi %mul3A_64, %get3A_67 : vector<16xi32>
    %swap3A_69 = arith.constant 64 : index
    %swap3A_70 = tpu.vector_load %arg6[%swap3A_69] {strides = array<i32>} : memref<256xi32, #tpu.memory_space<vmem>>, vector<16xi32>,
    %swap3A_71 = vector.shape_cast %swap3A_70 : vector<16xi32> to vector<16xi32>
    %swap3A_72 = vector.shape_cast %add3A_68 : vector<16xi32> to vector<16xi32>
    tpu.vector_store %arg6[%swap3A_69], %swap3A_72 {strides = array<i32>} : memref<256xi32, #tpu.memory_space<vmem>>, vector<16xi32>,
    %add3A_73 = arith.constant 80 : i32
    %add3A_74 = vector.broadcast %add3A_73 : i32 to vector<16xi32>
    %add3A_75 = arith.addi %add3A_74, %iota3A : vector<16xi32>
    %mul3A_76 = arith.constant 2 : i32
    %mul3A_77 = vector.broadcast %mul3A_76 : i32 to vector<16xi32>
    %mul3A_78 = arith.muli %mul3A_77, %add3A_75 : vector<16xi32>
    %get3A_79 = arith.constant 80 : index
    %get3A_80 = tpu.vector_load %arg5[%get3A_79] {strides = array<i32>} : memref<256xi32, #tpu.memory_space<vmem>>, vector<16xi32>,
    %get3A_81 = vector.shape_cast %get3A_80 : vector<16xi32> to vector<16xi32>
    %add3A_82 = arith.addi %mul3A_78, %get3A_81 : vector<16xi32>
    %swap3A_83 = arith.constant 80 : index
    %swap3A_84 = tpu.vector_load %arg6[%swap3A_83] {strides = array<i32>} : memref<256xi32, #tpu.memory_space<vmem>>, vector<16xi32>,
    %swap3A_85 = vector.shape_cast %swap3A_84 : vector<16xi32> to vector<16xi32>
    %swap3A_86 = vector.shape_cast %add3A_82 : vector<16xi32> to vector<16xi32>
    tpu.vector_store %arg6[%swap3A_83], %swap3A_86 {strides = array<i32>} : memref<256xi32, #tpu.memory_space<vmem>>, vector<16xi32>,
    %add3A_87 = arith.constant 96 : i32
    %add3A_88 = vector.broadcast %add3A_87 : i32 to vector<16xi32>
    %add3A_89 = arith.addi %add3A_88, %iota3A : vector<16xi32>
    %mul3A_90 = arith.constant 2 : i32
    %mul3A_91 = vector.broadcast %mul3A_90 : i32 to vector<16xi32>
    %mul3A_92 = arith.muli %mul3A_91, %add3A_89 : vector<16xi32>
    %get3A_93 = arith.constant 96 : index
    %get3A_94 = tpu.vector_load %arg5[%get3A_93] {strides = array<i32>} : memref<256xi32, #tpu.memory_space<vmem>>, vector<16xi32>,
    %get3A_95 = vector.shape_cast %get3A_94 : vector<16xi32> to vector<16xi32>
    %add3A_96 = arith.addi %mul3A_92, %get3A_95 : vector<16xi32>
    %swap3A_97 = arith.constant 96 : index
    %swap3A_98 = tpu.vector_load %arg6[%swap3A_97] {strides = array<i32>} : memref<256xi32, #tpu.memory_space<vmem>>, vector<16xi32>,
    %swap3A_99 = vector.shape_cast %swap3A_98 : vector<16xi32> to vector<16xi32>
    %swap3A_100 = vector.shape_cast %add3A_96 : vector<16xi32> to vector<16xi32>
    tpu.vector_store %arg6[%swap3A_97], %swap3A_100 {strides = array<i32>} : memref<256xi32, #tpu.memory_space<vmem>>, vector<16xi32>,
    %add3A_101 = arith.constant 112 : i32
    %add3A_102 = vector.broadcast %add3A_101 : i32 to vector<16xi32>
    %add3A_103 = arith.addi %add3A_102, %iota3A : vector<16xi32>
    %mul3A_104 = arith.constant 2 : i32
    %mul3A_105 = vector.broadcast %mul3A_104 : i32 to vector<16xi32>
    %mul3A_106 = arith.muli %mul3A_105, %add3A_103 : vector<16xi32>
    %get3A_107 = arith.constant 112 : index
    %get3A_108 = tpu.vector_load %arg5[%get3A_107] {strides = array<i32>} : memref<256xi32, #tpu.memory_space<vmem>>, vector<16xi32>,
    %get3A_109 = vector.shape_cast %get3A_108 : vector<16xi32> to vector<16xi32>
    %add3A_110 = arith.addi %mul3A_106, %get3A_109 : vector<16xi32>
    %swap3A_111 = arith.constant 112 : index
    %swap3A_112 = tpu.vector_load %arg6[%swap3A_111] {strides = array<i32>} : memref<256xi32, #tpu.memory_space<vmem>>, vector<16xi32>,
    %swap3A_113 = vector.shape_cast %swap3A_112 : vector<16xi32> to vector<16xi32>
    %swap3A_114 = vector.shape_cast %add3A_110 : vector<16xi32> to vector<16xi32>
    tpu.vector_store %arg6[%swap3A_111], %swap3A_114 {strides = array<i32>} : memref<256xi32, #tpu.memory_space<vmem>>, vector<16xi32>,
    %add3A_115 = arith.constant 128 : i32
    %add3A_116 = vector.broadcast %add3A_115 : i32 to vector<16xi32>
    %add3A_117 = arith.addi %add3A_116, %iota3A : vector<16xi32>
    %mul3A_118 = arith.constant 2 : i32
    %mul3A_119 = vector.broadcast %mul3A_118 : i32 to vector<16xi32>
    %mul3A_120 = arith.muli %mul3A_119, %add3A_117 : vector<16xi32>
    %get3A_121 = arith.constant 128 : index
    %get3A_122 = tpu.vector_load %arg5[%get3A_121] {strides = array<i32>} : memref<256xi32, #tpu.memory_space<vmem>>, vector<16xi32>,
    %get3A_123 = vector.shape_cast %get3A_122 : vector<16xi32> to vector<16xi32>
    %add3A_124 = arith.addi %mul3A_120, %get3A_123 : vector<16xi32>
    %swap3A_125 = arith.constant 128 : index
    %swap3A_126 = tpu.vector_load %arg6[%swap3A_125] {strides = array<i32>} : memref<256xi32, #tpu.memory_space<vmem>>, vector<16xi32>,
    %swap3A_127 = vector.shape_cast %swap3A_126 : vector<16xi32> to vector<16xi32>
    %swap3A_128 = vector.shape_cast %add3A_124 : vector<16xi32> to vector<16xi32>
    tpu.vector_store %arg6[%swap3A_125], %swap3A_128 {strides = array<i32>} : memref<256xi32, #tpu.memory_space<vmem>>, vector<16xi32>,
    %add3A_129 = arith.constant 144 : i32
    %add3A_130 = vector.broadcast %add3A_129 : i32 to vector<16xi32>
    %add3A_131 = arith.addi %add3A_130, %iota3A : vector<16xi32>
    %mul3A_132 = arith.constant 2 : i32
    %mul3A_133 = vector.broadcast %mul3A_132 : i32 to vector<16xi32>
    %mul3A_134 = arith.muli %mul3A_133, %add3A_131 : vector<16xi32>
    %get3A_135 = arith.constant 144 : index
    %get3A_136 = tpu.vector_load %arg5[%get3A_135] {strides = array<i32>} : memref<256xi32, #tpu.memory_space<vmem>>, vector<16xi32>,
    %get3A_137 = vector.shape_cast %get3A_136 : vector<16xi32> to vector<16xi32>
    %add3A_138 = arith.addi %mul3A_134, %get3A_137 : vector<16xi32>
    %swap3A_139 = arith.constant 144 : index
    %swap3A_140 = tpu.vector_load %arg6[%swap3A_139] {strides = array<i32>} : memref<256xi32, #tpu.memory_space<vmem>>, vector<16xi32>,
    %swap3A_141 = vector.shape_cast %swap3A_140 : vector<16xi32> to vector<16xi32>
    %swap3A_142 = vector.shape_cast %add3A_138 : vector<16xi32> to vector<16xi32>
    tpu.vector_store %arg6[%swap3A_139], %swap3A_142 {strides = array<i32>} : memref<256xi32, #tpu.memory_space<vmem>>, vector<16xi32>,
    %add3A_143 = arith.constant 160 : i32
    %add3A_144 = vector.broadcast %add3A_143 : i32 to vector<16xi32>
    %add3A_145 = arith.addi %add3A_144, %iota3A : vector<16xi32>
    %mul3A_146 = arith.constant 2 : i32
    %mul3A_147 = vector.broadcast %mul3A_146 : i32 to vector<16xi32>
    %mul3A_148 = arith.muli %mul3A_147, %add3A_145 : vector<16xi32>
    %get3A_149 = arith.constant 160 : index
    %get3A_150 = tpu.vector_load %arg5[%get3A_149] {strides = array<i32>} : memref<256xi32, #tpu.memory_space<vmem>>, vector<16xi32>,
    %get3A_151 = vector.shape_cast %get3A_150 : vector<16xi32> to vector<16xi32>
    %add3A_152 = arith.addi %mul3A_148, %get3A_151 : vector<16xi32>
    %swap3A_153 = arith.constant 160 : index
    %swap3A_154 = tpu.vector_load %arg6[%swap3A_153] {strides = array<i32>} : memref<256xi32, #tpu.memory_space<vmem>>, vector<16xi32>,
    %swap3A_155 = vector.shape_cast %swap3A_154 : vector<16xi32> to vector<16xi32>
    %swap3A_156 = vector.shape_cast %add3A_152 : vector<16xi32> to vector<16xi32>
    tpu.vector_store %arg6[%swap3A_153], %swap3A_156 {strides = array<i32>} : memref<256xi32, #tpu.memory_space<vmem>>, vector<16xi32>,
    %add3A_157 = arith.constant 176 : i32
    %add3A_158 = vector.broadcast %add3A_157 : i32 to vector<16xi32>
    %add3A_159 = arith.addi %add3A_158, %iota3A : vector<16xi32>
    %mul3A_160 = arith.constant 2 : i32
    %mul3A_161 = vector.broadcast %mul3A_160 : i32 to vector<16xi32>
    %mul3A_162 = arith.muli %mul3A_161, %add3A_159 : vector<16xi32>
    %get3A_163 = arith.constant 176 : index
    %get3A_164 = tpu.vector_load %arg5[%get3A_163] {strides = array<i32>} : memref<256xi32, #tpu.memory_space<vmem>>, vector<16xi32>,
    %get3A_165 = vector.shape_cast %get3A_164 : vector<16xi32> to vector<16xi32>
    %add3A_166 = arith.addi %mul3A_162, %get3A_165 : vector<16xi32>
    %swap3A_167 = arith.constant 176 : index
    %swap3A_168 = tpu.vector_load %arg6[%swap3A_167] {strides = array<i32>} : memref<256xi32, #tpu.memory_space<vmem>>, vector<16xi32>,
    %swap3A_169 = vector.shape_cast %swap3A_168 : vector<16xi32> to vector<16xi32>
    %swap3A_170 = vector.shape_cast %add3A_166 : vector<16xi32> to vector<16xi32>
    tpu.vector_store %arg6[%swap3A_167], %swap3A_170 {strides = array<i32>} : memref<256xi32, #tpu.memory_space<vmem>>, vector<16xi32>,
    %add3A_171 = arith.constant 192 : i32
    %add3A_172 = vector.broadcast %add3A_171 : i32 to vector<16xi32>
    %add3A_173 = arith.addi %add3A_172, %iota3A : vector<16xi32>
    %mul3A_174 = arith.constant 2 : i32
    %mul3A_175 = vector.broadcast %mul3A_174 : i32 to vector<16xi32>
    %mul3A_176 = arith.muli %mul3A_175, %add3A_173 : vector<16xi32>
    %get3A_177 = arith.constant 192 : index
    %get3A_178 = tpu.vector_load %arg5[%get3A_177] {strides = array<i32>} : memref<256xi32, #tpu.memory_space<vmem>>, vector<16xi32>,
    %get3A_179 = vector.shape_cast %get3A_178 : vector<16xi32> to vector<16xi32>
    %add3A_180 = arith.addi %mul3A_176, %get3A_179 : vector<16xi32>
    %swap3A_181 = arith.constant 192 : index
    %swap3A_182 = tpu.vector_load %arg6[%swap3A_181] {strides = array<i32>} : memref<256xi32, #tpu.memory_space<vmem>>, vector<16xi32>,
    %swap3A_183 = vector.shape_cast %swap3A_182 : vector<16xi32> to vector<16xi32>
    %swap3A_184 = vector.shape_cast %add3A_180 : vector<16xi32> to vector<16xi32>
    tpu.vector_store %arg6[%swap3A_181], %swap3A_184 {strides = array<i32>} : memref<256xi32, #tpu.memory_space<vmem>>, vector<16xi32>,
    %add3A_185 = arith.constant 208 : i32
    %add3A_186 = vector.broadcast %add3A_185 : i32 to vector<16xi32>
    %add3A_187 = arith.addi %add3A_186, %iota3A : vector<16xi32>
    %mul3A_188 = arith.constant 2 : i32
    %mul3A_189 = vector.broadcast %mul3A_188 : i32 to vector<16xi32>
    %mul3A_190 = arith.muli %mul3A_189, %add3A_187 : vector<16xi32>
    %get3A_191 = arith.constant 208 : index
    %get3A_192 = tpu.vector_load %arg5[%get3A_191] {strides = array<i32>} : memref<256xi32, #tpu.memory_space<vmem>>, vector<16xi32>,
    %get3A_193 = vector.shape_cast %get3A_192 : vector<16xi32> to vector<16xi32>
    %add3A_194 = arith.addi %mul3A_190, %get3A_193 : vector<16xi32>
    %swap3A_195 = arith.constant 208 : index
    %swap3A_196 = tpu.vector_load %arg6[%swap3A_195] {strides = array<i32>} : memref<256xi32, #tpu.memory_space<vmem>>, vector<16xi32>,
    %swap3A_197 = vector.shape_cast %swap3A_196 : vector<16xi32> to vector<16xi32>
    %swap3A_198 = vector.shape_cast %add3A_194 : vector<16xi32> to vector<16xi32>
    tpu.vector_store %arg6[%swap3A_195], %swap3A_198 {strides = array<i32>} : memref<256xi32, #tpu.memory_space<vmem>>, vector<16xi32>,
    %add3A_199 = arith.constant 224 : i32
    %add3A_200 = vector.broadcast %add3A_199 : i32 to vector<16xi32>
    %add3A_201 = arith.addi %add3A_200, %iota3A : vector<16xi32>
    %mul3A_202 = arith.constant 2 : i32
    %mul3A_203 = vector.broadcast %mul3A_202 : i32 to vector<16xi32>
    %mul3A_204 = arith.muli %mul3A_203, %add3A_201 : vector<16xi32>
    %get3A_205 = arith.constant 224 : index
    %get3A_206 = tpu.vector_load %arg5[%get3A_205] {strides = array<i32>} : memref<256xi32, #tpu.memory_space<vmem>>, vector<16xi32>,
    %get3A_207 = vector.shape_cast %get3A_206 : vector<16xi32> to vector<16xi32>
    %add3A_208 = arith.addi %mul3A_204, %get3A_207 : vector<16xi32>
    %swap3A_209 = arith.constant 224 : index
    %swap3A_210 = tpu.vector_load %arg6[%swap3A_209] {strides = array<i32>} : memref<256xi32, #tpu.memory_space<vmem>>, vector<16xi32>,
    %swap3A_211 = vector.shape_cast %swap3A_210 : vector<16xi32> to vector<16xi32>
    %swap3A_212 = vector.shape_cast %add3A_208 : vector<16xi32> to vector<16xi32>
    tpu.vector_store %arg6[%swap3A_209], %swap3A_212 {strides = array<i32>} : memref<256xi32, #tpu.memory_space<vmem>>, vector<16xi32>,
    %add3A_213 = arith.constant 240 : i32
    %add3A_214 = vector.broadcast %add3A_213 : i32 to vector<16xi32>
    %add3A_215 = arith.addi %add3A_214, %iota3A : vector<16xi32>
    %mul3A_216 = arith.constant 2 : i32
    %mul3A_217 = vector.broadcast %mul3A_216 : i32 to vector<16xi32>
    %mul3A_218 = arith.muli %mul3A_217, %add3A_215 : vector<16xi32>
    %get3A_219 = arith.constant 240 : index
    %get3A_220 = tpu.vector_load %arg5[%get3A_219] {strides = array<i32>} : memref<256xi32, #tpu.memory_space<vmem>>, vector<16xi32>,
    %get3A_221 = vector.shape_cast %get3A_220 : vector<16xi32> to vector<16xi32>
    %add3A_222 = arith.addi %mul3A_218, %get3A_221 : vector<16xi32>
    %swap3A_223 = arith.constant 240 : index
    %swap3A_224 = tpu.vector_load %arg6[%swap3A_223] {strides = array<i32>} : memref<256xi32, #tpu.memory_space<vmem>>, vector<16xi32>,
    %swap3A_225 = vector.shape_cast %swap3A_224 : vector<16xi32> to vector<16xi32>
    %swap3A_226 = vector.shape_cast %add3A_222 : vector<16xi32> to vector<16xi32>
    tpu.vector_store %arg6[%swap3A_223], %swap3A_226 {strides = array<i32>} : memref<256xi32, #tpu.memory_space<vmem>>, vector<16xi32>,
    %dma_start3A = arith.constant 0 : i32
    %dma_start3A_227 = arith.constant 0 : i32
    %dma_start3A_228 = tpu.memref_slice %arg3[%dma_start3A, %dma_start3A_227] : memref<512x256xf32, #tpu.memory_space<hbm>> -> memref<512x256xf32, #tpu.memory_space<hbm>>
    tpu.enqueue_indirect_dma source(%dma_start3A_228 : memref<512x256xf32, #tpu.memory_space<hbm>>) target(%arg7 : memref<256x256xf32, #tpu.memory_space<vmem>>) offsets(%arg6 : memref<256xi32, #tpu.memory_space<vmem>>) semaphore(%arg9 : memref<!tpu.dma_semaphore, #tpu.memory_space<semaphore_mem>>)
    %dma_wait3A = arith.constant 0 : i32
    %dma_wait3A_229 = arith.constant 0 : i32
    %dma_wait3A_230 = tpu.memref_slice %arg3[%dma_wait3A, %dma_wait3A_229] : memref<512x256xf32, #tpu.memory_space<hbm>> -> memref<512x256xf32, #tpu.memory_space<hbm>>
    tpu.wait_indirect_dma semaphore(%arg9 : memref<!tpu.dma_semaphore, #tpu.memory_space<semaphore_mem>>) src(%dma_wait3A_230 : memref<512x256xf32, #tpu.memory_space<hbm>>) dst(%arg7 : memref<256x256xf32, #tpu.memory_space<vmem>>)
    %broadcast_in_dim3A = arith.constant 0.000000e+00 : f32
    %broadcast_in_dim3A_231 = vector.broadcast %broadcast_in_dim3A : f32 to vector<16xf32>
    %broadcast_in_dim3A_232 = arith.constant 0.000000e+00 : f32
    %broadcast_in_dim3A_233 = vector.broadcast %broadcast_in_dim3A_232 : f32 to vector<16xf32>
    %broadcast_in_dim3A_234 = arith.constant 0.000000e+00 : f32
    %broadcast_in_dim3A_235 = vector.broadcast %broadcast_in_dim3A_234 : f32 to vector<16xf32>
    %broadcast_in_dim3A_236 = arith.constant 0.000000e+00 : f32
    %broadcast_in_dim3A_237 = vector.broadcast %broadcast_in_dim3A_236 : f32 to vector<16xf32>
    %broadcast_in_dim3A_238 = arith.constant 0.000000e+00 : f32
    %broadcast_in_dim3A_239 = vector.broadcast %broadcast_in_dim3A_238 : f32 to vector<16xf32>
    %broadcast_in_dim3A_240 = arith.constant 0.000000e+00 : f32
    %broadcast_in_dim3A_241 = vector.broadcast %broadcast_in_dim3A_240 : f32 to vector<16xf32>
    %broadcast_in_dim3A_242 = arith.constant 0.000000e+00 : f32
    %broadcast_in_dim3A_243 = vector.broadcast %broadcast_in_dim3A_242 : f32 to vector<16xf32>
    %broadcast_in_dim3A_244 = arith.constant 0.000000e+00 : f32
    %broadcast_in_dim3A_245 = vector.broadcast %broadcast_in_dim3A_244 : f32 to vector<16xf32>
    %broadcast_in_dim3A_246 = arith.constant 0.000000e+00 : f32
    %broadcast_in_dim3A_247 = vector.broadcast %broadcast_in_dim3A_246 : f32 to vector<16xf32>
    %broadcast_in_dim3A_248 = arith.constant 0.000000e+00 : f32
    %broadcast_in_dim3A_249 = vector.broadcast %broadcast_in_dim3A_248 : f32 to vector<16xf32>
    %broadcast_in_dim3A_250 = arith.constant 0.000000e+00 : f32
    %broadcast_in_dim3A_251 = vector.broadcast %broadcast_in_dim3A_250 : f32 to vector<16xf32>
    %broadcast_in_dim3A_252 = arith.constant 0.000000e+00 : f32
    %broadcast_in_dim3A_253 = vector.broadcast %broadcast_in_dim3A_252 : f32 to vector<16xf32>
    %broadcast_in_dim3A_254 = arith.constant 0.000000e+00 : f32
    %broadcast_in_dim3A_255 = vector.broadcast %broadcast_in_dim3A_254 : f32 to vector<16xf32>
    %broadcast_in_dim3A_256 = arith.constant 0.000000e+00 : f32
    %broadcast_in_dim3A_257 = vector.broadcast %broadcast_in_dim3A_256 : f32 to vector<16xf32>
    %broadcast_in_dim3A_258 = arith.constant 0.000000e+00 : f32
    %broadcast_in_dim3A_259 = vector.broadcast %broadcast_in_dim3A_258 : f32 to vector<16xf32>
    %broadcast_in_dim3A_260 = arith.constant 0.000000e+00 : f32
    %broadcast_in_dim3A_261 = vector.broadcast %broadcast_in_dim3A_260 : f32 to vector<16xf32>
    %scan3A = arith.constant 0 : i32
    %scan3A_262 = arith.constant 256 : i32
    %scan3A_263 = arith.addi %scan3A, %scan3A_262 : i32
    %scan3A_264 = arith.constant 1 : i32
    %scan3A_265:16 = scf.for %scan3A_1339 = %scan3A to %scan3A_263 step %scan3A_264 iter_args(%scan3A_1340 = %broadcast_in_dim3A_231, %scan3A_1341 = %broadcast_in_dim3A_233, %scan3A_1342 = %broadcast_in_dim3A_235, %scan3A_1343 = %broadcast_in_dim3A_237, %scan3A_1344 = %broadcast_in_dim3A_239, %scan3A_1345 = %broadcast_in_dim3A_241, %scan3A_1346 = %broadcast_in_dim3A_243, %scan3A_1347 = %broadcast_in_dim3A_245, %scan3A_1348 = %broadcast_in_dim3A_247, %scan3A_1349 = %broadcast_in_dim3A_249, %scan3A_1350 = %broadcast_in_dim3A_251, %scan3A_1351 = %broadcast_in_dim3A_253, %scan3A_1352 = %broadcast_in_dim3A_255, %scan3A_1353 = %broadcast_in_dim3A_257, %scan3A_1354 = %broadcast_in_dim3A_259, %scan3A_1355 = %broadcast_in_dim3A_261) -> (vector<16xf32>, vector<16xf32>, vector<16xf32>, vector<16xf32>, vector<16xf32>, vector<16xf32>, vector<16xf32>, vector<16xf32>, vector<16xf32>, vector<16xf32>, vector<16xf32>, vector<16xf32>, vector<16xf32>, vector<16xf32>, vector<16xf32>, vector<16xf32>)  : i32 {
      %get3A_1356 = arith.index_cast %scan3A_1339 : i32 to index
      %get3A_1357 = arith.constant 0 : index
      %get3A_1358 = tpu.vector_load %arg7[%get3A_1356, %get3A_1357] {strides = array<i32>} : memref<256x256xf32, #tpu.memory_space<vmem>>, vector<1x16xf32>,
      %get3A_1359 = vector.shape_cast %get3A_1358 : vector<1x16xf32> to vector<16xf32>
      %add3A_1360 = arith.addf %scan3A_1340, %get3A_1359 : vector<16xf32>
      %get3A_1361 = arith.index_cast %scan3A_1339 : i32 to index
      %get3A_1362 = arith.constant 16 : index
      %get3A_1363 = tpu.vector_load %arg7[%get3A_1361, %get3A_1362] {strides = array<i32>} : memref<256x256xf32, #tpu.memory_space<vmem>>, vector<1x16xf32>,
      %get3A_1364 = vector.shape_cast %get3A_1363 : vector<1x16xf32> to vector<16xf32>
      %add3A_1365 = arith.addf %scan3A_1341, %get3A_1364 : vector<16xf32>
      %get3A_1366 = arith.index_cast %scan3A_1339 : i32 to index
      %get3A_1367 = arith.constant 32 : index
      %get3A_1368 = tpu.vector_load %arg7[%get3A_1366, %get3A_1367] {strides = array<i32>} : memref<256x256xf32, #tpu.memory_space<vmem>>, vector<1x16xf32>,
      %get3A_1369 = vector.shape_cast %get3A_1368 : vector<1x16xf32> to vector<16xf32>
      %add3A_1370 = arith.addf %scan3A_1342, %get3A_1369 : vector<16xf32>
      %get3A_1371 = arith.index_cast %scan3A_1339 : i32 to index
      %get3A_1372 = arith.constant 48 : index
      %get3A_1373 = tpu.vector_load %arg7[%get3A_1371, %get3A_1372] {strides = array<i32>} : memref<256x256xf32, #tpu.memory_space<vmem>>, vector<1x16xf32>,
      %get3A_1374 = vector.shape_cast %get3A_1373 : vector<1x16xf32> to vector<16xf32>
      %add3A_1375 = arith.addf %scan3A_1343, %get3A_1374 : vector<16xf32>
      %get3A_1376 = arith.index_cast %scan3A_1339 : i32 to index
      %get3A_1377 = arith.constant 64 : index
      %get3A_1378 = tpu.vector_load %arg7[%get3A_1376, %get3A_1377] {strides = array<i32>} : memref<256x256xf32, #tpu.memory_space<vmem>>, vector<1x16xf32>,
      %get3A_1379 = vector.shape_cast %get3A_1378 : vector<1x16xf32> to vector<16xf32>
      %add3A_1380 = arith.addf %scan3A_1344, %get3A_1379 : vector<16xf32>
      %get3A_1381 = arith.index_cast %scan3A_1339 : i32 to index
      %get3A_1382 = arith.constant 80 : index
      %get3A_1383 = tpu.vector_load %arg7[%get3A_1381, %get3A_1382] {strides = array<i32>} : memref<256x256xf32, #tpu.memory_space<vmem>>, vector<1x16xf32>,
      %get3A_1384 = vector.shape_cast %get3A_1383 : vector<1x16xf32> to vector<16xf32>
      %add3A_1385 = arith.addf %scan3A_1345, %get3A_1384 : vector<16xf32>
      %get3A_1386 = arith.index_cast %scan3A_1339 : i32 to index
      %get3A_1387 = arith.constant 96 : index
      %get3A_1388 = tpu.vector_load %arg7[%get3A_1386, %get3A_1387] {strides = array<i32>} : memref<256x256xf32, #tpu.memory_space<vmem>>, vector<1x16xf32>,
      %get3A_1389 = vector.shape_cast %get3A_1388 : vector<1x16xf32> to vector<16xf32>
      %add3A_1390 = arith.addf %scan3A_1346, %get3A_1389 : vector<16xf32>
      %get3A_1391 = arith.index_cast %scan3A_1339 : i32 to index
      %get3A_1392 = arith.constant 112 : index
      %get3A_1393 = tpu.vector_load %arg7[%get3A_1391, %get3A_1392] {strides = array<i32>} : memref<256x256xf32, #tpu.memory_space<vmem>>, vector<1x16xf32>,
      %get3A_1394 = vector.shape_cast %get3A_1393 : vector<1x16xf32> to vector<16xf32>
      %add3A_1395 = arith.addf %scan3A_1347, %get3A_1394 : vector<16xf32>
      %get3A_1396 = arith.index_cast %scan3A_1339 : i32 to index
      %get3A_1397 = arith.constant 128 : index
      %get3A_1398 = tpu.vector_load %arg7[%get3A_1396, %get3A_1397] {strides = array<i32>} : memref<256x256xf32, #tpu.memory_space<vmem>>, vector<1x16xf32>,
      %get3A_1399 = vector.shape_cast %get3A_1398 : vector<1x16xf32> to vector<16xf32>
      %add3A_1400 = arith.addf %scan3A_1348, %get3A_1399 : vector<16xf32>
      %get3A_1401 = arith.index_cast %scan3A_1339 : i32 to index
      %get3A_1402 = arith.constant 144 : index
      %get3A_1403 = tpu.vector_load %arg7[%get3A_1401, %get3A_1402] {strides = array<i32>} : memref<256x256xf32, #tpu.memory_space<vmem>>, vector<1x16xf32>,
      %get3A_1404 = vector.shape_cast %get3A_1403 : vector<1x16xf32> to vector<16xf32>
      %add3A_1405 = arith.addf %scan3A_1349, %get3A_1404 : vector<16xf32>
      %get3A_1406 = arith.index_cast %scan3A_1339 : i32 to index
      %get3A_1407 = arith.constant 160 : index
      %get3A_1408 = tpu.vector_load %arg7[%get3A_1406, %get3A_1407] {strides = array<i32>} : memref<256x256xf32, #tpu.memory_space<vmem>>, vector<1x16xf32>,
      %get3A_1409 = vector.shape_cast %get3A_1408 : vector<1x16xf32> to vector<16xf32>
      %add3A_1410 = arith.addf %scan3A_1350, %get3A_1409 : vector<16xf32>
      %get3A_1411 = arith.index_cast %scan3A_1339 : i32 to index
      %get3A_1412 = arith.constant 176 : index
      %get3A_1413 = tpu.vector_load %arg7[%get3A_1411, %get3A_1412] {strides = array<i32>} : memref<256x256xf32, #tpu.memory_space<vmem>>, vector<1x16xf32>,
      %get3A_1414 = vector.shape_cast %get3A_1413 : vector<1x16xf32> to vector<16xf32>
      %add3A_1415 = arith.addf %scan3A_1351, %get3A_1414 : vector<16xf32>
      %get3A_1416 = arith.index_cast %scan3A_1339 : i32 to index
      %get3A_1417 = arith.constant 192 : index
      %get3A_1418 = tpu.vector_load %arg7[%get3A_1416, %get3A_1417] {strides = array<i32>} : memref<256x256xf32, #tpu.memory_space<vmem>>, vector<1x16xf32>,
      %get3A_1419 = vector.shape_cast %get3A_1418 : vector<1x16xf32> to vector<16xf32>
      %add3A_1420 = arith.addf %scan3A_1352, %get3A_1419 : vector<16xf32>
      %get3A_1421 = arith.index_cast %scan3A_1339 : i32 to index
      %get3A_1422 = arith.constant 208 : index
      %get3A_1423 = tpu.vector_load %arg7[%get3A_1421, %get3A_1422] {strides = array<i32>} : memref<256x256xf32, #tpu.memory_space<vmem>>, vector<1x16xf32>,
      %get3A_1424 = vector.shape_cast %get3A_1423 : vector<1x16xf32> to vector<16xf32>
      %add3A_1425 = arith.addf %scan3A_1353, %get3A_1424 : vector<16xf32>
      %get3A_1426 = arith.index_cast %scan3A_1339 : i32 to index
      %get3A_1427 = arith.constant 224 : index
      %get3A_1428 = tpu.vector_load %arg7[%get3A_1426, %get3A_1427] {strides = array<i32>} : memref<256x256xf32, #tpu.memory_space<vmem>>, vector<1x16xf32>,
      %get3A_1429 = vector.shape_cast %get3A_1428 : vector<1x16xf32> to vector<16xf32>
      %add3A_1430 = arith.addf %scan3A_1354, %get3A_1429 : vector<16xf32>
      %get3A_1431 = arith.index_cast %scan3A_1339 : i32 to index
      %get3A_1432 = arith.constant 240 : index
      %get3A_1433 = tpu.vector_load %arg7[%get3A_1431, %get3A_1432] {strides = array<i32>} : memref<256x256xf32, #tpu.memory_space<vmem>>, vector<1x16xf32>,
      %get3A_1434 = vector.shape_cast %get3A_1433 : vector<1x16xf32> to vector<16xf32>
      %add3A_1435 = arith.addf %scan3A_1355, %get3A_1434 : vector<16xf32>
      scf.yield %add3A_1360, %add3A_1365, %add3A_1370, %add3A_1375, %add3A_1380, %add3A_1385, %add3A_1390, %add3A_1395, %add3A_1400, %add3A_1405, %add3A_1410, %add3A_1415, %add3A_1420, %add3A_1425, %add3A_1430, %add3A_1435 : vector<16xf32>, vector<16xf32>, vector<16xf32>, vector<16xf32>, vector<16xf32>, vector<16xf32>, vector<16xf32>, vector<16xf32>, vector<16xf32>, vector<16xf32>, vector<16xf32>, vector<16xf32>, vector<16xf32>, vector<16xf32>, vector<16xf32>, vector<16xf32>
    }
    %scan3A_266 = arith.constant 256 : i32
    %swap3A_267 = arith.constant 0 : index
    %swap3A_268 = tpu.vector_load %arg8[%swap3A_267] {strides = array<i32>} : memref<256xf32, #tpu.memory_space<vmem>>, vector<16xf32>,
    %swap3A_269 = vector.shape_cast %swap3A_268 : vector<16xf32> to vector<16xf32>
    %swap3A_270 = vector.shape_cast %scan3A_265#0 : vector<16xf32> to vector<16xf32>
    tpu.vector_store %arg8[%swap3A_267], %swap3A_270 {strides = array<i32>} : memref<256xf32, #tpu.memory_space<vmem>>, vector<16xf32>,
    %swap3A_271 = arith.constant 16 : index
    %swap3A_272 = tpu.vector_load %arg8[%swap3A_271] {strides = array<i32>} : memref<256xf32, #tpu.memory_space<vmem>>, vector<16xf32>,
    %swap3A_273 = vector.shape_cast %swap3A_272 : vector<16xf32> to vector<16xf32>
    %swap3A_274 = vector.shape_cast %scan3A_265#1 : vector<16xf32> to vector<16xf32>
    tpu.vector_store %arg8[%swap3A_271], %swap3A_274 {strides = array<i32>} : memref<256xf32, #tpu.memory_space<vmem>>, vector<16xf32>,
    %swap3A_275 = arith.constant 32 : index
    %swap3A_276 = tpu.vector_load %arg8[%swap3A_275] {strides = array<i32>} : memref<256xf32, #tpu.memory_space<vmem>>, vector<16xf32>,
    %swap3A_277 = vector.shape_cast %swap3A_276 : vector<16xf32> to vector<16xf32>
    %swap3A_278 = vector.shape_cast %scan3A_265#2 : vector<16xf32> to vector<16xf32>
    tpu.vector_store %arg8[%swap3A_275], %swap3A_278 {strides = array<i32>} : memref<256xf32, #tpu.memory_space<vmem>>, vector<16xf32>,
    %swap3A_279 = arith.constant 48 : index
    %swap3A_280 = tpu.vector_load %arg8[%swap3A_279] {strides = array<i32>} : memref<256xf32, #tpu.memory_space<vmem>>, vector<16xf32>,
    %swap3A_281 = vector.shape_cast %swap3A_280 : vector<16xf32> to vector<16xf32>
    %swap3A_282 = vector.shape_cast %scan3A_265#3 : vector<16xf32> to vector<16xf32>
    tpu.vector_store %arg8[%swap3A_279], %swap3A_282 {strides = array<i32>} : memref<256xf32, #tpu.memory_space<vmem>>, vector<16xf32>,
    %swap3A_283 = arith.constant 64 : index
    %swap3A_284 = tpu.vector_load %arg8[%swap3A_283] {strides = array<i32>} : memref<256xf32, #tpu.memory_space<vmem>>, vector<16xf32>,
    %swap3A_285 = vector.shape_cast %swap3A_284 : vector<16xf32> to vector<16xf32>
    %swap3A_286 = vector.shape_cast %scan3A_265#4 : vector<16xf32> to vector<16xf32>
    tpu.vector_store %arg8[%swap3A_283], %swap3A_286 {strides = array<i32>} : memref<256xf32, #tpu.memory_space<vmem>>, vector<16xf32>,
    %swap3A_287 = arith.constant 80 : index
    %swap3A_288 = tpu.vector_load %arg8[%swap3A_287] {strides = array<i32>} : memref<256xf32, #tpu.memory_space<vmem>>, vector<16xf32>,
    %swap3A_289 = vector.shape_cast %swap3A_288 : vector<16xf32> to vector<16xf32>
    %swap3A_290 = vector.shape_cast %scan3A_265#5 : vector<16xf32> to vector<16xf32>
    tpu.vector_store %arg8[%swap3A_287], %swap3A_290 {strides = array<i32>} : memref<256xf32, #tpu.memory_space<vmem>>, vector<16xf32>,
    %swap3A_291 = arith.constant 96 : index
    %swap3A_292 = tpu.vector_load %arg8[%swap3A_291] {strides = array<i32>} : memref<256xf32, #tpu.memory_space<vmem>>, vector<16xf32>,
    %swap3A_293 = vector.shape_cast %swap3A_292 : vector<16xf32> to vector<16xf32>
    %swap3A_294 = vector.shape_cast %scan3A_265#6 : vector<16xf32> to vector<16xf32>
    tpu.vector_store %arg8[%swap3A_291], %swap3A_294 {strides = array<i32>} : memref<256xf32, #tpu.memory_space<vmem>>, vector<16xf32>,
    %swap3A_295 = arith.constant 112 : index
    %swap3A_296 = tpu.vector_load %arg8[%swap3A_295] {strides = array<i32>} : memref<256xf32, #tpu.memory_space<vmem>>, vector<16xf32>,
    %swap3A_297 = vector.shape_cast %swap3A_296 : vector<16xf32> to vector<16xf32>
    %swap3A_298 = vector.shape_cast %scan3A_265#7 : vector<16xf32> to vector<16xf32>
    tpu.vector_store %arg8[%swap3A_295], %swap3A_298 {strides = array<i32>} : memref<256xf32, #tpu.memory_space<vmem>>, vector<16xf32>,
    %swap3A_299 = arith.constant 128 : index
    %swap3A_300 = tpu.vector_load %arg8[%swap3A_299] {strides = array<i32>} : memref<256xf32, #tpu.memory_space<vmem>>, vector<16xf32>,
    %swap3A_301 = vector.shape_cast %swap3A_300 : vector<16xf32> to vector<16xf32>
    %swap3A_302 = vector.shape_cast %scan3A_265#8 : vector<16xf32> to vector<16xf32>
    tpu.vector_store %arg8[%swap3A_299], %swap3A_302 {strides = array<i32>} : memref<256xf32, #tpu.memory_space<vmem>>, vector<16xf32>,
    %swap3A_303 = arith.constant 144 : index
    %swap3A_304 = tpu.vector_load %arg8[%swap3A_303] {strides = array<i32>} : memref<256xf32, #tpu.memory_space<vmem>>, vector<16xf32>,
    %swap3A_305 = vector.shape_cast %swap3A_304 : vector<16xf32> to vector<16xf32>
    %swap3A_306 = vector.shape_cast %scan3A_265#9 : vector<16xf32> to vector<16xf32>
    tpu.vector_store %arg8[%swap3A_303], %swap3A_306 {strides = array<i32>} : memref<256xf32, #tpu.memory_space<vmem>>, vector<16xf32>,
    %swap3A_307 = arith.constant 160 : index
    %swap3A_308 = tpu.vector_load %arg8[%swap3A_307] {strides = array<i32>} : memref<256xf32, #tpu.memory_space<vmem>>, vector<16xf32>,
    %swap3A_309 = vector.shape_cast %swap3A_308 : vector<16xf32> to vector<16xf32>
    %swap3A_310 = vector.shape_cast %scan3A_265#10 : vector<16xf32> to vector<16xf32>
    tpu.vector_store %arg8[%swap3A_307], %swap3A_310 {strides = array<i32>} : memref<256xf32, #tpu.memory_space<vmem>>, vector<16xf32>,
    %swap3A_311 = arith.constant 176 : index
    %swap3A_312 = tpu.vector_load %arg8[%swap3A_311] {strides = array<i32>} : memref<256xf32, #tpu.memory_space<vmem>>, vector<16xf32>,
    %swap3A_313 = vector.shape_cast %swap3A_312 : vector<16xf32> to vector<16xf32>
    %swap3A_314 = vector.shape_cast %scan3A_265#11 : vector<16xf32> to vector<16xf32>
    tpu.vector_store %arg8[%swap3A_311], %swap3A_314 {strides = array<i32>} : memref<256xf32, #tpu.memory_space<vmem>>, vector<16xf32>,
    %swap3A_315 = arith.constant 192 : index
    %swap3A_316 = tpu.vector_load %arg8[%swap3A_315] {strides = array<i32>} : memref<256xf32, #tpu.memory_space<vmem>>, vector<16xf32>,
    %swap3A_317 = vector.shape_cast %swap3A_316 : vector<16xf32> to vector<16xf32>
    %swap3A_318 = vector.shape_cast %scan3A_265#12 : vector<16xf32> to vector<16xf32>
    tpu.vector_store %arg8[%swap3A_315], %swap3A_318 {strides = array<i32>} : memref<256xf32, #tpu.memory_space<vmem>>, vector<16xf32>,
    %swap3A_319 = arith.constant 208 : index
    %swap3A_320 = tpu.vector_load %arg8[%swap3A_319] {strides = array<i32>} : memref<256xf32, #tpu.memory_space<vmem>>, vector<16xf32>,
    %swap3A_321 = vector.shape_cast %swap3A_320 : vector<16xf32> to vector<16xf32>
    %swap3A_322 = vector.shape_cast %scan3A_265#13 : vector<16xf32> to vector<16xf32>
    tpu.vector_store %arg8[%swap3A_319], %swap3A_322 {strides = array<i32>} : memref<256xf32, #tpu.memory_space<vmem>>, vector<16xf32>,
    %swap3A_323 = arith.constant 224 : index
    %swap3A_324 = tpu.vector_load %arg8[%swap3A_323] {strides = array<i32>} : memref<256xf32, #tpu.memory_space<vmem>>, vector<16xf32>,
    %swap3A_325 = vector.shape_cast %swap3A_324 : vector<16xf32> to vector<16xf32>
    %swap3A_326 = vector.shape_cast %scan3A_265#14 : vector<16xf32> to vector<16xf32>
    tpu.vector_store %arg8[%swap3A_323], %swap3A_326 {strides = array<i32>} : memref<256xf32, #tpu.memory_space<vmem>>, vector<16xf32>,
    %swap3A_327 = arith.constant 240 : index
    %swap3A_328 = tpu.vector_load %arg8[%swap3A_327] {strides = array<i32>} : memref<256xf32, #tpu.memory_space<vmem>>, vector<16xf32>,
    %swap3A_329 = vector.shape_cast %swap3A_328 : vector<16xf32> to vector<16xf32>
    %swap3A_330 = vector.shape_cast %scan3A_265#15 : vector<16xf32> to vector<16xf32>
    tpu.vector_store %arg8[%swap3A_327], %swap3A_330 {strides = array<i32>} : memref<256xf32, #tpu.memory_space<vmem>>, vector<16xf32>,
    "tpu.region"() ({
      %run_scoped3A = tpu.sem_alloc : memref<!tpu.dma_semaphore, #tpu.memory_space<semaphore_mem>>
      %dma_start3A_1339 = arith.constant 0 : i32
      %dma_start3A_1340 = tpu.memref_slice %arg4[%add3A_4, %dma_start3A_1339] : memref<128x256xf32, #tpu.memory_space<hbm>> -> memref<1x256xf32, #tpu.memory_space<hbm>>
      %dma_start3A_1341 = tpu.memref_squeeze %dma_start3A_1340 : memref<1x256xf32, #tpu.memory_space<hbm>> -> memref<256xf32, #tpu.memory_space<hbm>>
      %dma_start3A_1342 = arith.constant 0 : i32
      %dma_start3A_1343 = tpu.memref_slice %arg4[%add3A_4, %dma_start3A_1342] : memref<128x256xf32, #tpu.memory_space<hbm>> -> memref<1x256xf32, #tpu.memory_space<hbm>>
      %dma_start3A_1344 = tpu.memref_squeeze %dma_start3A_1343 : memref<1x256xf32, #tpu.memory_space<hbm>> -> memref<256xf32, #tpu.memory_space<hbm>>
      tpu.enqueue_dma source(%arg8 : memref<256xf32, #tpu.memory_space<vmem>>) target(%dma_start3A_1344 : memref<256xf32, #tpu.memory_space<hbm>>) target_semaphore(%run_scoped3A : memref<!tpu.dma_semaphore, #tpu.memory_space<semaphore_mem>>)
      %dma_wait3A_1345 = arith.constant 0 : i32
      %dma_wait3A_1346 = tpu.memref_slice %arg4[%add3A_4, %dma_wait3A_1345] : memref<128x256xf32, #tpu.memory_space<hbm>> -> memref<1x256xf32, #tpu.memory_space<hbm>>
      %dma_wait3A_1347 = tpu.memref_squeeze %dma_wait3A_1346 : memref<1x256xf32, #tpu.memory_space<hbm>> -> memref<256xf32, #tpu.memory_space<hbm>>
      %dma_wait3A_1348 = arith.constant 0 : i32
      %dma_wait3A_1349 = tpu.memref_slice %arg4[%add3A_4, %dma_wait3A_1348] : memref<128x256xf32, #tpu.memory_space<hbm>> -> memref<1x256xf32, #tpu.memory_space<hbm>>
      %dma_wait3A_1350 = tpu.memref_squeeze %dma_wait3A_1349 : memref<1x256xf32, #tpu.memory_space<hbm>> -> memref<256xf32, #tpu.memory_space<hbm>>
      tpu.wait_dma2 semaphore(%run_scoped3A : memref<!tpu.dma_semaphore, #tpu.memory_space<semaphore_mem>>) src(%arg8 : memref<256xf32, #tpu.memory_space<vmem>>) dst(%dma_wait3A_1350 : memref<256xf32, #tpu.memory_space<hbm>>)
      tpu.yield
    }) : () -> ()
    %mul3A_331 = arith.constant 4 : i32
    %mul3A_332 = arith.muli %add3A, %mul3A_331 : i32
    %add3A_333 = arith.constant 1 : i32
    %add3A_334 = arith.addi %mul3A_332, %add3A_333 : i32
    "tpu.region"() ({
      %run_scoped3A = tpu.sem_alloc : memref<!tpu.dma_semaphore, #tpu.memory_space<semaphore_mem>>
      %dma_start3A_1339 = arith.constant 0 : i32
      %dma_start3A_1340 = tpu.memref_slice %arg2[%add3A_334, %dma_start3A_1339] : memref<128x256xi32, #tpu.memory_space<hbm>> -> memref<1x256xi32, #tpu.memory_space<hbm>>
      %dma_start3A_1341 = tpu.memref_squeeze %dma_start3A_1340 : memref<1x256xi32, #tpu.memory_space<hbm>> -> memref<256xi32, #tpu.memory_space<hbm>>
      %dma_start3A_1342 = arith.constant 0 : i32
      %dma_start3A_1343 = tpu.memref_slice %arg2[%add3A_334, %dma_start3A_1342] : memref<128x256xi32, #tpu.memory_space<hbm>> -> memref<1x256xi32, #tpu.memory_space<hbm>>
      %dma_start3A_1344 = tpu.memref_squeeze %dma_start3A_1343 : memref<1x256xi32, #tpu.memory_space<hbm>> -> memref<256xi32, #tpu.memory_space<hbm>>
      tpu.enqueue_dma source(%dma_start3A_1344 : memref<256xi32, #tpu.memory_space<hbm>>) target(%arg5 : memref<256xi32, #tpu.memory_space<vmem>>) target_semaphore(%run_scoped3A : memref<!tpu.dma_semaphore, #tpu.memory_space<semaphore_mem>>)
      %dma_wait3A_1345 = arith.constant 0 : i32
      %dma_wait3A_1346 = tpu.memref_slice %arg2[%add3A_334, %dma_wait3A_1345] : memref<128x256xi32, #tpu.memory_space<hbm>> -> memref<1x256xi32, #tpu.memory_space<hbm>>
      %dma_wait3A_1347 = tpu.memref_squeeze %dma_wait3A_1346 : memref<1x256xi32, #tpu.memory_space<hbm>> -> memref<256xi32, #tpu.memory_space<hbm>>
      %dma_wait3A_1348 = arith.constant 0 : i32
      %dma_wait3A_1349 = tpu.memref_slice %arg2[%add3A_334, %dma_wait3A_1348] : memref<128x256xi32, #tpu.memory_space<hbm>> -> memref<1x256xi32, #tpu.memory_space<hbm>>
      %dma_wait3A_1350 = tpu.memref_squeeze %dma_wait3A_1349 : memref<1x256xi32, #tpu.memory_space<hbm>> -> memref<256xi32, #tpu.memory_space<hbm>>
      tpu.wait_dma2 semaphore(%run_scoped3A : memref<!tpu.dma_semaphore, #tpu.memory_space<semaphore_mem>>) src(%dma_wait3A_1350 : memref<256xi32, #tpu.memory_space<hbm>>) dst(%arg5 : memref<256xi32, #tpu.memory_space<vmem>>)
      tpu.yield
    }) : () -> ()
    %add3A_335 = arith.constant 0 : i32
    %add3A_336 = vector.broadcast %add3A_335 : i32 to vector<16xi32>
    %add3A_337 = arith.addi %add3A_336, %iota3A : vector<16xi32>
    %mul3A_338 = arith.constant 2 : i32
    %mul3A_339 = vector.broadcast %mul3A_338 : i32 to vector<16xi32>
    %mul3A_340 = arith.muli %mul3A_339, %add3A_337 : vector<16xi32>
    %get3A_341 = arith.constant 0 : index
    %get3A_342 = tpu.vector_load %arg5[%get3A_341] {strides = array<i32>} : memref<256xi32, #tpu.memory_space<vmem>>, vector<16xi32>,
    %get3A_343 = vector.shape_cast %get3A_342 : vector<16xi32> to vector<16xi32>
    %add3A_344 = arith.addi %mul3A_340, %get3A_343 : vector<16xi32>
    %swap3A_345 = arith.constant 0 : index
    %swap3A_346 = tpu.vector_load %arg6[%swap3A_345] {strides = array<i32>} : memref<256xi32, #tpu.memory_space<vmem>>, vector<16xi32>,
    %swap3A_347 = vector.shape_cast %swap3A_346 : vector<16xi32> to vector<16xi32>
    %swap3A_348 = vector.shape_cast %add3A_344 : vector<16xi32> to vector<16xi32>
    tpu.vector_store %arg6[%swap3A_345], %swap3A_348 {strides = array<i32>} : memref<256xi32, #tpu.memory_space<vmem>>, vector<16xi32>,
    %add3A_349 = arith.constant 16 : i32
    %add3A_350 = vector.broadcast %add3A_349 : i32 to vector<16xi32>
    %add3A_351 = arith.addi %add3A_350, %iota3A : vector<16xi32>
    %mul3A_352 = arith.constant 2 : i32
    %mul3A_353 = vector.broadcast %mul3A_352 : i32 to vector<16xi32>
    %mul3A_354 = arith.muli %mul3A_353, %add3A_351 : vector<16xi32>
    %get3A_355 = arith.constant 16 : index
    %get3A_356 = tpu.vector_load %arg5[%get3A_355] {strides = array<i32>} : memref<256xi32, #tpu.memory_space<vmem>>, vector<16xi32>,
    %get3A_357 = vector.shape_cast %get3A_356 : vector<16xi32> to vector<16xi32>
    %add3A_358 = arith.addi %mul3A_354, %get3A_357 : vector<16xi32>
    %swap3A_359 = arith.constant 16 : index
    %swap3A_360 = tpu.vector_load %arg6[%swap3A_359] {strides = array<i32>} : memref<256xi32, #tpu.memory_space<vmem>>, vector<16xi32>,
    %swap3A_361 = vector.shape_cast %swap3A_360 : vector<16xi32> to vector<16xi32>
    %swap3A_362 = vector.shape_cast %add3A_358 : vector<16xi32> to vector<16xi32>
    tpu.vector_store %arg6[%swap3A_359], %swap3A_362 {strides = array<i32>} : memref<256xi32, #tpu.memory_space<vmem>>, vector<16xi32>,
    %add3A_363 = arith.constant 32 : i32
    %add3A_364 = vector.broadcast %add3A_363 : i32 to vector<16xi32>
    %add3A_365 = arith.addi %add3A_364, %iota3A : vector<16xi32>
    %mul3A_366 = arith.constant 2 : i32
    %mul3A_367 = vector.broadcast %mul3A_366 : i32 to vector<16xi32>
    %mul3A_368 = arith.muli %mul3A_367, %add3A_365 : vector<16xi32>
    %get3A_369 = arith.constant 32 : index
    %get3A_370 = tpu.vector_load %arg5[%get3A_369] {strides = array<i32>} : memref<256xi32, #tpu.memory_space<vmem>>, vector<16xi32>,
    %get3A_371 = vector.shape_cast %get3A_370 : vector<16xi32> to vector<16xi32>
    %add3A_372 = arith.addi %mul3A_368, %get3A_371 : vector<16xi32>
    %swap3A_373 = arith.constant 32 : index
    %swap3A_374 = tpu.vector_load %arg6[%swap3A_373] {strides = array<i32>} : memref<256xi32, #tpu.memory_space<vmem>>, vector<16xi32>,
    %swap3A_375 = vector.shape_cast %swap3A_374 : vector<16xi32> to vector<16xi32>
    %swap3A_376 = vector.shape_cast %add3A_372 : vector<16xi32> to vector<16xi32>
    tpu.vector_store %arg6[%swap3A_373], %swap3A_376 {strides = array<i32>} : memref<256xi32, #tpu.memory_space<vmem>>, vector<16xi32>,
    %add3A_377 = arith.constant 48 : i32
    %add3A_378 = vector.broadcast %add3A_377 : i32 to vector<16xi32>
    %add3A_379 = arith.addi %add3A_378, %iota3A : vector<16xi32>
    %mul3A_380 = arith.constant 2 : i32
    %mul3A_381 = vector.broadcast %mul3A_380 : i32 to vector<16xi32>
    %mul3A_382 = arith.muli %mul3A_381, %add3A_379 : vector<16xi32>
    %get3A_383 = arith.constant 48 : index
    %get3A_384 = tpu.vector_load %arg5[%get3A_383] {strides = array<i32>} : memref<256xi32, #tpu.memory_space<vmem>>, vector<16xi32>,
    %get3A_385 = vector.shape_cast %get3A_384 : vector<16xi32> to vector<16xi32>
    %add3A_386 = arith.addi %mul3A_382, %get3A_385 : vector<16xi32>
    %swap3A_387 = arith.constant 48 : index
    %swap3A_388 = tpu.vector_load %arg6[%swap3A_387] {strides = array<i32>} : memref<256xi32, #tpu.memory_space<vmem>>, vector<16xi32>,
    %swap3A_389 = vector.shape_cast %swap3A_388 : vector<16xi32> to vector<16xi32>
    %swap3A_390 = vector.shape_cast %add3A_386 : vector<16xi32> to vector<16xi32>
    tpu.vector_store %arg6[%swap3A_387], %swap3A_390 {strides = array<i32>} : memref<256xi32, #tpu.memory_space<vmem>>, vector<16xi32>,
    %add3A_391 = arith.constant 64 : i32
    %add3A_392 = vector.broadcast %add3A_391 : i32 to vector<16xi32>
    %add3A_393 = arith.addi %add3A_392, %iota3A : vector<16xi32>
    %mul3A_394 = arith.constant 2 : i32
    %mul3A_395 = vector.broadcast %mul3A_394 : i32 to vector<16xi32>
    %mul3A_396 = arith.muli %mul3A_395, %add3A_393 : vector<16xi32>
    %get3A_397 = arith.constant 64 : index
    %get3A_398 = tpu.vector_load %arg5[%get3A_397] {strides = array<i32>} : memref<256xi32, #tpu.memory_space<vmem>>, vector<16xi32>,
    %get3A_399 = vector.shape_cast %get3A_398 : vector<16xi32> to vector<16xi32>
    %add3A_400 = arith.addi %mul3A_396, %get3A_399 : vector<16xi32>
    %swap3A_401 = arith.constant 64 : index
    %swap3A_402 = tpu.vector_load %arg6[%swap3A_401] {strides = array<i32>} : memref<256xi32, #tpu.memory_space<vmem>>, vector<16xi32>,
    %swap3A_403 = vector.shape_cast %swap3A_402 : vector<16xi32> to vector<16xi32>
    %swap3A_404 = vector.shape_cast %add3A_400 : vector<16xi32> to vector<16xi32>
    tpu.vector_store %arg6[%swap3A_401], %swap3A_404 {strides = array<i32>} : memref<256xi32, #tpu.memory_space<vmem>>, vector<16xi32>,
    %add3A_405 = arith.constant 80 : i32
    %add3A_406 = vector.broadcast %add3A_405 : i32 to vector<16xi32>
    %add3A_407 = arith.addi %add3A_406, %iota3A : vector<16xi32>
    %mul3A_408 = arith.constant 2 : i32
    %mul3A_409 = vector.broadcast %mul3A_408 : i32 to vector<16xi32>
    %mul3A_410 = arith.muli %mul3A_409, %add3A_407 : vector<16xi32>
    %get3A_411 = arith.constant 80 : index
    %get3A_412 = tpu.vector_load %arg5[%get3A_411] {strides = array<i32>} : memref<256xi32, #tpu.memory_space<vmem>>, vector<16xi32>,
    %get3A_413 = vector.shape_cast %get3A_412 : vector<16xi32> to vector<16xi32>
    %add3A_414 = arith.addi %mul3A_410, %get3A_413 : vector<16xi32>
    %swap3A_415 = arith.constant 80 : index
    %swap3A_416 = tpu.vector_load %arg6[%swap3A_415] {strides = array<i32>} : memref<256xi32, #tpu.memory_space<vmem>>, vector<16xi32>,
    %swap3A_417 = vector.shape_cast %swap3A_416 : vector<16xi32> to vector<16xi32>
    %swap3A_418 = vector.shape_cast %add3A_414 : vector<16xi32> to vector<16xi32>
    tpu.vector_store %arg6[%swap3A_415], %swap3A_418 {strides = array<i32>} : memref<256xi32, #tpu.memory_space<vmem>>, vector<16xi32>,
    %add3A_419 = arith.constant 96 : i32
    %add3A_420 = vector.broadcast %add3A_419 : i32 to vector<16xi32>
    %add3A_421 = arith.addi %add3A_420, %iota3A : vector<16xi32>
    %mul3A_422 = arith.constant 2 : i32
    %mul3A_423 = vector.broadcast %mul3A_422 : i32 to vector<16xi32>
    %mul3A_424 = arith.muli %mul3A_423, %add3A_421 : vector<16xi32>
    %get3A_425 = arith.constant 96 : index
    %get3A_426 = tpu.vector_load %arg5[%get3A_425] {strides = array<i32>} : memref<256xi32, #tpu.memory_space<vmem>>, vector<16xi32>,
    %get3A_427 = vector.shape_cast %get3A_426 : vector<16xi32> to vector<16xi32>
    %add3A_428 = arith.addi %mul3A_424, %get3A_427 : vector<16xi32>
    %swap3A_429 = arith.constant 96 : index
    %swap3A_430 = tpu.vector_load %arg6[%swap3A_429] {strides = array<i32>} : memref<256xi32, #tpu.memory_space<vmem>>, vector<16xi32>,
    %swap3A_431 = vector.shape_cast %swap3A_430 : vector<16xi32> to vector<16xi32>
    %swap3A_432 = vector.shape_cast %add3A_428 : vector<16xi32> to vector<16xi32>
    tpu.vector_store %arg6[%swap3A_429], %swap3A_432 {strides = array<i32>} : memref<256xi32, #tpu.memory_space<vmem>>, vector<16xi32>,
    %add3A_433 = arith.constant 112 : i32
    %add3A_434 = vector.broadcast %add3A_433 : i32 to vector<16xi32>
    %add3A_435 = arith.addi %add3A_434, %iota3A : vector<16xi32>
    %mul3A_436 = arith.constant 2 : i32
    %mul3A_437 = vector.broadcast %mul3A_436 : i32 to vector<16xi32>
    %mul3A_438 = arith.muli %mul3A_437, %add3A_435 : vector<16xi32>
    %get3A_439 = arith.constant 112 : index
    %get3A_440 = tpu.vector_load %arg5[%get3A_439] {strides = array<i32>} : memref<256xi32, #tpu.memory_space<vmem>>, vector<16xi32>,
    %get3A_441 = vector.shape_cast %get3A_440 : vector<16xi32> to vector<16xi32>
    %add3A_442 = arith.addi %mul3A_438, %get3A_441 : vector<16xi32>
    %swap3A_443 = arith.constant 112 : index
    %swap3A_444 = tpu.vector_load %arg6[%swap3A_443] {strides = array<i32>} : memref<256xi32, #tpu.memory_space<vmem>>, vector<16xi32>,
    %swap3A_445 = vector.shape_cast %swap3A_444 : vector<16xi32> to vector<16xi32>
    %swap3A_446 = vector.shape_cast %add3A_442 : vector<16xi32> to vector<16xi32>
    tpu.vector_store %arg6[%swap3A_443], %swap3A_446 {strides = array<i32>} : memref<256xi32, #tpu.memory_space<vmem>>, vector<16xi32>,
    %add3A_447 = arith.constant 128 : i32
    %add3A_448 = vector.broadcast %add3A_447 : i32 to vector<16xi32>
    %add3A_449 = arith.addi %add3A_448, %iota3A : vector<16xi32>
    %mul3A_450 = arith.constant 2 : i32
    %mul3A_451 = vector.broadcast %mul3A_450 : i32 to vector<16xi32>
    %mul3A_452 = arith.muli %mul3A_451, %add3A_449 : vector<16xi32>
    %get3A_453 = arith.constant 128 : index
    %get3A_454 = tpu.vector_load %arg5[%get3A_453] {strides = array<i32>} : memref<256xi32, #tpu.memory_space<vmem>>, vector<16xi32>,
    %get3A_455 = vector.shape_cast %get3A_454 : vector<16xi32> to vector<16xi32>
    %add3A_456 = arith.addi %mul3A_452, %get3A_455 : vector<16xi32>
    %swap3A_457 = arith.constant 128 : index
    %swap3A_458 = tpu.vector_load %arg6[%swap3A_457] {strides = array<i32>} : memref<256xi32, #tpu.memory_space<vmem>>, vector<16xi32>,
    %swap3A_459 = vector.shape_cast %swap3A_458 : vector<16xi32> to vector<16xi32>
    %swap3A_460 = vector.shape_cast %add3A_456 : vector<16xi32> to vector<16xi32>
    tpu.vector_store %arg6[%swap3A_457], %swap3A_460 {strides = array<i32>} : memref<256xi32, #tpu.memory_space<vmem>>, vector<16xi32>,
    %add3A_461 = arith.constant 144 : i32
    %add3A_462 = vector.broadcast %add3A_461 : i32 to vector<16xi32>
    %add3A_463 = arith.addi %add3A_462, %iota3A : vector<16xi32>
    %mul3A_464 = arith.constant 2 : i32
    %mul3A_465 = vector.broadcast %mul3A_464 : i32 to vector<16xi32>
    %mul3A_466 = arith.muli %mul3A_465, %add3A_463 : vector<16xi32>
    %get3A_467 = arith.constant 144 : index
    %get3A_468 = tpu.vector_load %arg5[%get3A_467] {strides = array<i32>} : memref<256xi32, #tpu.memory_space<vmem>>, vector<16xi32>,
    %get3A_469 = vector.shape_cast %get3A_468 : vector<16xi32> to vector<16xi32>
    %add3A_470 = arith.addi %mul3A_466, %get3A_469 : vector<16xi32>
    %swap3A_471 = arith.constant 144 : index
    %swap3A_472 = tpu.vector_load %arg6[%swap3A_471] {strides = array<i32>} : memref<256xi32, #tpu.memory_space<vmem>>, vector<16xi32>,
    %swap3A_473 = vector.shape_cast %swap3A_472 : vector<16xi32> to vector<16xi32>
    %swap3A_474 = vector.shape_cast %add3A_470 : vector<16xi32> to vector<16xi32>
    tpu.vector_store %arg6[%swap3A_471], %swap3A_474 {strides = array<i32>} : memref<256xi32, #tpu.memory_space<vmem>>, vector<16xi32>,
    %add3A_475 = arith.constant 160 : i32
    %add3A_476 = vector.broadcast %add3A_475 : i32 to vector<16xi32>
    %add3A_477 = arith.addi %add3A_476, %iota3A : vector<16xi32>
    %mul3A_478 = arith.constant 2 : i32
    %mul3A_479 = vector.broadcast %mul3A_478 : i32 to vector<16xi32>
    %mul3A_480 = arith.muli %mul3A_479, %add3A_477 : vector<16xi32>
    %get3A_481 = arith.constant 160 : index
    %get3A_482 = tpu.vector_load %arg5[%get3A_481] {strides = array<i32>} : memref<256xi32, #tpu.memory_space<vmem>>, vector<16xi32>,
    %get3A_483 = vector.shape_cast %get3A_482 : vector<16xi32> to vector<16xi32>
    %add3A_484 = arith.addi %mul3A_480, %get3A_483 : vector<16xi32>
    %swap3A_485 = arith.constant 160 : index
    %swap3A_486 = tpu.vector_load %arg6[%swap3A_485] {strides = array<i32>} : memref<256xi32, #tpu.memory_space<vmem>>, vector<16xi32>,
    %swap3A_487 = vector.shape_cast %swap3A_486 : vector<16xi32> to vector<16xi32>
    %swap3A_488 = vector.shape_cast %add3A_484 : vector<16xi32> to vector<16xi32>
    tpu.vector_store %arg6[%swap3A_485], %swap3A_488 {strides = array<i32>} : memref<256xi32, #tpu.memory_space<vmem>>, vector<16xi32>,
    %add3A_489 = arith.constant 176 : i32
    %add3A_490 = vector.broadcast %add3A_489 : i32 to vector<16xi32>
    %add3A_491 = arith.addi %add3A_490, %iota3A : vector<16xi32>
    %mul3A_492 = arith.constant 2 : i32
    %mul3A_493 = vector.broadcast %mul3A_492 : i32 to vector<16xi32>
    %mul3A_494 = arith.muli %mul3A_493, %add3A_491 : vector<16xi32>
    %get3A_495 = arith.constant 176 : index
    %get3A_496 = tpu.vector_load %arg5[%get3A_495] {strides = array<i32>} : memref<256xi32, #tpu.memory_space<vmem>>, vector<16xi32>,
    %get3A_497 = vector.shape_cast %get3A_496 : vector<16xi32> to vector<16xi32>
    %add3A_498 = arith.addi %mul3A_494, %get3A_497 : vector<16xi32>
    %swap3A_499 = arith.constant 176 : index
    %swap3A_500 = tpu.vector_load %arg6[%swap3A_499] {strides = array<i32>} : memref<256xi32, #tpu.memory_space<vmem>>, vector<16xi32>,
    %swap3A_501 = vector.shape_cast %swap3A_500 : vector<16xi32> to vector<16xi32>
    %swap3A_502 = vector.shape_cast %add3A_498 : vector<16xi32> to vector<16xi32>
    tpu.vector_store %arg6[%swap3A_499], %swap3A_502 {strides = array<i32>} : memref<256xi32, #tpu.memory_space<vmem>>, vector<16xi32>,
    %add3A_503 = arith.constant 192 : i32
    %add3A_504 = vector.broadcast %add3A_503 : i32 to vector<16xi32>
    %add3A_505 = arith.addi %add3A_504, %iota3A : vector<16xi32>
    %mul3A_506 = arith.constant 2 : i32
    %mul3A_507 = vector.broadcast %mul3A_506 : i32 to vector<16xi32>
    %mul3A_508 = arith.muli %mul3A_507, %add3A_505 : vector<16xi32>
    %get3A_509 = arith.constant 192 : index
    %get3A_510 = tpu.vector_load %arg5[%get3A_509] {strides = array<i32>} : memref<256xi32, #tpu.memory_space<vmem>>, vector<16xi32>,
    %get3A_511 = vector.shape_cast %get3A_510 : vector<16xi32> to vector<16xi32>
    %add3A_512 = arith.addi %mul3A_508, %get3A_511 : vector<16xi32>
    %swap3A_513 = arith.constant 192 : index
    %swap3A_514 = tpu.vector_load %arg6[%swap3A_513] {strides = array<i32>} : memref<256xi32, #tpu.memory_space<vmem>>, vector<16xi32>,
    %swap3A_515 = vector.shape_cast %swap3A_514 : vector<16xi32> to vector<16xi32>
    %swap3A_516 = vector.shape_cast %add3A_512 : vector<16xi32> to vector<16xi32>
    tpu.vector_store %arg6[%swap3A_513], %swap3A_516 {strides = array<i32>} : memref<256xi32, #tpu.memory_space<vmem>>, vector<16xi32>,
    %add3A_517 = arith.constant 208 : i32
    %add3A_518 = vector.broadcast %add3A_517 : i32 to vector<16xi32>
    %add3A_519 = arith.addi %add3A_518, %iota3A : vector<16xi32>
    %mul3A_520 = arith.constant 2 : i32
    %mul3A_521 = vector.broadcast %mul3A_520 : i32 to vector<16xi32>
    %mul3A_522 = arith.muli %mul3A_521, %add3A_519 : vector<16xi32>
    %get3A_523 = arith.constant 208 : index
    %get3A_524 = tpu.vector_load %arg5[%get3A_523] {strides = array<i32>} : memref<256xi32, #tpu.memory_space<vmem>>, vector<16xi32>,
    %get3A_525 = vector.shape_cast %get3A_524 : vector<16xi32> to vector<16xi32>
    %add3A_526 = arith.addi %mul3A_522, %get3A_525 : vector<16xi32>
    %swap3A_527 = arith.constant 208 : index
    %swap3A_528 = tpu.vector_load %arg6[%swap3A_527] {strides = array<i32>} : memref<256xi32, #tpu.memory_space<vmem>>, vector<16xi32>,
    %swap3A_529 = vector.shape_cast %swap3A_528 : vector<16xi32> to vector<16xi32>
    %swap3A_530 = vector.shape_cast %add3A_526 : vector<16xi32> to vector<16xi32>
    tpu.vector_store %arg6[%swap3A_527], %swap3A_530 {strides = array<i32>} : memref<256xi32, #tpu.memory_space<vmem>>, vector<16xi32>,
    %add3A_531 = arith.constant 224 : i32
    %add3A_532 = vector.broadcast %add3A_531 : i32 to vector<16xi32>
    %add3A_533 = arith.addi %add3A_532, %iota3A : vector<16xi32>
    %mul3A_534 = arith.constant 2 : i32
    %mul3A_535 = vector.broadcast %mul3A_534 : i32 to vector<16xi32>
    %mul3A_536 = arith.muli %mul3A_535, %add3A_533 : vector<16xi32>
    %get3A_537 = arith.constant 224 : index
    %get3A_538 = tpu.vector_load %arg5[%get3A_537] {strides = array<i32>} : memref<256xi32, #tpu.memory_space<vmem>>, vector<16xi32>,
    %get3A_539 = vector.shape_cast %get3A_538 : vector<16xi32> to vector<16xi32>
    %add3A_540 = arith.addi %mul3A_536, %get3A_539 : vector<16xi32>
    %swap3A_541 = arith.constant 224 : index
    %swap3A_542 = tpu.vector_load %arg6[%swap3A_541] {strides = array<i32>} : memref<256xi32, #tpu.memory_space<vmem>>, vector<16xi32>,
    %swap3A_543 = vector.shape_cast %swap3A_542 : vector<16xi32> to vector<16xi32>
    %swap3A_544 = vector.shape_cast %add3A_540 : vector<16xi32> to vector<16xi32>
    tpu.vector_store %arg6[%swap3A_541], %swap3A_544 {strides = array<i32>} : memref<256xi32, #tpu.memory_space<vmem>>, vector<16xi32>,
    %add3A_545 = arith.constant 240 : i32
    %add3A_546 = vector.broadcast %add3A_545 : i32 to vector<16xi32>
    %add3A_547 = arith.addi %add3A_546, %iota3A : vector<16xi32>
    %mul3A_548 = arith.constant 2 : i32
    %mul3A_549 = vector.broadcast %mul3A_548 : i32 to vector<16xi32>
    %mul3A_550 = arith.muli %mul3A_549, %add3A_547 : vector<16xi32>
    %get3A_551 = arith.constant 240 : index
    %get3A_552 = tpu.vector_load %arg5[%get3A_551] {strides = array<i32>} : memref<256xi32, #tpu.memory_space<vmem>>, vector<16xi32>,
    %get3A_553 = vector.shape_cast %get3A_552 : vector<16xi32> to vector<16xi32>
    %add3A_554 = arith.addi %mul3A_550, %get3A_553 : vector<16xi32>
    %swap3A_555 = arith.constant 240 : index
    %swap3A_556 = tpu.vector_load %arg6[%swap3A_555] {strides = array<i32>} : memref<256xi32, #tpu.memory_space<vmem>>, vector<16xi32>,
    %swap3A_557 = vector.shape_cast %swap3A_556 : vector<16xi32> to vector<16xi32>
    %swap3A_558 = vector.shape_cast %add3A_554 : vector<16xi32> to vector<16xi32>
    tpu.vector_store %arg6[%swap3A_555], %swap3A_558 {strides = array<i32>} : memref<256xi32, #tpu.memory_space<vmem>>, vector<16xi32>,
    %dma_start3A_559 = arith.constant 0 : i32
    %dma_start3A_560 = arith.constant 0 : i32
    %dma_start3A_561 = tpu.memref_slice %arg3[%dma_start3A_559, %dma_start3A_560] : memref<512x256xf32, #tpu.memory_space<hbm>> -> memref<512x256xf32, #tpu.memory_space<hbm>>
    tpu.enqueue_indirect_dma source(%dma_start3A_561 : memref<512x256xf32, #tpu.memory_space<hbm>>) target(%arg7 : memref<256x256xf32, #tpu.memory_space<vmem>>) offsets(%arg6 : memref<256xi32, #tpu.memory_space<vmem>>) semaphore(%arg9 : memref<!tpu.dma_semaphore, #tpu.memory_space<semaphore_mem>>)
    %dma_wait3A_562 = arith.constant 0 : i32
    %dma_wait3A_563 = arith.constant 0 : i32
    %dma_wait3A_564 = tpu.memref_slice %arg3[%dma_wait3A_562, %dma_wait3A_563] : memref<512x256xf32, #tpu.memory_space<hbm>> -> memref<512x256xf32, #tpu.memory_space<hbm>>
    tpu.wait_indirect_dma semaphore(%arg9 : memref<!tpu.dma_semaphore, #tpu.memory_space<semaphore_mem>>) src(%dma_wait3A_564 : memref<512x256xf32, #tpu.memory_space<hbm>>) dst(%arg7 : memref<256x256xf32, #tpu.memory_space<vmem>>)
    %broadcast_in_dim3A_565 = arith.constant 0.000000e+00 : f32
    %broadcast_in_dim3A_566 = vector.broadcast %broadcast_in_dim3A_565 : f32 to vector<16xf32>
    %broadcast_in_dim3A_567 = arith.constant 0.000000e+00 : f32
    %broadcast_in_dim3A_568 = vector.broadcast %broadcast_in_dim3A_567 : f32 to vector<16xf32>
    %broadcast_in_dim3A_569 = arith.constant 0.000000e+00 : f32
    %broadcast_in_dim3A_570 = vector.broadcast %broadcast_in_dim3A_569 : f32 to vector<16xf32>
    %broadcast_in_dim3A_571 = arith.constant 0.000000e+00 : f32
    %broadcast_in_dim3A_572 = vector.broadcast %broadcast_in_dim3A_571 : f32 to vector<16xf32>
    %broadcast_in_dim3A_573 = arith.constant 0.000000e+00 : f32
    %broadcast_in_dim3A_574 = vector.broadcast %broadcast_in_dim3A_573 : f32 to vector<16xf32>
    %broadcast_in_dim3A_575 = arith.constant 0.000000e+00 : f32
    %broadcast_in_dim3A_576 = vector.broadcast %broadcast_in_dim3A_575 : f32 to vector<16xf32>
    %broadcast_in_dim3A_577 = arith.constant 0.000000e+00 : f32
    %broadcast_in_dim3A_578 = vector.broadcast %broadcast_in_dim3A_577 : f32 to vector<16xf32>
    %broadcast_in_dim3A_579 = arith.constant 0.000000e+00 : f32
    %broadcast_in_dim3A_580 = vector.broadcast %broadcast_in_dim3A_579 : f32 to vector<16xf32>
    %broadcast_in_dim3A_581 = arith.constant 0.000000e+00 : f32
    %broadcast_in_dim3A_582 = vector.broadcast %broadcast_in_dim3A_581 : f32 to vector<16xf32>
    %broadcast_in_dim3A_583 = arith.constant 0.000000e+00 : f32
    %broadcast_in_dim3A_584 = vector.broadcast %broadcast_in_dim3A_583 : f32 to vector<16xf32>
    %broadcast_in_dim3A_585 = arith.constant 0.000000e+00 : f32
    %broadcast_in_dim3A_586 = vector.broadcast %broadcast_in_dim3A_585 : f32 to vector<16xf32>
    %broadcast_in_dim3A_587 = arith.constant 0.000000e+00 : f32
    %broadcast_in_dim3A_588 = vector.broadcast %broadcast_in_dim3A_587 : f32 to vector<16xf32>
    %broadcast_in_dim3A_589 = arith.constant 0.000000e+00 : f32
    %broadcast_in_dim3A_590 = vector.broadcast %broadcast_in_dim3A_589 : f32 to vector<16xf32>
    %broadcast_in_dim3A_591 = arith.constant 0.000000e+00 : f32
    %broadcast_in_dim3A_592 = vector.broadcast %broadcast_in_dim3A_591 : f32 to vector<16xf32>
    %broadcast_in_dim3A_593 = arith.constant 0.000000e+00 : f32
    %broadcast_in_dim3A_594 = vector.broadcast %broadcast_in_dim3A_593 : f32 to vector<16xf32>
    %broadcast_in_dim3A_595 = arith.constant 0.000000e+00 : f32
    %broadcast_in_dim3A_596 = vector.broadcast %broadcast_in_dim3A_595 : f32 to vector<16xf32>
    %scan3A_597 = arith.constant 0 : i32
    %scan3A_598 = arith.constant 256 : i32
    %scan3A_599 = arith.addi %scan3A_597, %scan3A_598 : i32
    %scan3A_600 = arith.constant 1 : i32
    %scan3A_601:16 = scf.for %scan3A_1339 = %scan3A_597 to %scan3A_599 step %scan3A_600 iter_args(%scan3A_1340 = %broadcast_in_dim3A_566, %scan3A_1341 = %broadcast_in_dim3A_568, %scan3A_1342 = %broadcast_in_dim3A_570, %scan3A_1343 = %broadcast_in_dim3A_572, %scan3A_1344 = %broadcast_in_dim3A_574, %scan3A_1345 = %broadcast_in_dim3A_576, %scan3A_1346 = %broadcast_in_dim3A_578, %scan3A_1347 = %broadcast_in_dim3A_580, %scan3A_1348 = %broadcast_in_dim3A_582, %scan3A_1349 = %broadcast_in_dim3A_584, %scan3A_1350 = %broadcast_in_dim3A_586, %scan3A_1351 = %broadcast_in_dim3A_588, %scan3A_1352 = %broadcast_in_dim3A_590, %scan3A_1353 = %broadcast_in_dim3A_592, %scan3A_1354 = %broadcast_in_dim3A_594, %scan3A_1355 = %broadcast_in_dim3A_596) -> (vector<16xf32>, vector<16xf32>, vector<16xf32>, vector<16xf32>, vector<16xf32>, vector<16xf32>, vector<16xf32>, vector<16xf32>, vector<16xf32>, vector<16xf32>, vector<16xf32>, vector<16xf32>, vector<16xf32>, vector<16xf32>, vector<16xf32>, vector<16xf32>)  : i32 {
      %get3A_1356 = arith.index_cast %scan3A_1339 : i32 to index
      %get3A_1357 = arith.constant 0 : index
      %get3A_1358 = tpu.vector_load %arg7[%get3A_1356, %get3A_1357] {strides = array<i32>} : memref<256x256xf32, #tpu.memory_space<vmem>>, vector<1x16xf32>,
      %get3A_1359 = vector.shape_cast %get3A_1358 : vector<1x16xf32> to vector<16xf32>
      %add3A_1360 = arith.addf %scan3A_1340, %get3A_1359 : vector<16xf32>
      %get3A_1361 = arith.index_cast %scan3A_1339 : i32 to index
      %get3A_1362 = arith.constant 16 : index
      %get3A_1363 = tpu.vector_load %arg7[%get3A_1361, %get3A_1362] {strides = array<i32>} : memref<256x256xf32, #tpu.memory_space<vmem>>, vector<1x16xf32>,
      %get3A_1364 = vector.shape_cast %get3A_1363 : vector<1x16xf32> to vector<16xf32>
      %add3A_1365 = arith.addf %scan3A_1341, %get3A_1364 : vector<16xf32>
      %get3A_1366 = arith.index_cast %scan3A_1339 : i32 to index
      %get3A_1367 = arith.constant 32 : index
      %get3A_1368 = tpu.vector_load %arg7[%get3A_1366, %get3A_1367] {strides = array<i32>} : memref<256x256xf32, #tpu.memory_space<vmem>>, vector<1x16xf32>,
      %get3A_1369 = vector.shape_cast %get3A_1368 : vector<1x16xf32> to vector<16xf32>
      %add3A_1370 = arith.addf %scan3A_1342, %get3A_1369 : vector<16xf32>
      %get3A_1371 = arith.index_cast %scan3A_1339 : i32 to index
      %get3A_1372 = arith.constant 48 : index
      %get3A_1373 = tpu.vector_load %arg7[%get3A_1371, %get3A_1372] {strides = array<i32>} : memref<256x256xf32, #tpu.memory_space<vmem>>, vector<1x16xf32>,
      %get3A_1374 = vector.shape_cast %get3A_1373 : vector<1x16xf32> to vector<16xf32>
      %add3A_1375 = arith.addf %scan3A_1343, %get3A_1374 : vector<16xf32>
      %get3A_1376 = arith.index_cast %scan3A_1339 : i32 to index
      %get3A_1377 = arith.constant 64 : index
      %get3A_1378 = tpu.vector_load %arg7[%get3A_1376, %get3A_1377] {strides = array<i32>} : memref<256x256xf32, #tpu.memory_space<vmem>>, vector<1x16xf32>,
      %get3A_1379 = vector.shape_cast %get3A_1378 : vector<1x16xf32> to vector<16xf32>
      %add3A_1380 = arith.addf %scan3A_1344, %get3A_1379 : vector<16xf32>
      %get3A_1381 = arith.index_cast %scan3A_1339 : i32 to index
      %get3A_1382 = arith.constant 80 : index
      %get3A_1383 = tpu.vector_load %arg7[%get3A_1381, %get3A_1382] {strides = array<i32>} : memref<256x256xf32, #tpu.memory_space<vmem>>, vector<1x16xf32>,
      %get3A_1384 = vector.shape_cast %get3A_1383 : vector<1x16xf32> to vector<16xf32>
      %add3A_1385 = arith.addf %scan3A_1345, %get3A_1384 : vector<16xf32>
      %get3A_1386 = arith.index_cast %scan3A_1339 : i32 to index
      %get3A_1387 = arith.constant 96 : index
      %get3A_1388 = tpu.vector_load %arg7[%get3A_1386, %get3A_1387] {strides = array<i32>} : memref<256x256xf32, #tpu.memory_space<vmem>>, vector<1x16xf32>,
      %get3A_1389 = vector.shape_cast %get3A_1388 : vector<1x16xf32> to vector<16xf32>
      %add3A_1390 = arith.addf %scan3A_1346, %get3A_1389 : vector<16xf32>
      %get3A_1391 = arith.index_cast %scan3A_1339 : i32 to index
      %get3A_1392 = arith.constant 112 : index
      %get3A_1393 = tpu.vector_load %arg7[%get3A_1391, %get3A_1392] {strides = array<i32>} : memref<256x256xf32, #tpu.memory_space<vmem>>, vector<1x16xf32>,
      %get3A_1394 = vector.shape_cast %get3A_1393 : vector<1x16xf32> to vector<16xf32>
      %add3A_1395 = arith.addf %scan3A_1347, %get3A_1394 : vector<16xf32>
      %get3A_1396 = arith.index_cast %scan3A_1339 : i32 to index
      %get3A_1397 = arith.constant 128 : index
      %get3A_1398 = tpu.vector_load %arg7[%get3A_1396, %get3A_1397] {strides = array<i32>} : memref<256x256xf32, #tpu.memory_space<vmem>>, vector<1x16xf32>,
      %get3A_1399 = vector.shape_cast %get3A_1398 : vector<1x16xf32> to vector<16xf32>
      %add3A_1400 = arith.addf %scan3A_1348, %get3A_1399 : vector<16xf32>
      %get3A_1401 = arith.index_cast %scan3A_1339 : i32 to index
      %get3A_1402 = arith.constant 144 : index
      %get3A_1403 = tpu.vector_load %arg7[%get3A_1401, %get3A_1402] {strides = array<i32>} : memref<256x256xf32, #tpu.memory_space<vmem>>, vector<1x16xf32>,
      %get3A_1404 = vector.shape_cast %get3A_1403 : vector<1x16xf32> to vector<16xf32>
      %add3A_1405 = arith.addf %scan3A_1349, %get3A_1404 : vector<16xf32>
      %get3A_1406 = arith.index_cast %scan3A_1339 : i32 to index
      %get3A_1407 = arith.constant 160 : index
      %get3A_1408 = tpu.vector_load %arg7[%get3A_1406, %get3A_1407] {strides = array<i32>} : memref<256x256xf32, #tpu.memory_space<vmem>>, vector<1x16xf32>,
      %get3A_1409 = vector.shape_cast %get3A_1408 : vector<1x16xf32> to vector<16xf32>
      %add3A_1410 = arith.addf %scan3A_1350, %get3A_1409 : vector<16xf32>
      %get3A_1411 = arith.index_cast %scan3A_1339 : i32 to index
      %get3A_1412 = arith.constant 176 : index
      %get3A_1413 = tpu.vector_load %arg7[%get3A_1411, %get3A_1412] {strides = array<i32>} : memref<256x256xf32, #tpu.memory_space<vmem>>, vector<1x16xf32>,
      %get3A_1414 = vector.shape_cast %get3A_1413 : vector<1x16xf32> to vector<16xf32>
      %add3A_1415 = arith.addf %scan3A_1351, %get3A_1414 : vector<16xf32>
      %get3A_1416 = arith.index_cast %scan3A_1339 : i32 to index
      %get3A_1417 = arith.constant 192 : index
      %get3A_1418 = tpu.vector_load %arg7[%get3A_1416, %get3A_1417] {strides = array<i32>} : memref<256x256xf32, #tpu.memory_space<vmem>>, vector<1x16xf32>,
      %get3A_1419 = vector.shape_cast %get3A_1418 : vector<1x16xf32> to vector<16xf32>
      %add3A_1420 = arith.addf %scan3A_1352, %get3A_1419 : vector<16xf32>
      %get3A_1421 = arith.index_cast %scan3A_1339 : i32 to index
      %get3A_1422 = arith.constant 208 : index
      %get3A_1423 = tpu.vector_load %arg7[%get3A_1421, %get3A_1422] {strides = array<i32>} : memref<256x256xf32, #tpu.memory_space<vmem>>, vector<1x16xf32>,
      %get3A_1424 = vector.shape_cast %get3A_1423 : vector<1x16xf32> to vector<16xf32>
      %add3A_1425 = arith.addf %scan3A_1353, %get3A_1424 : vector<16xf32>
      %get3A_1426 = arith.index_cast %scan3A_1339 : i32 to index
      %get3A_1427 = arith.constant 224 : index
      %get3A_1428 = tpu.vector_load %arg7[%get3A_1426, %get3A_1427] {strides = array<i32>} : memref<256x256xf32, #tpu.memory_space<vmem>>, vector<1x16xf32>,
      %get3A_1429 = vector.shape_cast %get3A_1428 : vector<1x16xf32> to vector<16xf32>
      %add3A_1430 = arith.addf %scan3A_1354, %get3A_1429 : vector<16xf32>
      %get3A_1431 = arith.index_cast %scan3A_1339 : i32 to index
      %get3A_1432 = arith.constant 240 : index
      %get3A_1433 = tpu.vector_load %arg7[%get3A_1431, %get3A_1432] {strides = array<i32>} : memref<256x256xf32, #tpu.memory_space<vmem>>, vector<1x16xf32>,
      %get3A_1434 = vector.shape_cast %get3A_1433 : vector<1x16xf32> to vector<16xf32>
      %add3A_1435 = arith.addf %scan3A_1355, %get3A_1434 : vector<16xf32>
      scf.yield %add3A_1360, %add3A_1365, %add3A_1370, %add3A_1375, %add3A_1380, %add3A_1385, %add3A_1390, %add3A_1395, %add3A_1400, %add3A_1405, %add3A_1410, %add3A_1415, %add3A_1420, %add3A_1425, %add3A_1430, %add3A_1435 : vector<16xf32>, vector<16xf32>, vector<16xf32>, vector<16xf32>, vector<16xf32>, vector<16xf32>, vector<16xf32>, vector<16xf32>, vector<16xf32>, vector<16xf32>, vector<16xf32>, vector<16xf32>, vector<16xf32>, vector<16xf32>, vector<16xf32>, vector<16xf32>
    }
    %scan3A_602 = arith.constant 256 : i32
    %swap3A_603 = arith.constant 0 : index
    %swap3A_604 = tpu.vector_load %arg8[%swap3A_603] {strides = array<i32>} : memref<256xf32, #tpu.memory_space<vmem>>, vector<16xf32>,
    %swap3A_605 = vector.shape_cast %swap3A_604 : vector<16xf32> to vector<16xf32>
    %swap3A_606 = vector.shape_cast %scan3A_601#0 : vector<16xf32> to vector<16xf32>
    tpu.vector_store %arg8[%swap3A_603], %swap3A_606 {strides = array<i32>} : memref<256xf32, #tpu.memory_space<vmem>>, vector<16xf32>,
    %swap3A_607 = arith.constant 16 : index
    %swap3A_608 = tpu.vector_load %arg8[%swap3A_607] {strides = array<i32>} : memref<256xf32, #tpu.memory_space<vmem>>, vector<16xf32>,
    %swap3A_609 = vector.shape_cast %swap3A_608 : vector<16xf32> to vector<16xf32>
    %swap3A_610 = vector.shape_cast %scan3A_601#1 : vector<16xf32> to vector<16xf32>
    tpu.vector_store %arg8[%swap3A_607], %swap3A_610 {strides = array<i32>} : memref<256xf32, #tpu.memory_space<vmem>>, vector<16xf32>,
    %swap3A_611 = arith.constant 32 : index
    %swap3A_612 = tpu.vector_load %arg8[%swap3A_611] {strides = array<i32>} : memref<256xf32, #tpu.memory_space<vmem>>, vector<16xf32>,
    %swap3A_613 = vector.shape_cast %swap3A_612 : vector<16xf32> to vector<16xf32>
    %swap3A_614 = vector.shape_cast %scan3A_601#2 : vector<16xf32> to vector<16xf32>
    tpu.vector_store %arg8[%swap3A_611], %swap3A_614 {strides = array<i32>} : memref<256xf32, #tpu.memory_space<vmem>>, vector<16xf32>,
    %swap3A_615 = arith.constant 48 : index
    %swap3A_616 = tpu.vector_load %arg8[%swap3A_615] {strides = array<i32>} : memref<256xf32, #tpu.memory_space<vmem>>, vector<16xf32>,
    %swap3A_617 = vector.shape_cast %swap3A_616 : vector<16xf32> to vector<16xf32>
    %swap3A_618 = vector.shape_cast %scan3A_601#3 : vector<16xf32> to vector<16xf32>
    tpu.vector_store %arg8[%swap3A_615], %swap3A_618 {strides = array<i32>} : memref<256xf32, #tpu.memory_space<vmem>>, vector<16xf32>,
    %swap3A_619 = arith.constant 64 : index
    %swap3A_620 = tpu.vector_load %arg8[%swap3A_619] {strides = array<i32>} : memref<256xf32, #tpu.memory_space<vmem>>, vector<16xf32>,
    %swap3A_621 = vector.shape_cast %swap3A_620 : vector<16xf32> to vector<16xf32>
    %swap3A_622 = vector.shape_cast %scan3A_601#4 : vector<16xf32> to vector<16xf32>
    tpu.vector_store %arg8[%swap3A_619], %swap3A_622 {strides = array<i32>} : memref<256xf32, #tpu.memory_space<vmem>>, vector<16xf32>,
    %swap3A_623 = arith.constant 80 : index
    %swap3A_624 = tpu.vector_load %arg8[%swap3A_623] {strides = array<i32>} : memref<256xf32, #tpu.memory_space<vmem>>, vector<16xf32>,
    %swap3A_625 = vector.shape_cast %swap3A_624 : vector<16xf32> to vector<16xf32>
    %swap3A_626 = vector.shape_cast %scan3A_601#5 : vector<16xf32> to vector<16xf32>
    tpu.vector_store %arg8[%swap3A_623], %swap3A_626 {strides = array<i32>} : memref<256xf32, #tpu.memory_space<vmem>>, vector<16xf32>,
    %swap3A_627 = arith.constant 96 : index
    %swap3A_628 = tpu.vector_load %arg8[%swap3A_627] {strides = array<i32>} : memref<256xf32, #tpu.memory_space<vmem>>, vector<16xf32>,
    %swap3A_629 = vector.shape_cast %swap3A_628 : vector<16xf32> to vector<16xf32>
    %swap3A_630 = vector.shape_cast %scan3A_601#6 : vector<16xf32> to vector<16xf32>
    tpu.vector_store %arg8[%swap3A_627], %swap3A_630 {strides = array<i32>} : memref<256xf32, #tpu.memory_space<vmem>>, vector<16xf32>,
    %swap3A_631 = arith.constant 112 : index
    %swap3A_632 = tpu.vector_load %arg8[%swap3A_631] {strides = array<i32>} : memref<256xf32, #tpu.memory_space<vmem>>, vector<16xf32>,
    %swap3A_633 = vector.shape_cast %swap3A_632 : vector<16xf32> to vector<16xf32>
    %swap3A_634 = vector.shape_cast %scan3A_601#7 : vector<16xf32> to vector<16xf32>
    tpu.vector_store %arg8[%swap3A_631], %swap3A_634 {strides = array<i32>} : memref<256xf32, #tpu.memory_space<vmem>>, vector<16xf32>,
    %swap3A_635 = arith.constant 128 : index
    %swap3A_636 = tpu.vector_load %arg8[%swap3A_635] {strides = array<i32>} : memref<256xf32, #tpu.memory_space<vmem>>, vector<16xf32>,
    %swap3A_637 = vector.shape_cast %swap3A_636 : vector<16xf32> to vector<16xf32>
    %swap3A_638 = vector.shape_cast %scan3A_601#8 : vector<16xf32> to vector<16xf32>
    tpu.vector_store %arg8[%swap3A_635], %swap3A_638 {strides = array<i32>} : memref<256xf32, #tpu.memory_space<vmem>>, vector<16xf32>,
    %swap3A_639 = arith.constant 144 : index
    %swap3A_640 = tpu.vector_load %arg8[%swap3A_639] {strides = array<i32>} : memref<256xf32, #tpu.memory_space<vmem>>, vector<16xf32>,
    %swap3A_641 = vector.shape_cast %swap3A_640 : vector<16xf32> to vector<16xf32>
    %swap3A_642 = vector.shape_cast %scan3A_601#9 : vector<16xf32> to vector<16xf32>
    tpu.vector_store %arg8[%swap3A_639], %swap3A_642 {strides = array<i32>} : memref<256xf32, #tpu.memory_space<vmem>>, vector<16xf32>,
    %swap3A_643 = arith.constant 160 : index
    %swap3A_644 = tpu.vector_load %arg8[%swap3A_643] {strides = array<i32>} : memref<256xf32, #tpu.memory_space<vmem>>, vector<16xf32>,
    %swap3A_645 = vector.shape_cast %swap3A_644 : vector<16xf32> to vector<16xf32>
    %swap3A_646 = vector.shape_cast %scan3A_601#10 : vector<16xf32> to vector<16xf32>
    tpu.vector_store %arg8[%swap3A_643], %swap3A_646 {strides = array<i32>} : memref<256xf32, #tpu.memory_space<vmem>>, vector<16xf32>,
    %swap3A_647 = arith.constant 176 : index
    %swap3A_648 = tpu.vector_load %arg8[%swap3A_647] {strides = array<i32>} : memref<256xf32, #tpu.memory_space<vmem>>, vector<16xf32>,
    %swap3A_649 = vector.shape_cast %swap3A_648 : vector<16xf32> to vector<16xf32>
    %swap3A_650 = vector.shape_cast %scan3A_601#11 : vector<16xf32> to vector<16xf32>
    tpu.vector_store %arg8[%swap3A_647], %swap3A_650 {strides = array<i32>} : memref<256xf32, #tpu.memory_space<vmem>>, vector<16xf32>,
    %swap3A_651 = arith.constant 192 : index
    %swap3A_652 = tpu.vector_load %arg8[%swap3A_651] {strides = array<i32>} : memref<256xf32, #tpu.memory_space<vmem>>, vector<16xf32>,
    %swap3A_653 = vector.shape_cast %swap3A_652 : vector<16xf32> to vector<16xf32>
    %swap3A_654 = vector.shape_cast %scan3A_601#12 : vector<16xf32> to vector<16xf32>
    tpu.vector_store %arg8[%swap3A_651], %swap3A_654 {strides = array<i32>} : memref<256xf32, #tpu.memory_space<vmem>>, vector<16xf32>,
    %swap3A_655 = arith.constant 208 : index
    %swap3A_656 = tpu.vector_load %arg8[%swap3A_655] {strides = array<i32>} : memref<256xf32, #tpu.memory_space<vmem>>, vector<16xf32>,
    %swap3A_657 = vector.shape_cast %swap3A_656 : vector<16xf32> to vector<16xf32>
    %swap3A_658 = vector.shape_cast %scan3A_601#13 : vector<16xf32> to vector<16xf32>
    tpu.vector_store %arg8[%swap3A_655], %swap3A_658 {strides = array<i32>} : memref<256xf32, #tpu.memory_space<vmem>>, vector<16xf32>,
    %swap3A_659 = arith.constant 224 : index
    %swap3A_660 = tpu.vector_load %arg8[%swap3A_659] {strides = array<i32>} : memref<256xf32, #tpu.memory_space<vmem>>, vector<16xf32>,
    %swap3A_661 = vector.shape_cast %swap3A_660 : vector<16xf32> to vector<16xf32>
    %swap3A_662 = vector.shape_cast %scan3A_601#14 : vector<16xf32> to vector<16xf32>
    tpu.vector_store %arg8[%swap3A_659], %swap3A_662 {strides = array<i32>} : memref<256xf32, #tpu.memory_space<vmem>>, vector<16xf32>,
    %swap3A_663 = arith.constant 240 : index
    %swap3A_664 = tpu.vector_load %arg8[%swap3A_663] {strides = array<i32>} : memref<256xf32, #tpu.memory_space<vmem>>, vector<16xf32>,
    %swap3A_665 = vector.shape_cast %swap3A_664 : vector<16xf32> to vector<16xf32>
    %swap3A_666 = vector.shape_cast %scan3A_601#15 : vector<16xf32> to vector<16xf32>
    tpu.vector_store %arg8[%swap3A_663], %swap3A_666 {strides = array<i32>} : memref<256xf32, #tpu.memory_space<vmem>>, vector<16xf32>,
    "tpu.region"() ({
      %run_scoped3A = tpu.sem_alloc : memref<!tpu.dma_semaphore, #tpu.memory_space<semaphore_mem>>
      %dma_start3A_1339 = arith.constant 0 : i32
      %dma_start3A_1340 = tpu.memref_slice %arg4[%add3A_334, %dma_start3A_1339] : memref<128x256xf32, #tpu.memory_space<hbm>> -> memref<1x256xf32, #tpu.memory_space<hbm>>
      %dma_start3A_1341 = tpu.memref_squeeze %dma_start3A_1340 : memref<1x256xf32, #tpu.memory_space<hbm>> -> memref<256xf32, #tpu.memory_space<hbm>>
      %dma_start3A_1342 = arith.constant 0 : i32
      %dma_start3A_1343 = tpu.memref_slice %arg4[%add3A_334, %dma_start3A_1342] : memref<128x256xf32, #tpu.memory_space<hbm>> -> memref<1x256xf32, #tpu.memory_space<hbm>>
      %dma_start3A_1344 = tpu.memref_squeeze %dma_start3A_1343 : memref<1x256xf32, #tpu.memory_space<hbm>> -> memref<256xf32, #tpu.memory_space<hbm>>
      tpu.enqueue_dma source(%arg8 : memref<256xf32, #tpu.memory_space<vmem>>) target(%dma_start3A_1344 : memref<256xf32, #tpu.memory_space<hbm>>) target_semaphore(%run_scoped3A : memref<!tpu.dma_semaphore, #tpu.memory_space<semaphore_mem>>)
      %dma_wait3A_1345 = arith.constant 0 : i32
      %dma_wait3A_1346 = tpu.memref_slice %arg4[%add3A_334, %dma_wait3A_1345] : memref<128x256xf32, #tpu.memory_space<hbm>> -> memref<1x256xf32, #tpu.memory_space<hbm>>
      %dma_wait3A_1347 = tpu.memref_squeeze %dma_wait3A_1346 : memref<1x256xf32, #tpu.memory_space<hbm>> -> memref<256xf32, #tpu.memory_space<hbm>>
      %dma_wait3A_1348 = arith.constant 0 : i32
      %dma_wait3A_1349 = tpu.memref_slice %arg4[%add3A_334, %dma_wait3A_1348] : memref<128x256xf32, #tpu.memory_space<hbm>> -> memref<1x256xf32, #tpu.memory_space<hbm>>
      %dma_wait3A_1350 = tpu.memref_squeeze %dma_wait3A_1349 : memref<1x256xf32, #tpu.memory_space<hbm>> -> memref<256xf32, #tpu.memory_space<hbm>>
      tpu.wait_dma2 semaphore(%run_scoped3A : memref<!tpu.dma_semaphore, #tpu.memory_space<semaphore_mem>>) src(%arg8 : memref<256xf32, #tpu.memory_space<vmem>>) dst(%dma_wait3A_1350 : memref<256xf32, #tpu.memory_space<hbm>>)
      tpu.yield
    }) : () -> ()
    %mul3A_667 = arith.constant 4 : i32
    %mul3A_668 = arith.muli %add3A, %mul3A_667 : i32
    %add3A_669 = arith.constant 2 : i32
    %add3A_670 = arith.addi %mul3A_668, %add3A_669 : i32
    "tpu.region"() ({
      %run_scoped3A = tpu.sem_alloc : memref<!tpu.dma_semaphore, #tpu.memory_space<semaphore_mem>>
      %dma_start3A_1339 = arith.constant 0 : i32
      %dma_start3A_1340 = tpu.memref_slice %arg2[%add3A_670, %dma_start3A_1339] : memref<128x256xi32, #tpu.memory_space<hbm>> -> memref<1x256xi32, #tpu.memory_space<hbm>>
      %dma_start3A_1341 = tpu.memref_squeeze %dma_start3A_1340 : memref<1x256xi32, #tpu.memory_space<hbm>> -> memref<256xi32, #tpu.memory_space<hbm>>
      %dma_start3A_1342 = arith.constant 0 : i32
      %dma_start3A_1343 = tpu.memref_slice %arg2[%add3A_670, %dma_start3A_1342] : memref<128x256xi32, #tpu.memory_space<hbm>> -> memref<1x256xi32, #tpu.memory_space<hbm>>
      %dma_start3A_1344 = tpu.memref_squeeze %dma_start3A_1343 : memref<1x256xi32, #tpu.memory_space<hbm>> -> memref<256xi32, #tpu.memory_space<hbm>>
      tpu.enqueue_dma source(%dma_start3A_1344 : memref<256xi32, #tpu.memory_space<hbm>>) target(%arg5 : memref<256xi32, #tpu.memory_space<vmem>>) target_semaphore(%run_scoped3A : memref<!tpu.dma_semaphore, #tpu.memory_space<semaphore_mem>>)
      %dma_wait3A_1345 = arith.constant 0 : i32
      %dma_wait3A_1346 = tpu.memref_slice %arg2[%add3A_670, %dma_wait3A_1345] : memref<128x256xi32, #tpu.memory_space<hbm>> -> memref<1x256xi32, #tpu.memory_space<hbm>>
      %dma_wait3A_1347 = tpu.memref_squeeze %dma_wait3A_1346 : memref<1x256xi32, #tpu.memory_space<hbm>> -> memref<256xi32, #tpu.memory_space<hbm>>
      %dma_wait3A_1348 = arith.constant 0 : i32
      %dma_wait3A_1349 = tpu.memref_slice %arg2[%add3A_670, %dma_wait3A_1348] : memref<128x256xi32, #tpu.memory_space<hbm>> -> memref<1x256xi32, #tpu.memory_space<hbm>>
      %dma_wait3A_1350 = tpu.memref_squeeze %dma_wait3A_1349 : memref<1x256xi32, #tpu.memory_space<hbm>> -> memref<256xi32, #tpu.memory_space<hbm>>
      tpu.wait_dma2 semaphore(%run_scoped3A : memref<!tpu.dma_semaphore, #tpu.memory_space<semaphore_mem>>) src(%dma_wait3A_1350 : memref<256xi32, #tpu.memory_space<hbm>>) dst(%arg5 : memref<256xi32, #tpu.memory_space<vmem>>)
      tpu.yield
    }) : () -> ()
    %add3A_671 = arith.constant 0 : i32
    %add3A_672 = vector.broadcast %add3A_671 : i32 to vector<16xi32>
    %add3A_673 = arith.addi %add3A_672, %iota3A : vector<16xi32>
    %mul3A_674 = arith.constant 2 : i32
    %mul3A_675 = vector.broadcast %mul3A_674 : i32 to vector<16xi32>
    %mul3A_676 = arith.muli %mul3A_675, %add3A_673 : vector<16xi32>
    %get3A_677 = arith.constant 0 : index
    %get3A_678 = tpu.vector_load %arg5[%get3A_677] {strides = array<i32>} : memref<256xi32, #tpu.memory_space<vmem>>, vector<16xi32>,
    %get3A_679 = vector.shape_cast %get3A_678 : vector<16xi32> to vector<16xi32>
    %add3A_680 = arith.addi %mul3A_676, %get3A_679 : vector<16xi32>
    %swap3A_681 = arith.constant 0 : index
    %swap3A_682 = tpu.vector_load %arg6[%swap3A_681] {strides = array<i32>} : memref<256xi32, #tpu.memory_space<vmem>>, vector<16xi32>,
    %swap3A_683 = vector.shape_cast %swap3A_682 : vector<16xi32> to vector<16xi32>
    %swap3A_684 = vector.shape_cast %add3A_680 : vector<16xi32> to vector<16xi32>
    tpu.vector_store %arg6[%swap3A_681], %swap3A_684 {strides = array<i32>} : memref<256xi32, #tpu.memory_space<vmem>>, vector<16xi32>,
    %add3A_685 = arith.constant 16 : i32
    %add3A_686 = vector.broadcast %add3A_685 : i32 to vector<16xi32>
    %add3A_687 = arith.addi %add3A_686, %iota3A : vector<16xi32>
    %mul3A_688 = arith.constant 2 : i32
    %mul3A_689 = vector.broadcast %mul3A_688 : i32 to vector<16xi32>
    %mul3A_690 = arith.muli %mul3A_689, %add3A_687 : vector<16xi32>
    %get3A_691 = arith.constant 16 : index
    %get3A_692 = tpu.vector_load %arg5[%get3A_691] {strides = array<i32>} : memref<256xi32, #tpu.memory_space<vmem>>, vector<16xi32>,
    %get3A_693 = vector.shape_cast %get3A_692 : vector<16xi32> to vector<16xi32>
    %add3A_694 = arith.addi %mul3A_690, %get3A_693 : vector<16xi32>
    %swap3A_695 = arith.constant 16 : index
    %swap3A_696 = tpu.vector_load %arg6[%swap3A_695] {strides = array<i32>} : memref<256xi32, #tpu.memory_space<vmem>>, vector<16xi32>,
    %swap3A_697 = vector.shape_cast %swap3A_696 : vector<16xi32> to vector<16xi32>
    %swap3A_698 = vector.shape_cast %add3A_694 : vector<16xi32> to vector<16xi32>
    tpu.vector_store %arg6[%swap3A_695], %swap3A_698 {strides = array<i32>} : memref<256xi32, #tpu.memory_space<vmem>>, vector<16xi32>,
    %add3A_699 = arith.constant 32 : i32
    %add3A_700 = vector.broadcast %add3A_699 : i32 to vector<16xi32>
    %add3A_701 = arith.addi %add3A_700, %iota3A : vector<16xi32>
    %mul3A_702 = arith.constant 2 : i32
    %mul3A_703 = vector.broadcast %mul3A_702 : i32 to vector<16xi32>
    %mul3A_704 = arith.muli %mul3A_703, %add3A_701 : vector<16xi32>
    %get3A_705 = arith.constant 32 : index
    %get3A_706 = tpu.vector_load %arg5[%get3A_705] {strides = array<i32>} : memref<256xi32, #tpu.memory_space<vmem>>, vector<16xi32>,
    %get3A_707 = vector.shape_cast %get3A_706 : vector<16xi32> to vector<16xi32>
    %add3A_708 = arith.addi %mul3A_704, %get3A_707 : vector<16xi32>
    %swap3A_709 = arith.constant 32 : index
    %swap3A_710 = tpu.vector_load %arg6[%swap3A_709] {strides = array<i32>} : memref<256xi32, #tpu.memory_space<vmem>>, vector<16xi32>,
    %swap3A_711 = vector.shape_cast %swap3A_710 : vector<16xi32> to vector<16xi32>
    %swap3A_712 = vector.shape_cast %add3A_708 : vector<16xi32> to vector<16xi32>
    tpu.vector_store %arg6[%swap3A_709], %swap3A_712 {strides = array<i32>} : memref<256xi32, #tpu.memory_space<vmem>>, vector<16xi32>,
    %add3A_713 = arith.constant 48 : i32
    %add3A_714 = vector.broadcast %add3A_713 : i32 to vector<16xi32>
    %add3A_715 = arith.addi %add3A_714, %iota3A : vector<16xi32>
    %mul3A_716 = arith.constant 2 : i32
    %mul3A_717 = vector.broadcast %mul3A_716 : i32 to vector<16xi32>
    %mul3A_718 = arith.muli %mul3A_717, %add3A_715 : vector<16xi32>
    %get3A_719 = arith.constant 48 : index
    %get3A_720 = tpu.vector_load %arg5[%get3A_719] {strides = array<i32>} : memref<256xi32, #tpu.memory_space<vmem>>, vector<16xi32>,
    %get3A_721 = vector.shape_cast %get3A_720 : vector<16xi32> to vector<16xi32>
    %add3A_722 = arith.addi %mul3A_718, %get3A_721 : vector<16xi32>
    %swap3A_723 = arith.constant 48 : index
    %swap3A_724 = tpu.vector_load %arg6[%swap3A_723] {strides = array<i32>} : memref<256xi32, #tpu.memory_space<vmem>>, vector<16xi32>,
    %swap3A_725 = vector.shape_cast %swap3A_724 : vector<16xi32> to vector<16xi32>
    %swap3A_726 = vector.shape_cast %add3A_722 : vector<16xi32> to vector<16xi32>
    tpu.vector_store %arg6[%swap3A_723], %swap3A_726 {strides = array<i32>} : memref<256xi32, #tpu.memory_space<vmem>>, vector<16xi32>,
    %add3A_727 = arith.constant 64 : i32
    %add3A_728 = vector.broadcast %add3A_727 : i32 to vector<16xi32>
    %add3A_729 = arith.addi %add3A_728, %iota3A : vector<16xi32>
    %mul3A_730 = arith.constant 2 : i32
    %mul3A_731 = vector.broadcast %mul3A_730 : i32 to vector<16xi32>
    %mul3A_732 = arith.muli %mul3A_731, %add3A_729 : vector<16xi32>
    %get3A_733 = arith.constant 64 : index
    %get3A_734 = tpu.vector_load %arg5[%get3A_733] {strides = array<i32>} : memref<256xi32, #tpu.memory_space<vmem>>, vector<16xi32>,
    %get3A_735 = vector.shape_cast %get3A_734 : vector<16xi32> to vector<16xi32>
    %add3A_736 = arith.addi %mul3A_732, %get3A_735 : vector<16xi32>
    %swap3A_737 = arith.constant 64 : index
    %swap3A_738 = tpu.vector_load %arg6[%swap3A_737] {strides = array<i32>} : memref<256xi32, #tpu.memory_space<vmem>>, vector<16xi32>,
    %swap3A_739 = vector.shape_cast %swap3A_738 : vector<16xi32> to vector<16xi32>
    %swap3A_740 = vector.shape_cast %add3A_736 : vector<16xi32> to vector<16xi32>
    tpu.vector_store %arg6[%swap3A_737], %swap3A_740 {strides = array<i32>} : memref<256xi32, #tpu.memory_space<vmem>>, vector<16xi32>,
    %add3A_741 = arith.constant 80 : i32
    %add3A_742 = vector.broadcast %add3A_741 : i32 to vector<16xi32>
    %add3A_743 = arith.addi %add3A_742, %iota3A : vector<16xi32>
    %mul3A_744 = arith.constant 2 : i32
    %mul3A_745 = vector.broadcast %mul3A_744 : i32 to vector<16xi32>
    %mul3A_746 = arith.muli %mul3A_745, %add3A_743 : vector<16xi32>
    %get3A_747 = arith.constant 80 : index
    %get3A_748 = tpu.vector_load %arg5[%get3A_747] {strides = array<i32>} : memref<256xi32, #tpu.memory_space<vmem>>, vector<16xi32>,
    %get3A_749 = vector.shape_cast %get3A_748 : vector<16xi32> to vector<16xi32>
    %add3A_750 = arith.addi %mul3A_746, %get3A_749 : vector<16xi32>
    %swap3A_751 = arith.constant 80 : index
    %swap3A_752 = tpu.vector_load %arg6[%swap3A_751] {strides = array<i32>} : memref<256xi32, #tpu.memory_space<vmem>>, vector<16xi32>,
    %swap3A_753 = vector.shape_cast %swap3A_752 : vector<16xi32> to vector<16xi32>
    %swap3A_754 = vector.shape_cast %add3A_750 : vector<16xi32> to vector<16xi32>
    tpu.vector_store %arg6[%swap3A_751], %swap3A_754 {strides = array<i32>} : memref<256xi32, #tpu.memory_space<vmem>>, vector<16xi32>,
    %add3A_755 = arith.constant 96 : i32
    %add3A_756 = vector.broadcast %add3A_755 : i32 to vector<16xi32>
    %add3A_757 = arith.addi %add3A_756, %iota3A : vector<16xi32>
    %mul3A_758 = arith.constant 2 : i32
    %mul3A_759 = vector.broadcast %mul3A_758 : i32 to vector<16xi32>
    %mul3A_760 = arith.muli %mul3A_759, %add3A_757 : vector<16xi32>
    %get3A_761 = arith.constant 96 : index
    %get3A_762 = tpu.vector_load %arg5[%get3A_761] {strides = array<i32>} : memref<256xi32, #tpu.memory_space<vmem>>, vector<16xi32>,
    %get3A_763 = vector.shape_cast %get3A_762 : vector<16xi32> to vector<16xi32>
    %add3A_764 = arith.addi %mul3A_760, %get3A_763 : vector<16xi32>
    %swap3A_765 = arith.constant 96 : index
    %swap3A_766 = tpu.vector_load %arg6[%swap3A_765] {strides = array<i32>} : memref<256xi32, #tpu.memory_space<vmem>>, vector<16xi32>,
    %swap3A_767 = vector.shape_cast %swap3A_766 : vector<16xi32> to vector<16xi32>
    %swap3A_768 = vector.shape_cast %add3A_764 : vector<16xi32> to vector<16xi32>
    tpu.vector_store %arg6[%swap3A_765], %swap3A_768 {strides = array<i32>} : memref<256xi32, #tpu.memory_space<vmem>>, vector<16xi32>,
    %add3A_769 = arith.constant 112 : i32
    %add3A_770 = vector.broadcast %add3A_769 : i32 to vector<16xi32>
    %add3A_771 = arith.addi %add3A_770, %iota3A : vector<16xi32>
    %mul3A_772 = arith.constant 2 : i32
    %mul3A_773 = vector.broadcast %mul3A_772 : i32 to vector<16xi32>
    %mul3A_774 = arith.muli %mul3A_773, %add3A_771 : vector<16xi32>
    %get3A_775 = arith.constant 112 : index
    %get3A_776 = tpu.vector_load %arg5[%get3A_775] {strides = array<i32>} : memref<256xi32, #tpu.memory_space<vmem>>, vector<16xi32>,
    %get3A_777 = vector.shape_cast %get3A_776 : vector<16xi32> to vector<16xi32>
    %add3A_778 = arith.addi %mul3A_774, %get3A_777 : vector<16xi32>
    %swap3A_779 = arith.constant 112 : index
    %swap3A_780 = tpu.vector_load %arg6[%swap3A_779] {strides = array<i32>} : memref<256xi32, #tpu.memory_space<vmem>>, vector<16xi32>,
    %swap3A_781 = vector.shape_cast %swap3A_780 : vector<16xi32> to vector<16xi32>
    %swap3A_782 = vector.shape_cast %add3A_778 : vector<16xi32> to vector<16xi32>
    tpu.vector_store %arg6[%swap3A_779], %swap3A_782 {strides = array<i32>} : memref<256xi32, #tpu.memory_space<vmem>>, vector<16xi32>,
    %add3A_783 = arith.constant 128 : i32
    %add3A_784 = vector.broadcast %add3A_783 : i32 to vector<16xi32>
    %add3A_785 = arith.addi %add3A_784, %iota3A : vector<16xi32>
    %mul3A_786 = arith.constant 2 : i32
    %mul3A_787 = vector.broadcast %mul3A_786 : i32 to vector<16xi32>
    %mul3A_788 = arith.muli %mul3A_787, %add3A_785 : vector<16xi32>
    %get3A_789 = arith.constant 128 : index
    %get3A_790 = tpu.vector_load %arg5[%get3A_789] {strides = array<i32>} : memref<256xi32, #tpu.memory_space<vmem>>, vector<16xi32>,
    %get3A_791 = vector.shape_cast %get3A_790 : vector<16xi32> to vector<16xi32>
    %add3A_792 = arith.addi %mul3A_788, %get3A_791 : vector<16xi32>
    %swap3A_793 = arith.constant 128 : index
    %swap3A_794 = tpu.vector_load %arg6[%swap3A_793] {strides = array<i32>} : memref<256xi32, #tpu.memory_space<vmem>>, vector<16xi32>,
    %swap3A_795 = vector.shape_cast %swap3A_794 : vector<16xi32> to vector<16xi32>
    %swap3A_796 = vector.shape_cast %add3A_792 : vector<16xi32> to vector<16xi32>
    tpu.vector_store %arg6[%swap3A_793], %swap3A_796 {strides = array<i32>} : memref<256xi32, #tpu.memory_space<vmem>>, vector<16xi32>,
    %add3A_797 = arith.constant 144 : i32
    %add3A_798 = vector.broadcast %add3A_797 : i32 to vector<16xi32>
    %add3A_799 = arith.addi %add3A_798, %iota3A : vector<16xi32>
    %mul3A_800 = arith.constant 2 : i32
    %mul3A_801 = vector.broadcast %mul3A_800 : i32 to vector<16xi32>
    %mul3A_802 = arith.muli %mul3A_801, %add3A_799 : vector<16xi32>
    %get3A_803 = arith.constant 144 : index
    %get3A_804 = tpu.vector_load %arg5[%get3A_803] {strides = array<i32>} : memref<256xi32, #tpu.memory_space<vmem>>, vector<16xi32>,
    %get3A_805 = vector.shape_cast %get3A_804 : vector<16xi32> to vector<16xi32>
    %add3A_806 = arith.addi %mul3A_802, %get3A_805 : vector<16xi32>
    %swap3A_807 = arith.constant 144 : index
    %swap3A_808 = tpu.vector_load %arg6[%swap3A_807] {strides = array<i32>} : memref<256xi32, #tpu.memory_space<vmem>>, vector<16xi32>,
    %swap3A_809 = vector.shape_cast %swap3A_808 : vector<16xi32> to vector<16xi32>
    %swap3A_810 = vector.shape_cast %add3A_806 : vector<16xi32> to vector<16xi32>
    tpu.vector_store %arg6[%swap3A_807], %swap3A_810 {strides = array<i32>} : memref<256xi32, #tpu.memory_space<vmem>>, vector<16xi32>,
    %add3A_811 = arith.constant 160 : i32
    %add3A_812 = vector.broadcast %add3A_811 : i32 to vector<16xi32>
    %add3A_813 = arith.addi %add3A_812, %iota3A : vector<16xi32>
    %mul3A_814 = arith.constant 2 : i32
    %mul3A_815 = vector.broadcast %mul3A_814 : i32 to vector<16xi32>
    %mul3A_816 = arith.muli %mul3A_815, %add3A_813 : vector<16xi32>
    %get3A_817 = arith.constant 160 : index
    %get3A_818 = tpu.vector_load %arg5[%get3A_817] {strides = array<i32>} : memref<256xi32, #tpu.memory_space<vmem>>, vector<16xi32>,
    %get3A_819 = vector.shape_cast %get3A_818 : vector<16xi32> to vector<16xi32>
    %add3A_820 = arith.addi %mul3A_816, %get3A_819 : vector<16xi32>
    %swap3A_821 = arith.constant 160 : index
    %swap3A_822 = tpu.vector_load %arg6[%swap3A_821] {strides = array<i32>} : memref<256xi32, #tpu.memory_space<vmem>>, vector<16xi32>,
    %swap3A_823 = vector.shape_cast %swap3A_822 : vector<16xi32> to vector<16xi32>
    %swap3A_824 = vector.shape_cast %add3A_820 : vector<16xi32> to vector<16xi32>
    tpu.vector_store %arg6[%swap3A_821], %swap3A_824 {strides = array<i32>} : memref<256xi32, #tpu.memory_space<vmem>>, vector<16xi32>,
    %add3A_825 = arith.constant 176 : i32
    %add3A_826 = vector.broadcast %add3A_825 : i32 to vector<16xi32>
    %add3A_827 = arith.addi %add3A_826, %iota3A : vector<16xi32>
    %mul3A_828 = arith.constant 2 : i32
    %mul3A_829 = vector.broadcast %mul3A_828 : i32 to vector<16xi32>
    %mul3A_830 = arith.muli %mul3A_829, %add3A_827 : vector<16xi32>
    %get3A_831 = arith.constant 176 : index
    %get3A_832 = tpu.vector_load %arg5[%get3A_831] {strides = array<i32>} : memref<256xi32, #tpu.memory_space<vmem>>, vector<16xi32>,
    %get3A_833 = vector.shape_cast %get3A_832 : vector<16xi32> to vector<16xi32>
    %add3A_834 = arith.addi %mul3A_830, %get3A_833 : vector<16xi32>
    %swap3A_835 = arith.constant 176 : index
    %swap3A_836 = tpu.vector_load %arg6[%swap3A_835] {strides = array<i32>} : memref<256xi32, #tpu.memory_space<vmem>>, vector<16xi32>,
    %swap3A_837 = vector.shape_cast %swap3A_836 : vector<16xi32> to vector<16xi32>
    %swap3A_838 = vector.shape_cast %add3A_834 : vector<16xi32> to vector<16xi32>
    tpu.vector_store %arg6[%swap3A_835], %swap3A_838 {strides = array<i32>} : memref<256xi32, #tpu.memory_space<vmem>>, vector<16xi32>,
    %add3A_839 = arith.constant 192 : i32
    %add3A_840 = vector.broadcast %add3A_839 : i32 to vector<16xi32>
    %add3A_841 = arith.addi %add3A_840, %iota3A : vector<16xi32>
    %mul3A_842 = arith.constant 2 : i32
    %mul3A_843 = vector.broadcast %mul3A_842 : i32 to vector<16xi32>
    %mul3A_844 = arith.muli %mul3A_843, %add3A_841 : vector<16xi32>
    %get3A_845 = arith.constant 192 : index
    %get3A_846 = tpu.vector_load %arg5[%get3A_845] {strides = array<i32>} : memref<256xi32, #tpu.memory_space<vmem>>, vector<16xi32>,
    %get3A_847 = vector.shape_cast %get3A_846 : vector<16xi32> to vector<16xi32>
    %add3A_848 = arith.addi %mul3A_844, %get3A_847 : vector<16xi32>
    %swap3A_849 = arith.constant 192 : index
    %swap3A_850 = tpu.vector_load %arg6[%swap3A_849] {strides = array<i32>} : memref<256xi32, #tpu.memory_space<vmem>>, vector<16xi32>,
    %swap3A_851 = vector.shape_cast %swap3A_850 : vector<16xi32> to vector<16xi32>
    %swap3A_852 = vector.shape_cast %add3A_848 : vector<16xi32> to vector<16xi32>
    tpu.vector_store %arg6[%swap3A_849], %swap3A_852 {strides = array<i32>} : memref<256xi32, #tpu.memory_space<vmem>>, vector<16xi32>,
    %add3A_853 = arith.constant 208 : i32
    %add3A_854 = vector.broadcast %add3A_853 : i32 to vector<16xi32>
    %add3A_855 = arith.addi %add3A_854, %iota3A : vector<16xi32>
    %mul3A_856 = arith.constant 2 : i32
    %mul3A_857 = vector.broadcast %mul3A_856 : i32 to vector<16xi32>
    %mul3A_858 = arith.muli %mul3A_857, %add3A_855 : vector<16xi32>
    %get3A_859 = arith.constant 208 : index
    %get3A_860 = tpu.vector_load %arg5[%get3A_859] {strides = array<i32>} : memref<256xi32, #tpu.memory_space<vmem>>, vector<16xi32>,
    %get3A_861 = vector.shape_cast %get3A_860 : vector<16xi32> to vector<16xi32>
    %add3A_862 = arith.addi %mul3A_858, %get3A_861 : vector<16xi32>
    %swap3A_863 = arith.constant 208 : index
    %swap3A_864 = tpu.vector_load %arg6[%swap3A_863] {strides = array<i32>} : memref<256xi32, #tpu.memory_space<vmem>>, vector<16xi32>,
    %swap3A_865 = vector.shape_cast %swap3A_864 : vector<16xi32> to vector<16xi32>
    %swap3A_866 = vector.shape_cast %add3A_862 : vector<16xi32> to vector<16xi32>
    tpu.vector_store %arg6[%swap3A_863], %swap3A_866 {strides = array<i32>} : memref<256xi32, #tpu.memory_space<vmem>>, vector<16xi32>,
    %add3A_867 = arith.constant 224 : i32
    %add3A_868 = vector.broadcast %add3A_867 : i32 to vector<16xi32>
    %add3A_869 = arith.addi %add3A_868, %iota3A : vector<16xi32>
    %mul3A_870 = arith.constant 2 : i32
    %mul3A_871 = vector.broadcast %mul3A_870 : i32 to vector<16xi32>
    %mul3A_872 = arith.muli %mul3A_871, %add3A_869 : vector<16xi32>
    %get3A_873 = arith.constant 224 : index
    %get3A_874 = tpu.vector_load %arg5[%get3A_873] {strides = array<i32>} : memref<256xi32, #tpu.memory_space<vmem>>, vector<16xi32>,
    %get3A_875 = vector.shape_cast %get3A_874 : vector<16xi32> to vector<16xi32>
    %add3A_876 = arith.addi %mul3A_872, %get3A_875 : vector<16xi32>
    %swap3A_877 = arith.constant 224 : index
    %swap3A_878 = tpu.vector_load %arg6[%swap3A_877] {strides = array<i32>} : memref<256xi32, #tpu.memory_space<vmem>>, vector<16xi32>,
    %swap3A_879 = vector.shape_cast %swap3A_878 : vector<16xi32> to vector<16xi32>
    %swap3A_880 = vector.shape_cast %add3A_876 : vector<16xi32> to vector<16xi32>
    tpu.vector_store %arg6[%swap3A_877], %swap3A_880 {strides = array<i32>} : memref<256xi32, #tpu.memory_space<vmem>>, vector<16xi32>,
    %add3A_881 = arith.constant 240 : i32
    %add3A_882 = vector.broadcast %add3A_881 : i32 to vector<16xi32>
    %add3A_883 = arith.addi %add3A_882, %iota3A : vector<16xi32>
    %mul3A_884 = arith.constant 2 : i32
    %mul3A_885 = vector.broadcast %mul3A_884 : i32 to vector<16xi32>
    %mul3A_886 = arith.muli %mul3A_885, %add3A_883 : vector<16xi32>
    %get3A_887 = arith.constant 240 : index
    %get3A_888 = tpu.vector_load %arg5[%get3A_887] {strides = array<i32>} : memref<256xi32, #tpu.memory_space<vmem>>, vector<16xi32>,
    %get3A_889 = vector.shape_cast %get3A_888 : vector<16xi32> to vector<16xi32>
    %add3A_890 = arith.addi %mul3A_886, %get3A_889 : vector<16xi32>
    %swap3A_891 = arith.constant 240 : index
    %swap3A_892 = tpu.vector_load %arg6[%swap3A_891] {strides = array<i32>} : memref<256xi32, #tpu.memory_space<vmem>>, vector<16xi32>,
    %swap3A_893 = vector.shape_cast %swap3A_892 : vector<16xi32> to vector<16xi32>
    %swap3A_894 = vector.shape_cast %add3A_890 : vector<16xi32> to vector<16xi32>
    tpu.vector_store %arg6[%swap3A_891], %swap3A_894 {strides = array<i32>} : memref<256xi32, #tpu.memory_space<vmem>>, vector<16xi32>,
    %dma_start3A_895 = arith.constant 0 : i32
    %dma_start3A_896 = arith.constant 0 : i32
    %dma_start3A_897 = tpu.memref_slice %arg3[%dma_start3A_895, %dma_start3A_896] : memref<512x256xf32, #tpu.memory_space<hbm>> -> memref<512x256xf32, #tpu.memory_space<hbm>>
    tpu.enqueue_indirect_dma source(%dma_start3A_897 : memref<512x256xf32, #tpu.memory_space<hbm>>) target(%arg7 : memref<256x256xf32, #tpu.memory_space<vmem>>) offsets(%arg6 : memref<256xi32, #tpu.memory_space<vmem>>) semaphore(%arg9 : memref<!tpu.dma_semaphore, #tpu.memory_space<semaphore_mem>>)
    %dma_wait3A_898 = arith.constant 0 : i32
    %dma_wait3A_899 = arith.constant 0 : i32
    %dma_wait3A_900 = tpu.memref_slice %arg3[%dma_wait3A_898, %dma_wait3A_899] : memref<512x256xf32, #tpu.memory_space<hbm>> -> memref<512x256xf32, #tpu.memory_space<hbm>>
    tpu.wait_indirect_dma semaphore(%arg9 : memref<!tpu.dma_semaphore, #tpu.memory_space<semaphore_mem>>) src(%dma_wait3A_900 : memref<512x256xf32, #tpu.memory_space<hbm>>) dst(%arg7 : memref<256x256xf32, #tpu.memory_space<vmem>>)
    %broadcast_in_dim3A_901 = arith.constant 0.000000e+00 : f32
    %broadcast_in_dim3A_902 = vector.broadcast %broadcast_in_dim3A_901 : f32 to vector<16xf32>
    %broadcast_in_dim3A_903 = arith.constant 0.000000e+00 : f32
    %broadcast_in_dim3A_904 = vector.broadcast %broadcast_in_dim3A_903 : f32 to vector<16xf32>
    %broadcast_in_dim3A_905 = arith.constant 0.000000e+00 : f32
    %broadcast_in_dim3A_906 = vector.broadcast %broadcast_in_dim3A_905 : f32 to vector<16xf32>
    %broadcast_in_dim3A_907 = arith.constant 0.000000e+00 : f32
    %broadcast_in_dim3A_908 = vector.broadcast %broadcast_in_dim3A_907 : f32 to vector<16xf32>
    %broadcast_in_dim3A_909 = arith.constant 0.000000e+00 : f32
    %broadcast_in_dim3A_910 = vector.broadcast %broadcast_in_dim3A_909 : f32 to vector<16xf32>
    %broadcast_in_dim3A_911 = arith.constant 0.000000e+00 : f32
    %broadcast_in_dim3A_912 = vector.broadcast %broadcast_in_dim3A_911 : f32 to vector<16xf32>
    %broadcast_in_dim3A_913 = arith.constant 0.000000e+00 : f32
    %broadcast_in_dim3A_914 = vector.broadcast %broadcast_in_dim3A_913 : f32 to vector<16xf32>
    %broadcast_in_dim3A_915 = arith.constant 0.000000e+00 : f32
    %broadcast_in_dim3A_916 = vector.broadcast %broadcast_in_dim3A_915 : f32 to vector<16xf32>
    %broadcast_in_dim3A_917 = arith.constant 0.000000e+00 : f32
    %broadcast_in_dim3A_918 = vector.broadcast %broadcast_in_dim3A_917 : f32 to vector<16xf32>
    %broadcast_in_dim3A_919 = arith.constant 0.000000e+00 : f32
    %broadcast_in_dim3A_920 = vector.broadcast %broadcast_in_dim3A_919 : f32 to vector<16xf32>
    %broadcast_in_dim3A_921 = arith.constant 0.000000e+00 : f32
    %broadcast_in_dim3A_922 = vector.broadcast %broadcast_in_dim3A_921 : f32 to vector<16xf32>
    %broadcast_in_dim3A_923 = arith.constant 0.000000e+00 : f32
    %broadcast_in_dim3A_924 = vector.broadcast %broadcast_in_dim3A_923 : f32 to vector<16xf32>
    %broadcast_in_dim3A_925 = arith.constant 0.000000e+00 : f32
    %broadcast_in_dim3A_926 = vector.broadcast %broadcast_in_dim3A_925 : f32 to vector<16xf32>
    %broadcast_in_dim3A_927 = arith.constant 0.000000e+00 : f32
    %broadcast_in_dim3A_928 = vector.broadcast %broadcast_in_dim3A_927 : f32 to vector<16xf32>
    %broadcast_in_dim3A_929 = arith.constant 0.000000e+00 : f32
    %broadcast_in_dim3A_930 = vector.broadcast %broadcast_in_dim3A_929 : f32 to vector<16xf32>
    %broadcast_in_dim3A_931 = arith.constant 0.000000e+00 : f32
    %broadcast_in_dim3A_932 = vector.broadcast %broadcast_in_dim3A_931 : f32 to vector<16xf32>
    %scan3A_933 = arith.constant 0 : i32
    %scan3A_934 = arith.constant 256 : i32
    %scan3A_935 = arith.addi %scan3A_933, %scan3A_934 : i32
    %scan3A_936 = arith.constant 1 : i32
    %scan3A_937:16 = scf.for %scan3A_1339 = %scan3A_933 to %scan3A_935 step %scan3A_936 iter_args(%scan3A_1340 = %broadcast_in_dim3A_902, %scan3A_1341 = %broadcast_in_dim3A_904, %scan3A_1342 = %broadcast_in_dim3A_906, %scan3A_1343 = %broadcast_in_dim3A_908, %scan3A_1344 = %broadcast_in_dim3A_910, %scan3A_1345 = %broadcast_in_dim3A_912, %scan3A_1346 = %broadcast_in_dim3A_914, %scan3A_1347 = %broadcast_in_dim3A_916, %scan3A_1348 = %broadcast_in_dim3A_918, %scan3A_1349 = %broadcast_in_dim3A_920, %scan3A_1350 = %broadcast_in_dim3A_922, %scan3A_1351 = %broadcast_in_dim3A_924, %scan3A_1352 = %broadcast_in_dim3A_926, %scan3A_1353 = %broadcast_in_dim3A_928, %scan3A_1354 = %broadcast_in_dim3A_930, %scan3A_1355 = %broadcast_in_dim3A_932) -> (vector<16xf32>, vector<16xf32>, vector<16xf32>, vector<16xf32>, vector<16xf32>, vector<16xf32>, vector<16xf32>, vector<16xf32>, vector<16xf32>, vector<16xf32>, vector<16xf32>, vector<16xf32>, vector<16xf32>, vector<16xf32>, vector<16xf32>, vector<16xf32>)  : i32 {
      %get3A_1356 = arith.index_cast %scan3A_1339 : i32 to index
      %get3A_1357 = arith.constant 0 : index
      %get3A_1358 = tpu.vector_load %arg7[%get3A_1356, %get3A_1357] {strides = array<i32>} : memref<256x256xf32, #tpu.memory_space<vmem>>, vector<1x16xf32>,
      %get3A_1359 = vector.shape_cast %get3A_1358 : vector<1x16xf32> to vector<16xf32>
      %add3A_1360 = arith.addf %scan3A_1340, %get3A_1359 : vector<16xf32>
      %get3A_1361 = arith.index_cast %scan3A_1339 : i32 to index
      %get3A_1362 = arith.constant 16 : index
      %get3A_1363 = tpu.vector_load %arg7[%get3A_1361, %get3A_1362] {strides = array<i32>} : memref<256x256xf32, #tpu.memory_space<vmem>>, vector<1x16xf32>,
      %get3A_1364 = vector.shape_cast %get3A_1363 : vector<1x16xf32> to vector<16xf32>
      %add3A_1365 = arith.addf %scan3A_1341, %get3A_1364 : vector<16xf32>
      %get3A_1366 = arith.index_cast %scan3A_1339 : i32 to index
      %get3A_1367 = arith.constant 32 : index
      %get3A_1368 = tpu.vector_load %arg7[%get3A_1366, %get3A_1367] {strides = array<i32>} : memref<256x256xf32, #tpu.memory_space<vmem>>, vector<1x16xf32>,
      %get3A_1369 = vector.shape_cast %get3A_1368 : vector<1x16xf32> to vector<16xf32>
      %add3A_1370 = arith.addf %scan3A_1342, %get3A_1369 : vector<16xf32>
      %get3A_1371 = arith.index_cast %scan3A_1339 : i32 to index
      %get3A_1372 = arith.constant 48 : index
      %get3A_1373 = tpu.vector_load %arg7[%get3A_1371, %get3A_1372] {strides = array<i32>} : memref<256x256xf32, #tpu.memory_space<vmem>>, vector<1x16xf32>,
      %get3A_1374 = vector.shape_cast %get3A_1373 : vector<1x16xf32> to vector<16xf32>
      %add3A_1375 = arith.addf %scan3A_1343, %get3A_1374 : vector<16xf32>
      %get3A_1376 = arith.index_cast %scan3A_1339 : i32 to index
      %get3A_1377 = arith.constant 64 : index
      %get3A_1378 = tpu.vector_load %arg7[%get3A_1376, %get3A_1377] {strides = array<i32>} : memref<256x256xf32, #tpu.memory_space<vmem>>, vector<1x16xf32>,
      %get3A_1379 = vector.shape_cast %get3A_1378 : vector<1x16xf32> to vector<16xf32>
      %add3A_1380 = arith.addf %scan3A_1344, %get3A_1379 : vector<16xf32>
      %get3A_1381 = arith.index_cast %scan3A_1339 : i32 to index
      %get3A_1382 = arith.constant 80 : index
      %get3A_1383 = tpu.vector_load %arg7[%get3A_1381, %get3A_1382] {strides = array<i32>} : memref<256x256xf32, #tpu.memory_space<vmem>>, vector<1x16xf32>,
      %get3A_1384 = vector.shape_cast %get3A_1383 : vector<1x16xf32> to vector<16xf32>
      %add3A_1385 = arith.addf %scan3A_1345, %get3A_1384 : vector<16xf32>
      %get3A_1386 = arith.index_cast %scan3A_1339 : i32 to index
      %get3A_1387 = arith.constant 96 : index
      %get3A_1388 = tpu.vector_load %arg7[%get3A_1386, %get3A_1387] {strides = array<i32>} : memref<256x256xf32, #tpu.memory_space<vmem>>, vector<1x16xf32>,
      %get3A_1389 = vector.shape_cast %get3A_1388 : vector<1x16xf32> to vector<16xf32>
      %add3A_1390 = arith.addf %scan3A_1346, %get3A_1389 : vector<16xf32>
      %get3A_1391 = arith.index_cast %scan3A_1339 : i32 to index
      %get3A_1392 = arith.constant 112 : index
      %get3A_1393 = tpu.vector_load %arg7[%get3A_1391, %get3A_1392] {strides = array<i32>} : memref<256x256xf32, #tpu.memory_space<vmem>>, vector<1x16xf32>,
      %get3A_1394 = vector.shape_cast %get3A_1393 : vector<1x16xf32> to vector<16xf32>
      %add3A_1395 = arith.addf %scan3A_1347, %get3A_1394 : vector<16xf32>
      %get3A_1396 = arith.index_cast %scan3A_1339 : i32 to index
      %get3A_1397 = arith.constant 128 : index
      %get3A_1398 = tpu.vector_load %arg7[%get3A_1396, %get3A_1397] {strides = array<i32>} : memref<256x256xf32, #tpu.memory_space<vmem>>, vector<1x16xf32>,
      %get3A_1399 = vector.shape_cast %get3A_1398 : vector<1x16xf32> to vector<16xf32>
      %add3A_1400 = arith.addf %scan3A_1348, %get3A_1399 : vector<16xf32>
      %get3A_1401 = arith.index_cast %scan3A_1339 : i32 to index
      %get3A_1402 = arith.constant 144 : index
      %get3A_1403 = tpu.vector_load %arg7[%get3A_1401, %get3A_1402] {strides = array<i32>} : memref<256x256xf32, #tpu.memory_space<vmem>>, vector<1x16xf32>,
      %get3A_1404 = vector.shape_cast %get3A_1403 : vector<1x16xf32> to vector<16xf32>
      %add3A_1405 = arith.addf %scan3A_1349, %get3A_1404 : vector<16xf32>
      %get3A_1406 = arith.index_cast %scan3A_1339 : i32 to index
      %get3A_1407 = arith.constant 160 : index
      %get3A_1408 = tpu.vector_load %arg7[%get3A_1406, %get3A_1407] {strides = array<i32>} : memref<256x256xf32, #tpu.memory_space<vmem>>, vector<1x16xf32>,
      %get3A_1409 = vector.shape_cast %get3A_1408 : vector<1x16xf32> to vector<16xf32>
      %add3A_1410 = arith.addf %scan3A_1350, %get3A_1409 : vector<16xf32>
      %get3A_1411 = arith.index_cast %scan3A_1339 : i32 to index
      %get3A_1412 = arith.constant 176 : index
      %get3A_1413 = tpu.vector_load %arg7[%get3A_1411, %get3A_1412] {strides = array<i32>} : memref<256x256xf32, #tpu.memory_space<vmem>>, vector<1x16xf32>,
      %get3A_1414 = vector.shape_cast %get3A_1413 : vector<1x16xf32> to vector<16xf32>
      %add3A_1415 = arith.addf %scan3A_1351, %get3A_1414 : vector<16xf32>
      %get3A_1416 = arith.index_cast %scan3A_1339 : i32 to index
      %get3A_1417 = arith.constant 192 : index
      %get3A_1418 = tpu.vector_load %arg7[%get3A_1416, %get3A_1417] {strides = array<i32>} : memref<256x256xf32, #tpu.memory_space<vmem>>, vector<1x16xf32>,
      %get3A_1419 = vector.shape_cast %get3A_1418 : vector<1x16xf32> to vector<16xf32>
      %add3A_1420 = arith.addf %scan3A_1352, %get3A_1419 : vector<16xf32>
      %get3A_1421 = arith.index_cast %scan3A_1339 : i32 to index
      %get3A_1422 = arith.constant 208 : index
      %get3A_1423 = tpu.vector_load %arg7[%get3A_1421, %get3A_1422] {strides = array<i32>} : memref<256x256xf32, #tpu.memory_space<vmem>>, vector<1x16xf32>,
      %get3A_1424 = vector.shape_cast %get3A_1423 : vector<1x16xf32> to vector<16xf32>
      %add3A_1425 = arith.addf %scan3A_1353, %get3A_1424 : vector<16xf32>
      %get3A_1426 = arith.index_cast %scan3A_1339 : i32 to index
      %get3A_1427 = arith.constant 224 : index
      %get3A_1428 = tpu.vector_load %arg7[%get3A_1426, %get3A_1427] {strides = array<i32>} : memref<256x256xf32, #tpu.memory_space<vmem>>, vector<1x16xf32>,
      %get3A_1429 = vector.shape_cast %get3A_1428 : vector<1x16xf32> to vector<16xf32>
      %add3A_1430 = arith.addf %scan3A_1354, %get3A_1429 : vector<16xf32>
      %get3A_1431 = arith.index_cast %scan3A_1339 : i32 to index
      %get3A_1432 = arith.constant 240 : index
      %get3A_1433 = tpu.vector_load %arg7[%get3A_1431, %get3A_1432] {strides = array<i32>} : memref<256x256xf32, #tpu.memory_space<vmem>>, vector<1x16xf32>,
      %get3A_1434 = vector.shape_cast %get3A_1433 : vector<1x16xf32> to vector<16xf32>
      %add3A_1435 = arith.addf %scan3A_1355, %get3A_1434 : vector<16xf32>
      scf.yield %add3A_1360, %add3A_1365, %add3A_1370, %add3A_1375, %add3A_1380, %add3A_1385, %add3A_1390, %add3A_1395, %add3A_1400, %add3A_1405, %add3A_1410, %add3A_1415, %add3A_1420, %add3A_1425, %add3A_1430, %add3A_1435 : vector<16xf32>, vector<16xf32>, vector<16xf32>, vector<16xf32>, vector<16xf32>, vector<16xf32>, vector<16xf32>, vector<16xf32>, vector<16xf32>, vector<16xf32>, vector<16xf32>, vector<16xf32>, vector<16xf32>, vector<16xf32>, vector<16xf32>, vector<16xf32>
    }
    %scan3A_938 = arith.constant 256 : i32
    %swap3A_939 = arith.constant 0 : index
    %swap3A_940 = tpu.vector_load %arg8[%swap3A_939] {strides = array<i32>} : memref<256xf32, #tpu.memory_space<vmem>>, vector<16xf32>,
    %swap3A_941 = vector.shape_cast %swap3A_940 : vector<16xf32> to vector<16xf32>
    %swap3A_942 = vector.shape_cast %scan3A_937#0 : vector<16xf32> to vector<16xf32>
    tpu.vector_store %arg8[%swap3A_939], %swap3A_942 {strides = array<i32>} : memref<256xf32, #tpu.memory_space<vmem>>, vector<16xf32>,
    %swap3A_943 = arith.constant 16 : index
    %swap3A_944 = tpu.vector_load %arg8[%swap3A_943] {strides = array<i32>} : memref<256xf32, #tpu.memory_space<vmem>>, vector<16xf32>,
    %swap3A_945 = vector.shape_cast %swap3A_944 : vector<16xf32> to vector<16xf32>
    %swap3A_946 = vector.shape_cast %scan3A_937#1 : vector<16xf32> to vector<16xf32>
    tpu.vector_store %arg8[%swap3A_943], %swap3A_946 {strides = array<i32>} : memref<256xf32, #tpu.memory_space<vmem>>, vector<16xf32>,
    %swap3A_947 = arith.constant 32 : index
    %swap3A_948 = tpu.vector_load %arg8[%swap3A_947] {strides = array<i32>} : memref<256xf32, #tpu.memory_space<vmem>>, vector<16xf32>,
    %swap3A_949 = vector.shape_cast %swap3A_948 : vector<16xf32> to vector<16xf32>
    %swap3A_950 = vector.shape_cast %scan3A_937#2 : vector<16xf32> to vector<16xf32>
    tpu.vector_store %arg8[%swap3A_947], %swap3A_950 {strides = array<i32>} : memref<256xf32, #tpu.memory_space<vmem>>, vector<16xf32>,
    %swap3A_951 = arith.constant 48 : index
    %swap3A_952 = tpu.vector_load %arg8[%swap3A_951] {strides = array<i32>} : memref<256xf32, #tpu.memory_space<vmem>>, vector<16xf32>,
    %swap3A_953 = vector.shape_cast %swap3A_952 : vector<16xf32> to vector<16xf32>
    %swap3A_954 = vector.shape_cast %scan3A_937#3 : vector<16xf32> to vector<16xf32>
    tpu.vector_store %arg8[%swap3A_951], %swap3A_954 {strides = array<i32>} : memref<256xf32, #tpu.memory_space<vmem>>, vector<16xf32>,
    %swap3A_955 = arith.constant 64 : index
    %swap3A_956 = tpu.vector_load %arg8[%swap3A_955] {strides = array<i32>} : memref<256xf32, #tpu.memory_space<vmem>>, vector<16xf32>,
    %swap3A_957 = vector.shape_cast %swap3A_956 : vector<16xf32> to vector<16xf32>
    %swap3A_958 = vector.shape_cast %scan3A_937#4 : vector<16xf32> to vector<16xf32>
    tpu.vector_store %arg8[%swap3A_955], %swap3A_958 {strides = array<i32>} : memref<256xf32, #tpu.memory_space<vmem>>, vector<16xf32>,
    %swap3A_959 = arith.constant 80 : index
    %swap3A_960 = tpu.vector_load %arg8[%swap3A_959] {strides = array<i32>} : memref<256xf32, #tpu.memory_space<vmem>>, vector<16xf32>,
    %swap3A_961 = vector.shape_cast %swap3A_960 : vector<16xf32> to vector<16xf32>
    %swap3A_962 = vector.shape_cast %scan3A_937#5 : vector<16xf32> to vector<16xf32>
    tpu.vector_store %arg8[%swap3A_959], %swap3A_962 {strides = array<i32>} : memref<256xf32, #tpu.memory_space<vmem>>, vector<16xf32>,
    %swap3A_963 = arith.constant 96 : index
    %swap3A_964 = tpu.vector_load %arg8[%swap3A_963] {strides = array<i32>} : memref<256xf32, #tpu.memory_space<vmem>>, vector<16xf32>,
    %swap3A_965 = vector.shape_cast %swap3A_964 : vector<16xf32> to vector<16xf32>
    %swap3A_966 = vector.shape_cast %scan3A_937#6 : vector<16xf32> to vector<16xf32>
    tpu.vector_store %arg8[%swap3A_963], %swap3A_966 {strides = array<i32>} : memref<256xf32, #tpu.memory_space<vmem>>, vector<16xf32>,
    %swap3A_967 = arith.constant 112 : index
    %swap3A_968 = tpu.vector_load %arg8[%swap3A_967] {strides = array<i32>} : memref<256xf32, #tpu.memory_space<vmem>>, vector<16xf32>,
    %swap3A_969 = vector.shape_cast %swap3A_968 : vector<16xf32> to vector<16xf32>
    %swap3A_970 = vector.shape_cast %scan3A_937#7 : vector<16xf32> to vector<16xf32>
    tpu.vector_store %arg8[%swap3A_967], %swap3A_970 {strides = array<i32>} : memref<256xf32, #tpu.memory_space<vmem>>, vector<16xf32>,
    %swap3A_971 = arith.constant 128 : index
    %swap3A_972 = tpu.vector_load %arg8[%swap3A_971] {strides = array<i32>} : memref<256xf32, #tpu.memory_space<vmem>>, vector<16xf32>,
    %swap3A_973 = vector.shape_cast %swap3A_972 : vector<16xf32> to vector<16xf32>
    %swap3A_974 = vector.shape_cast %scan3A_937#8 : vector<16xf32> to vector<16xf32>
    tpu.vector_store %arg8[%swap3A_971], %swap3A_974 {strides = array<i32>} : memref<256xf32, #tpu.memory_space<vmem>>, vector<16xf32>,
    %swap3A_975 = arith.constant 144 : index
    %swap3A_976 = tpu.vector_load %arg8[%swap3A_975] {strides = array<i32>} : memref<256xf32, #tpu.memory_space<vmem>>, vector<16xf32>,
    %swap3A_977 = vector.shape_cast %swap3A_976 : vector<16xf32> to vector<16xf32>
    %swap3A_978 = vector.shape_cast %scan3A_937#9 : vector<16xf32> to vector<16xf32>
    tpu.vector_store %arg8[%swap3A_975], %swap3A_978 {strides = array<i32>} : memref<256xf32, #tpu.memory_space<vmem>>, vector<16xf32>,
    %swap3A_979 = arith.constant 160 : index
    %swap3A_980 = tpu.vector_load %arg8[%swap3A_979] {strides = array<i32>} : memref<256xf32, #tpu.memory_space<vmem>>, vector<16xf32>,
    %swap3A_981 = vector.shape_cast %swap3A_980 : vector<16xf32> to vector<16xf32>
    %swap3A_982 = vector.shape_cast %scan3A_937#10 : vector<16xf32> to vector<16xf32>
    tpu.vector_store %arg8[%swap3A_979], %swap3A_982 {strides = array<i32>} : memref<256xf32, #tpu.memory_space<vmem>>, vector<16xf32>,
    %swap3A_983 = arith.constant 176 : index
    %swap3A_984 = tpu.vector_load %arg8[%swap3A_983] {strides = array<i32>} : memref<256xf32, #tpu.memory_space<vmem>>, vector<16xf32>,
    %swap3A_985 = vector.shape_cast %swap3A_984 : vector<16xf32> to vector<16xf32>
    %swap3A_986 = vector.shape_cast %scan3A_937#11 : vector<16xf32> to vector<16xf32>
    tpu.vector_store %arg8[%swap3A_983], %swap3A_986 {strides = array<i32>} : memref<256xf32, #tpu.memory_space<vmem>>, vector<16xf32>,
    %swap3A_987 = arith.constant 192 : index
    %swap3A_988 = tpu.vector_load %arg8[%swap3A_987] {strides = array<i32>} : memref<256xf32, #tpu.memory_space<vmem>>, vector<16xf32>,
    %swap3A_989 = vector.shape_cast %swap3A_988 : vector<16xf32> to vector<16xf32>
    %swap3A_990 = vector.shape_cast %scan3A_937#12 : vector<16xf32> to vector<16xf32>
    tpu.vector_store %arg8[%swap3A_987], %swap3A_990 {strides = array<i32>} : memref<256xf32, #tpu.memory_space<vmem>>, vector<16xf32>,
    %swap3A_991 = arith.constant 208 : index
    %swap3A_992 = tpu.vector_load %arg8[%swap3A_991] {strides = array<i32>} : memref<256xf32, #tpu.memory_space<vmem>>, vector<16xf32>,
    %swap3A_993 = vector.shape_cast %swap3A_992 : vector<16xf32> to vector<16xf32>
    %swap3A_994 = vector.shape_cast %scan3A_937#13 : vector<16xf32> to vector<16xf32>
    tpu.vector_store %arg8[%swap3A_991], %swap3A_994 {strides = array<i32>} : memref<256xf32, #tpu.memory_space<vmem>>, vector<16xf32>,
    %swap3A_995 = arith.constant 224 : index
    %swap3A_996 = tpu.vector_load %arg8[%swap3A_995] {strides = array<i32>} : memref<256xf32, #tpu.memory_space<vmem>>, vector<16xf32>,
    %swap3A_997 = vector.shape_cast %swap3A_996 : vector<16xf32> to vector<16xf32>
    %swap3A_998 = vector.shape_cast %scan3A_937#14 : vector<16xf32> to vector<16xf32>
    tpu.vector_store %arg8[%swap3A_995], %swap3A_998 {strides = array<i32>} : memref<256xf32, #tpu.memory_space<vmem>>, vector<16xf32>,
    %swap3A_999 = arith.constant 240 : index
    %swap3A_1000 = tpu.vector_load %arg8[%swap3A_999] {strides = array<i32>} : memref<256xf32, #tpu.memory_space<vmem>>, vector<16xf32>,
    %swap3A_1001 = vector.shape_cast %swap3A_1000 : vector<16xf32> to vector<16xf32>
    %swap3A_1002 = vector.shape_cast %scan3A_937#15 : vector<16xf32> to vector<16xf32>
    tpu.vector_store %arg8[%swap3A_999], %swap3A_1002 {strides = array<i32>} : memref<256xf32, #tpu.memory_space<vmem>>, vector<16xf32>,
    "tpu.region"() ({
      %run_scoped3A = tpu.sem_alloc : memref<!tpu.dma_semaphore, #tpu.memory_space<semaphore_mem>>
      %dma_start3A_1339 = arith.constant 0 : i32
      %dma_start3A_1340 = tpu.memref_slice %arg4[%add3A_670, %dma_start3A_1339] : memref<128x256xf32, #tpu.memory_space<hbm>> -> memref<1x256xf32, #tpu.memory_space<hbm>>
      %dma_start3A_1341 = tpu.memref_squeeze %dma_start3A_1340 : memref<1x256xf32, #tpu.memory_space<hbm>> -> memref<256xf32, #tpu.memory_space<hbm>>
      %dma_start3A_1342 = arith.constant 0 : i32
      %dma_start3A_1343 = tpu.memref_slice %arg4[%add3A_670, %dma_start3A_1342] : memref<128x256xf32, #tpu.memory_space<hbm>> -> memref<1x256xf32, #tpu.memory_space<hbm>>
      %dma_start3A_1344 = tpu.memref_squeeze %dma_start3A_1343 : memref<1x256xf32, #tpu.memory_space<hbm>> -> memref<256xf32, #tpu.memory_space<hbm>>
      tpu.enqueue_dma source(%arg8 : memref<256xf32, #tpu.memory_space<vmem>>) target(%dma_start3A_1344 : memref<256xf32, #tpu.memory_space<hbm>>) target_semaphore(%run_scoped3A : memref<!tpu.dma_semaphore, #tpu.memory_space<semaphore_mem>>)
      %dma_wait3A_1345 = arith.constant 0 : i32
      %dma_wait3A_1346 = tpu.memref_slice %arg4[%add3A_670, %dma_wait3A_1345] : memref<128x256xf32, #tpu.memory_space<hbm>> -> memref<1x256xf32, #tpu.memory_space<hbm>>
      %dma_wait3A_1347 = tpu.memref_squeeze %dma_wait3A_1346 : memref<1x256xf32, #tpu.memory_space<hbm>> -> memref<256xf32, #tpu.memory_space<hbm>>
      %dma_wait3A_1348 = arith.constant 0 : i32
      %dma_wait3A_1349 = tpu.memref_slice %arg4[%add3A_670, %dma_wait3A_1348] : memref<128x256xf32, #tpu.memory_space<hbm>> -> memref<1x256xf32, #tpu.memory_space<hbm>>
      %dma_wait3A_1350 = tpu.memref_squeeze %dma_wait3A_1349 : memref<1x256xf32, #tpu.memory_space<hbm>> -> memref<256xf32, #tpu.memory_space<hbm>>
      tpu.wait_dma2 semaphore(%run_scoped3A : memref<!tpu.dma_semaphore, #tpu.memory_space<semaphore_mem>>) src(%arg8 : memref<256xf32, #tpu.memory_space<vmem>>) dst(%dma_wait3A_1350 : memref<256xf32, #tpu.memory_space<hbm>>)
      tpu.yield
    }) : () -> ()
    %mul3A_1003 = arith.constant 4 : i32
    %mul3A_1004 = arith.muli %add3A, %mul3A_1003 : i32
    %add3A_1005 = arith.constant 3 : i32
    %add3A_1006 = arith.addi %mul3A_1004, %add3A_1005 : i32
    "tpu.region"() ({
      %run_scoped3A = tpu.sem_alloc : memref<!tpu.dma_semaphore, #tpu.memory_space<semaphore_mem>>
      %dma_start3A_1339 = arith.constant 0 : i32
      %dma_start3A_1340 = tpu.memref_slice %arg2[%add3A_1006, %dma_start3A_1339] : memref<128x256xi32, #tpu.memory_space<hbm>> -> memref<1x256xi32, #tpu.memory_space<hbm>>
      %dma_start3A_1341 = tpu.memref_squeeze %dma_start3A_1340 : memref<1x256xi32, #tpu.memory_space<hbm>> -> memref<256xi32, #tpu.memory_space<hbm>>
      %dma_start3A_1342 = arith.constant 0 : i32
      %dma_start3A_1343 = tpu.memref_slice %arg2[%add3A_1006, %dma_start3A_1342] : memref<128x256xi32, #tpu.memory_space<hbm>> -> memref<1x256xi32, #tpu.memory_space<hbm>>
      %dma_start3A_1344 = tpu.memref_squeeze %dma_start3A_1343 : memref<1x256xi32, #tpu.memory_space<hbm>> -> memref<256xi32, #tpu.memory_space<hbm>>
      tpu.enqueue_dma source(%dma_start3A_1344 : memref<256xi32, #tpu.memory_space<hbm>>) target(%arg5 : memref<256xi32, #tpu.memory_space<vmem>>) target_semaphore(%run_scoped3A : memref<!tpu.dma_semaphore, #tpu.memory_space<semaphore_mem>>)
      %dma_wait3A_1345 = arith.constant 0 : i32
      %dma_wait3A_1346 = tpu.memref_slice %arg2[%add3A_1006, %dma_wait3A_1345] : memref<128x256xi32, #tpu.memory_space<hbm>> -> memref<1x256xi32, #tpu.memory_space<hbm>>
      %dma_wait3A_1347 = tpu.memref_squeeze %dma_wait3A_1346 : memref<1x256xi32, #tpu.memory_space<hbm>> -> memref<256xi32, #tpu.memory_space<hbm>>
      %dma_wait3A_1348 = arith.constant 0 : i32
      %dma_wait3A_1349 = tpu.memref_slice %arg2[%add3A_1006, %dma_wait3A_1348] : memref<128x256xi32, #tpu.memory_space<hbm>> -> memref<1x256xi32, #tpu.memory_space<hbm>>
      %dma_wait3A_1350 = tpu.memref_squeeze %dma_wait3A_1349 : memref<1x256xi32, #tpu.memory_space<hbm>> -> memref<256xi32, #tpu.memory_space<hbm>>
      tpu.wait_dma2 semaphore(%run_scoped3A : memref<!tpu.dma_semaphore, #tpu.memory_space<semaphore_mem>>) src(%dma_wait3A_1350 : memref<256xi32, #tpu.memory_space<hbm>>) dst(%arg5 : memref<256xi32, #tpu.memory_space<vmem>>)
      tpu.yield
    }) : () -> ()
    %add3A_1007 = arith.constant 0 : i32
    %add3A_1008 = vector.broadcast %add3A_1007 : i32 to vector<16xi32>
    %add3A_1009 = arith.addi %add3A_1008, %iota3A : vector<16xi32>
    %mul3A_1010 = arith.constant 2 : i32
    %mul3A_1011 = vector.broadcast %mul3A_1010 : i32 to vector<16xi32>
    %mul3A_1012 = arith.muli %mul3A_1011, %add3A_1009 : vector<16xi32>
    %get3A_1013 = arith.constant 0 : index
    %get3A_1014 = tpu.vector_load %arg5[%get3A_1013] {strides = array<i32>} : memref<256xi32, #tpu.memory_space<vmem>>, vector<16xi32>,
    %get3A_1015 = vector.shape_cast %get3A_1014 : vector<16xi32> to vector<16xi32>
    %add3A_1016 = arith.addi %mul3A_1012, %get3A_1015 : vector<16xi32>
    %swap3A_1017 = arith.constant 0 : index
    %swap3A_1018 = tpu.vector_load %arg6[%swap3A_1017] {strides = array<i32>} : memref<256xi32, #tpu.memory_space<vmem>>, vector<16xi32>,
    %swap3A_1019 = vector.shape_cast %swap3A_1018 : vector<16xi32> to vector<16xi32>
    %swap3A_1020 = vector.shape_cast %add3A_1016 : vector<16xi32> to vector<16xi32>
    tpu.vector_store %arg6[%swap3A_1017], %swap3A_1020 {strides = array<i32>} : memref<256xi32, #tpu.memory_space<vmem>>, vector<16xi32>,
    %add3A_1021 = arith.constant 16 : i32
    %add3A_1022 = vector.broadcast %add3A_1021 : i32 to vector<16xi32>
    %add3A_1023 = arith.addi %add3A_1022, %iota3A : vector<16xi32>
    %mul3A_1024 = arith.constant 2 : i32
    %mul3A_1025 = vector.broadcast %mul3A_1024 : i32 to vector<16xi32>
    %mul3A_1026 = arith.muli %mul3A_1025, %add3A_1023 : vector<16xi32>
    %get3A_1027 = arith.constant 16 : index
    %get3A_1028 = tpu.vector_load %arg5[%get3A_1027] {strides = array<i32>} : memref<256xi32, #tpu.memory_space<vmem>>, vector<16xi32>,
    %get3A_1029 = vector.shape_cast %get3A_1028 : vector<16xi32> to vector<16xi32>
    %add3A_1030 = arith.addi %mul3A_1026, %get3A_1029 : vector<16xi32>
    %swap3A_1031 = arith.constant 16 : index
    %swap3A_1032 = tpu.vector_load %arg6[%swap3A_1031] {strides = array<i32>} : memref<256xi32, #tpu.memory_space<vmem>>, vector<16xi32>,
    %swap3A_1033 = vector.shape_cast %swap3A_1032 : vector<16xi32> to vector<16xi32>
    %swap3A_1034 = vector.shape_cast %add3A_1030 : vector<16xi32> to vector<16xi32>
    tpu.vector_store %arg6[%swap3A_1031], %swap3A_1034 {strides = array<i32>} : memref<256xi32, #tpu.memory_space<vmem>>, vector<16xi32>,
    %add3A_1035 = arith.constant 32 : i32
    %add3A_1036 = vector.broadcast %add3A_1035 : i32 to vector<16xi32>
    %add3A_1037 = arith.addi %add3A_1036, %iota3A : vector<16xi32>
    %mul3A_1038 = arith.constant 2 : i32
    %mul3A_1039 = vector.broadcast %mul3A_1038 : i32 to vector<16xi32>
    %mul3A_1040 = arith.muli %mul3A_1039, %add3A_1037 : vector<16xi32>
    %get3A_1041 = arith.constant 32 : index
    %get3A_1042 = tpu.vector_load %arg5[%get3A_1041] {strides = array<i32>} : memref<256xi32, #tpu.memory_space<vmem>>, vector<16xi32>,
    %get3A_1043 = vector.shape_cast %get3A_1042 : vector<16xi32> to vector<16xi32>
    %add3A_1044 = arith.addi %mul3A_1040, %get3A_1043 : vector<16xi32>
    %swap3A_1045 = arith.constant 32 : index
    %swap3A_1046 = tpu.vector_load %arg6[%swap3A_1045] {strides = array<i32>} : memref<256xi32, #tpu.memory_space<vmem>>, vector<16xi32>,
    %swap3A_1047 = vector.shape_cast %swap3A_1046 : vector<16xi32> to vector<16xi32>
    %swap3A_1048 = vector.shape_cast %add3A_1044 : vector<16xi32> to vector<16xi32>
    tpu.vector_store %arg6[%swap3A_1045], %swap3A_1048 {strides = array<i32>} : memref<256xi32, #tpu.memory_space<vmem>>, vector<16xi32>,
    %add3A_1049 = arith.constant 48 : i32
    %add3A_1050 = vector.broadcast %add3A_1049 : i32 to vector<16xi32>
    %add3A_1051 = arith.addi %add3A_1050, %iota3A : vector<16xi32>
    %mul3A_1052 = arith.constant 2 : i32
    %mul3A_1053 = vector.broadcast %mul3A_1052 : i32 to vector<16xi32>
    %mul3A_1054 = arith.muli %mul3A_1053, %add3A_1051 : vector<16xi32>
    %get3A_1055 = arith.constant 48 : index
    %get3A_1056 = tpu.vector_load %arg5[%get3A_1055] {strides = array<i32>} : memref<256xi32, #tpu.memory_space<vmem>>, vector<16xi32>,
    %get3A_1057 = vector.shape_cast %get3A_1056 : vector<16xi32> to vector<16xi32>
    %add3A_1058 = arith.addi %mul3A_1054, %get3A_1057 : vector<16xi32>
    %swap3A_1059 = arith.constant 48 : index
    %swap3A_1060 = tpu.vector_load %arg6[%swap3A_1059] {strides = array<i32>} : memref<256xi32, #tpu.memory_space<vmem>>, vector<16xi32>,
    %swap3A_1061 = vector.shape_cast %swap3A_1060 : vector<16xi32> to vector<16xi32>
    %swap3A_1062 = vector.shape_cast %add3A_1058 : vector<16xi32> to vector<16xi32>
    tpu.vector_store %arg6[%swap3A_1059], %swap3A_1062 {strides = array<i32>} : memref<256xi32, #tpu.memory_space<vmem>>, vector<16xi32>,
    %add3A_1063 = arith.constant 64 : i32
    %add3A_1064 = vector.broadcast %add3A_1063 : i32 to vector<16xi32>
    %add3A_1065 = arith.addi %add3A_1064, %iota3A : vector<16xi32>
    %mul3A_1066 = arith.constant 2 : i32
    %mul3A_1067 = vector.broadcast %mul3A_1066 : i32 to vector<16xi32>
    %mul3A_1068 = arith.muli %mul3A_1067, %add3A_1065 : vector<16xi32>
    %get3A_1069 = arith.constant 64 : index
    %get3A_1070 = tpu.vector_load %arg5[%get3A_1069] {strides = array<i32>} : memref<256xi32, #tpu.memory_space<vmem>>, vector<16xi32>,
    %get3A_1071 = vector.shape_cast %get3A_1070 : vector<16xi32> to vector<16xi32>
    %add3A_1072 = arith.addi %mul3A_1068, %get3A_1071 : vector<16xi32>
    %swap3A_1073 = arith.constant 64 : index
    %swap3A_1074 = tpu.vector_load %arg6[%swap3A_1073] {strides = array<i32>} : memref<256xi32, #tpu.memory_space<vmem>>, vector<16xi32>,
    %swap3A_1075 = vector.shape_cast %swap3A_1074 : vector<16xi32> to vector<16xi32>
    %swap3A_1076 = vector.shape_cast %add3A_1072 : vector<16xi32> to vector<16xi32>
    tpu.vector_store %arg6[%swap3A_1073], %swap3A_1076 {strides = array<i32>} : memref<256xi32, #tpu.memory_space<vmem>>, vector<16xi32>,
    %add3A_1077 = arith.constant 80 : i32
    %add3A_1078 = vector.broadcast %add3A_1077 : i32 to vector<16xi32>
    %add3A_1079 = arith.addi %add3A_1078, %iota3A : vector<16xi32>
    %mul3A_1080 = arith.constant 2 : i32
    %mul3A_1081 = vector.broadcast %mul3A_1080 : i32 to vector<16xi32>
    %mul3A_1082 = arith.muli %mul3A_1081, %add3A_1079 : vector<16xi32>
    %get3A_1083 = arith.constant 80 : index
    %get3A_1084 = tpu.vector_load %arg5[%get3A_1083] {strides = array<i32>} : memref<256xi32, #tpu.memory_space<vmem>>, vector<16xi32>,
    %get3A_1085 = vector.shape_cast %get3A_1084 : vector<16xi32> to vector<16xi32>
    %add3A_1086 = arith.addi %mul3A_1082, %get3A_1085 : vector<16xi32>
    %swap3A_1087 = arith.constant 80 : index
    %swap3A_1088 = tpu.vector_load %arg6[%swap3A_1087] {strides = array<i32>} : memref<256xi32, #tpu.memory_space<vmem>>, vector<16xi32>,
    %swap3A_1089 = vector.shape_cast %swap3A_1088 : vector<16xi32> to vector<16xi32>
    %swap3A_1090 = vector.shape_cast %add3A_1086 : vector<16xi32> to vector<16xi32>
    tpu.vector_store %arg6[%swap3A_1087], %swap3A_1090 {strides = array<i32>} : memref<256xi32, #tpu.memory_space<vmem>>, vector<16xi32>,
    %add3A_1091 = arith.constant 96 : i32
    %add3A_1092 = vector.broadcast %add3A_1091 : i32 to vector<16xi32>
    %add3A_1093 = arith.addi %add3A_1092, %iota3A : vector<16xi32>
    %mul3A_1094 = arith.constant 2 : i32
    %mul3A_1095 = vector.broadcast %mul3A_1094 : i32 to vector<16xi32>
    %mul3A_1096 = arith.muli %mul3A_1095, %add3A_1093 : vector<16xi32>
    %get3A_1097 = arith.constant 96 : index
    %get3A_1098 = tpu.vector_load %arg5[%get3A_1097] {strides = array<i32>} : memref<256xi32, #tpu.memory_space<vmem>>, vector<16xi32>,
    %get3A_1099 = vector.shape_cast %get3A_1098 : vector<16xi32> to vector<16xi32>
    %add3A_1100 = arith.addi %mul3A_1096, %get3A_1099 : vector<16xi32>
    %swap3A_1101 = arith.constant 96 : index
    %swap3A_1102 = tpu.vector_load %arg6[%swap3A_1101] {strides = array<i32>} : memref<256xi32, #tpu.memory_space<vmem>>, vector<16xi32>,
    %swap3A_1103 = vector.shape_cast %swap3A_1102 : vector<16xi32> to vector<16xi32>
    %swap3A_1104 = vector.shape_cast %add3A_1100 : vector<16xi32> to vector<16xi32>
    tpu.vector_store %arg6[%swap3A_1101], %swap3A_1104 {strides = array<i32>} : memref<256xi32, #tpu.memory_space<vmem>>, vector<16xi32>,
    %add3A_1105 = arith.constant 112 : i32
    %add3A_1106 = vector.broadcast %add3A_1105 : i32 to vector<16xi32>
    %add3A_1107 = arith.addi %add3A_1106, %iota3A : vector<16xi32>
    %mul3A_1108 = arith.constant 2 : i32
    %mul3A_1109 = vector.broadcast %mul3A_1108 : i32 to vector<16xi32>
    %mul3A_1110 = arith.muli %mul3A_1109, %add3A_1107 : vector<16xi32>
    %get3A_1111 = arith.constant 112 : index
    %get3A_1112 = tpu.vector_load %arg5[%get3A_1111] {strides = array<i32>} : memref<256xi32, #tpu.memory_space<vmem>>, vector<16xi32>,
    %get3A_1113 = vector.shape_cast %get3A_1112 : vector<16xi32> to vector<16xi32>
    %add3A_1114 = arith.addi %mul3A_1110, %get3A_1113 : vector<16xi32>
    %swap3A_1115 = arith.constant 112 : index
    %swap3A_1116 = tpu.vector_load %arg6[%swap3A_1115] {strides = array<i32>} : memref<256xi32, #tpu.memory_space<vmem>>, vector<16xi32>,
    %swap3A_1117 = vector.shape_cast %swap3A_1116 : vector<16xi32> to vector<16xi32>
    %swap3A_1118 = vector.shape_cast %add3A_1114 : vector<16xi32> to vector<16xi32>
    tpu.vector_store %arg6[%swap3A_1115], %swap3A_1118 {strides = array<i32>} : memref<256xi32, #tpu.memory_space<vmem>>, vector<16xi32>,
    %add3A_1119 = arith.constant 128 : i32
    %add3A_1120 = vector.broadcast %add3A_1119 : i32 to vector<16xi32>
    %add3A_1121 = arith.addi %add3A_1120, %iota3A : vector<16xi32>
    %mul3A_1122 = arith.constant 2 : i32
    %mul3A_1123 = vector.broadcast %mul3A_1122 : i32 to vector<16xi32>
    %mul3A_1124 = arith.muli %mul3A_1123, %add3A_1121 : vector<16xi32>
    %get3A_1125 = arith.constant 128 : index
    %get3A_1126 = tpu.vector_load %arg5[%get3A_1125] {strides = array<i32>} : memref<256xi32, #tpu.memory_space<vmem>>, vector<16xi32>,
    %get3A_1127 = vector.shape_cast %get3A_1126 : vector<16xi32> to vector<16xi32>
    %add3A_1128 = arith.addi %mul3A_1124, %get3A_1127 : vector<16xi32>
    %swap3A_1129 = arith.constant 128 : index
    %swap3A_1130 = tpu.vector_load %arg6[%swap3A_1129] {strides = array<i32>} : memref<256xi32, #tpu.memory_space<vmem>>, vector<16xi32>,
    %swap3A_1131 = vector.shape_cast %swap3A_1130 : vector<16xi32> to vector<16xi32>
    %swap3A_1132 = vector.shape_cast %add3A_1128 : vector<16xi32> to vector<16xi32>
    tpu.vector_store %arg6[%swap3A_1129], %swap3A_1132 {strides = array<i32>} : memref<256xi32, #tpu.memory_space<vmem>>, vector<16xi32>,
    %add3A_1133 = arith.constant 144 : i32
    %add3A_1134 = vector.broadcast %add3A_1133 : i32 to vector<16xi32>
    %add3A_1135 = arith.addi %add3A_1134, %iota3A : vector<16xi32>
    %mul3A_1136 = arith.constant 2 : i32
    %mul3A_1137 = vector.broadcast %mul3A_1136 : i32 to vector<16xi32>
    %mul3A_1138 = arith.muli %mul3A_1137, %add3A_1135 : vector<16xi32>
    %get3A_1139 = arith.constant 144 : index
    %get3A_1140 = tpu.vector_load %arg5[%get3A_1139] {strides = array<i32>} : memref<256xi32, #tpu.memory_space<vmem>>, vector<16xi32>,
    %get3A_1141 = vector.shape_cast %get3A_1140 : vector<16xi32> to vector<16xi32>
    %add3A_1142 = arith.addi %mul3A_1138, %get3A_1141 : vector<16xi32>
    %swap3A_1143 = arith.constant 144 : index
    %swap3A_1144 = tpu.vector_load %arg6[%swap3A_1143] {strides = array<i32>} : memref<256xi32, #tpu.memory_space<vmem>>, vector<16xi32>,
    %swap3A_1145 = vector.shape_cast %swap3A_1144 : vector<16xi32> to vector<16xi32>
    %swap3A_1146 = vector.shape_cast %add3A_1142 : vector<16xi32> to vector<16xi32>
    tpu.vector_store %arg6[%swap3A_1143], %swap3A_1146 {strides = array<i32>} : memref<256xi32, #tpu.memory_space<vmem>>, vector<16xi32>,
    %add3A_1147 = arith.constant 160 : i32
    %add3A_1148 = vector.broadcast %add3A_1147 : i32 to vector<16xi32>
    %add3A_1149 = arith.addi %add3A_1148, %iota3A : vector<16xi32>
    %mul3A_1150 = arith.constant 2 : i32
    %mul3A_1151 = vector.broadcast %mul3A_1150 : i32 to vector<16xi32>
    %mul3A_1152 = arith.muli %mul3A_1151, %add3A_1149 : vector<16xi32>
    %get3A_1153 = arith.constant 160 : index
    %get3A_1154 = tpu.vector_load %arg5[%get3A_1153] {strides = array<i32>} : memref<256xi32, #tpu.memory_space<vmem>>, vector<16xi32>,
    %get3A_1155 = vector.shape_cast %get3A_1154 : vector<16xi32> to vector<16xi32>
    %add3A_1156 = arith.addi %mul3A_1152, %get3A_1155 : vector<16xi32>
    %swap3A_1157 = arith.constant 160 : index
    %swap3A_1158 = tpu.vector_load %arg6[%swap3A_1157] {strides = array<i32>} : memref<256xi32, #tpu.memory_space<vmem>>, vector<16xi32>,
    %swap3A_1159 = vector.shape_cast %swap3A_1158 : vector<16xi32> to vector<16xi32>
    %swap3A_1160 = vector.shape_cast %add3A_1156 : vector<16xi32> to vector<16xi32>
    tpu.vector_store %arg6[%swap3A_1157], %swap3A_1160 {strides = array<i32>} : memref<256xi32, #tpu.memory_space<vmem>>, vector<16xi32>,
    %add3A_1161 = arith.constant 176 : i32
    %add3A_1162 = vector.broadcast %add3A_1161 : i32 to vector<16xi32>
    %add3A_1163 = arith.addi %add3A_1162, %iota3A : vector<16xi32>
    %mul3A_1164 = arith.constant 2 : i32
    %mul3A_1165 = vector.broadcast %mul3A_1164 : i32 to vector<16xi32>
    %mul3A_1166 = arith.muli %mul3A_1165, %add3A_1163 : vector<16xi32>
    %get3A_1167 = arith.constant 176 : index
    %get3A_1168 = tpu.vector_load %arg5[%get3A_1167] {strides = array<i32>} : memref<256xi32, #tpu.memory_space<vmem>>, vector<16xi32>,
    %get3A_1169 = vector.shape_cast %get3A_1168 : vector<16xi32> to vector<16xi32>
    %add3A_1170 = arith.addi %mul3A_1166, %get3A_1169 : vector<16xi32>
    %swap3A_1171 = arith.constant 176 : index
    %swap3A_1172 = tpu.vector_load %arg6[%swap3A_1171] {strides = array<i32>} : memref<256xi32, #tpu.memory_space<vmem>>, vector<16xi32>,
    %swap3A_1173 = vector.shape_cast %swap3A_1172 : vector<16xi32> to vector<16xi32>
    %swap3A_1174 = vector.shape_cast %add3A_1170 : vector<16xi32> to vector<16xi32>
    tpu.vector_store %arg6[%swap3A_1171], %swap3A_1174 {strides = array<i32>} : memref<256xi32, #tpu.memory_space<vmem>>, vector<16xi32>,
    %add3A_1175 = arith.constant 192 : i32
    %add3A_1176 = vector.broadcast %add3A_1175 : i32 to vector<16xi32>
    %add3A_1177 = arith.addi %add3A_1176, %iota3A : vector<16xi32>
    %mul3A_1178 = arith.constant 2 : i32
    %mul3A_1179 = vector.broadcast %mul3A_1178 : i32 to vector<16xi32>
    %mul3A_1180 = arith.muli %mul3A_1179, %add3A_1177 : vector<16xi32>
    %get3A_1181 = arith.constant 192 : index
    %get3A_1182 = tpu.vector_load %arg5[%get3A_1181] {strides = array<i32>} : memref<256xi32, #tpu.memory_space<vmem>>, vector<16xi32>,
    %get3A_1183 = vector.shape_cast %get3A_1182 : vector<16xi32> to vector<16xi32>
    %add3A_1184 = arith.addi %mul3A_1180, %get3A_1183 : vector<16xi32>
    %swap3A_1185 = arith.constant 192 : index
    %swap3A_1186 = tpu.vector_load %arg6[%swap3A_1185] {strides = array<i32>} : memref<256xi32, #tpu.memory_space<vmem>>, vector<16xi32>,
    %swap3A_1187 = vector.shape_cast %swap3A_1186 : vector<16xi32> to vector<16xi32>
    %swap3A_1188 = vector.shape_cast %add3A_1184 : vector<16xi32> to vector<16xi32>
    tpu.vector_store %arg6[%swap3A_1185], %swap3A_1188 {strides = array<i32>} : memref<256xi32, #tpu.memory_space<vmem>>, vector<16xi32>,
    %add3A_1189 = arith.constant 208 : i32
    %add3A_1190 = vector.broadcast %add3A_1189 : i32 to vector<16xi32>
    %add3A_1191 = arith.addi %add3A_1190, %iota3A : vector<16xi32>
    %mul3A_1192 = arith.constant 2 : i32
    %mul3A_1193 = vector.broadcast %mul3A_1192 : i32 to vector<16xi32>
    %mul3A_1194 = arith.muli %mul3A_1193, %add3A_1191 : vector<16xi32>
    %get3A_1195 = arith.constant 208 : index
    %get3A_1196 = tpu.vector_load %arg5[%get3A_1195] {strides = array<i32>} : memref<256xi32, #tpu.memory_space<vmem>>, vector<16xi32>,
    %get3A_1197 = vector.shape_cast %get3A_1196 : vector<16xi32> to vector<16xi32>
    %add3A_1198 = arith.addi %mul3A_1194, %get3A_1197 : vector<16xi32>
    %swap3A_1199 = arith.constant 208 : index
    %swap3A_1200 = tpu.vector_load %arg6[%swap3A_1199] {strides = array<i32>} : memref<256xi32, #tpu.memory_space<vmem>>, vector<16xi32>,
    %swap3A_1201 = vector.shape_cast %swap3A_1200 : vector<16xi32> to vector<16xi32>
    %swap3A_1202 = vector.shape_cast %add3A_1198 : vector<16xi32> to vector<16xi32>
    tpu.vector_store %arg6[%swap3A_1199], %swap3A_1202 {strides = array<i32>} : memref<256xi32, #tpu.memory_space<vmem>>, vector<16xi32>,
    %add3A_1203 = arith.constant 224 : i32
    %add3A_1204 = vector.broadcast %add3A_1203 : i32 to vector<16xi32>
    %add3A_1205 = arith.addi %add3A_1204, %iota3A : vector<16xi32>
    %mul3A_1206 = arith.constant 2 : i32
    %mul3A_1207 = vector.broadcast %mul3A_1206 : i32 to vector<16xi32>
    %mul3A_1208 = arith.muli %mul3A_1207, %add3A_1205 : vector<16xi32>
    %get3A_1209 = arith.constant 224 : index
    %get3A_1210 = tpu.vector_load %arg5[%get3A_1209] {strides = array<i32>} : memref<256xi32, #tpu.memory_space<vmem>>, vector<16xi32>,
    %get3A_1211 = vector.shape_cast %get3A_1210 : vector<16xi32> to vector<16xi32>
    %add3A_1212 = arith.addi %mul3A_1208, %get3A_1211 : vector<16xi32>
    %swap3A_1213 = arith.constant 224 : index
    %swap3A_1214 = tpu.vector_load %arg6[%swap3A_1213] {strides = array<i32>} : memref<256xi32, #tpu.memory_space<vmem>>, vector<16xi32>,
    %swap3A_1215 = vector.shape_cast %swap3A_1214 : vector<16xi32> to vector<16xi32>
    %swap3A_1216 = vector.shape_cast %add3A_1212 : vector<16xi32> to vector<16xi32>
    tpu.vector_store %arg6[%swap3A_1213], %swap3A_1216 {strides = array<i32>} : memref<256xi32, #tpu.memory_space<vmem>>, vector<16xi32>,
    %add3A_1217 = arith.constant 240 : i32
    %add3A_1218 = vector.broadcast %add3A_1217 : i32 to vector<16xi32>
    %add3A_1219 = arith.addi %add3A_1218, %iota3A : vector<16xi32>
    %mul3A_1220 = arith.constant 2 : i32
    %mul3A_1221 = vector.broadcast %mul3A_1220 : i32 to vector<16xi32>
    %mul3A_1222 = arith.muli %mul3A_1221, %add3A_1219 : vector<16xi32>
    %get3A_1223 = arith.constant 240 : index
    %get3A_1224 = tpu.vector_load %arg5[%get3A_1223] {strides = array<i32>} : memref<256xi32, #tpu.memory_space<vmem>>, vector<16xi32>,
    %get3A_1225 = vector.shape_cast %get3A_1224 : vector<16xi32> to vector<16xi32>
    %add3A_1226 = arith.addi %mul3A_1222, %get3A_1225 : vector<16xi32>
    %swap3A_1227 = arith.constant 240 : index
    %swap3A_1228 = tpu.vector_load %arg6[%swap3A_1227] {strides = array<i32>} : memref<256xi32, #tpu.memory_space<vmem>>, vector<16xi32>,
    %swap3A_1229 = vector.shape_cast %swap3A_1228 : vector<16xi32> to vector<16xi32>
    %swap3A_1230 = vector.shape_cast %add3A_1226 : vector<16xi32> to vector<16xi32>
    tpu.vector_store %arg6[%swap3A_1227], %swap3A_1230 {strides = array<i32>} : memref<256xi32, #tpu.memory_space<vmem>>, vector<16xi32>,
    %dma_start3A_1231 = arith.constant 0 : i32
    %dma_start3A_1232 = arith.constant 0 : i32
    %dma_start3A_1233 = tpu.memref_slice %arg3[%dma_start3A_1231, %dma_start3A_1232] : memref<512x256xf32, #tpu.memory_space<hbm>> -> memref<512x256xf32, #tpu.memory_space<hbm>>
    tpu.enqueue_indirect_dma source(%dma_start3A_1233 : memref<512x256xf32, #tpu.memory_space<hbm>>) target(%arg7 : memref<256x256xf32, #tpu.memory_space<vmem>>) offsets(%arg6 : memref<256xi32, #tpu.memory_space<vmem>>) semaphore(%arg9 : memref<!tpu.dma_semaphore, #tpu.memory_space<semaphore_mem>>)
    %dma_wait3A_1234 = arith.constant 0 : i32
    %dma_wait3A_1235 = arith.constant 0 : i32
    %dma_wait3A_1236 = tpu.memref_slice %arg3[%dma_wait3A_1234, %dma_wait3A_1235] : memref<512x256xf32, #tpu.memory_space<hbm>> -> memref<512x256xf32, #tpu.memory_space<hbm>>
    tpu.wait_indirect_dma semaphore(%arg9 : memref<!tpu.dma_semaphore, #tpu.memory_space<semaphore_mem>>) src(%dma_wait3A_1236 : memref<512x256xf32, #tpu.memory_space<hbm>>) dst(%arg7 : memref<256x256xf32, #tpu.memory_space<vmem>>)
    %broadcast_in_dim3A_1237 = arith.constant 0.000000e+00 : f32
    %broadcast_in_dim3A_1238 = vector.broadcast %broadcast_in_dim3A_1237 : f32 to vector<16xf32>
    %broadcast_in_dim3A_1239 = arith.constant 0.000000e+00 : f32
    %broadcast_in_dim3A_1240 = vector.broadcast %broadcast_in_dim3A_1239 : f32 to vector<16xf32>
    %broadcast_in_dim3A_1241 = arith.constant 0.000000e+00 : f32
    %broadcast_in_dim3A_1242 = vector.broadcast %broadcast_in_dim3A_1241 : f32 to vector<16xf32>
    %broadcast_in_dim3A_1243 = arith.constant 0.000000e+00 : f32
    %broadcast_in_dim3A_1244 = vector.broadcast %broadcast_in_dim3A_1243 : f32 to vector<16xf32>
    %broadcast_in_dim3A_1245 = arith.constant 0.000000e+00 : f32
    %broadcast_in_dim3A_1246 = vector.broadcast %broadcast_in_dim3A_1245 : f32 to vector<16xf32>
    %broadcast_in_dim3A_1247 = arith.constant 0.000000e+00 : f32
    %broadcast_in_dim3A_1248 = vector.broadcast %broadcast_in_dim3A_1247 : f32 to vector<16xf32>
    %broadcast_in_dim3A_1249 = arith.constant 0.000000e+00 : f32
    %broadcast_in_dim3A_1250 = vector.broadcast %broadcast_in_dim3A_1249 : f32 to vector<16xf32>
    %broadcast_in_dim3A_1251 = arith.constant 0.000000e+00 : f32
    %broadcast_in_dim3A_1252 = vector.broadcast %broadcast_in_dim3A_1251 : f32 to vector<16xf32>
    %broadcast_in_dim3A_1253 = arith.constant 0.000000e+00 : f32
    %broadcast_in_dim3A_1254 = vector.broadcast %broadcast_in_dim3A_1253 : f32 to vector<16xf32>
    %broadcast_in_dim3A_1255 = arith.constant 0.000000e+00 : f32
    %broadcast_in_dim3A_1256 = vector.broadcast %broadcast_in_dim3A_1255 : f32 to vector<16xf32>
    %broadcast_in_dim3A_1257 = arith.constant 0.000000e+00 : f32
    %broadcast_in_dim3A_1258 = vector.broadcast %broadcast_in_dim3A_1257 : f32 to vector<16xf32>
    %broadcast_in_dim3A_1259 = arith.constant 0.000000e+00 : f32
    %broadcast_in_dim3A_1260 = vector.broadcast %broadcast_in_dim3A_1259 : f32 to vector<16xf32>
    %broadcast_in_dim3A_1261 = arith.constant 0.000000e+00 : f32
    %broadcast_in_dim3A_1262 = vector.broadcast %broadcast_in_dim3A_1261 : f32 to vector<16xf32>
    %broadcast_in_dim3A_1263 = arith.constant 0.000000e+00 : f32
    %broadcast_in_dim3A_1264 = vector.broadcast %broadcast_in_dim3A_1263 : f32 to vector<16xf32>
    %broadcast_in_dim3A_1265 = arith.constant 0.000000e+00 : f32
    %broadcast_in_dim3A_1266 = vector.broadcast %broadcast_in_dim3A_1265 : f32 to vector<16xf32>
    %broadcast_in_dim3A_1267 = arith.constant 0.000000e+00 : f32
    %broadcast_in_dim3A_1268 = vector.broadcast %broadcast_in_dim3A_1267 : f32 to vector<16xf32>
    %scan3A_1269 = arith.constant 0 : i32
    %scan3A_1270 = arith.constant 256 : i32
    %scan3A_1271 = arith.addi %scan3A_1269, %scan3A_1270 : i32
    %scan3A_1272 = arith.constant 1 : i32
    %scan3A_1273:16 = scf.for %scan3A_1339 = %scan3A_1269 to %scan3A_1271 step %scan3A_1272 iter_args(%scan3A_1340 = %broadcast_in_dim3A_1238, %scan3A_1341 = %broadcast_in_dim3A_1240, %scan3A_1342 = %broadcast_in_dim3A_1242, %scan3A_1343 = %broadcast_in_dim3A_1244, %scan3A_1344 = %broadcast_in_dim3A_1246, %scan3A_1345 = %broadcast_in_dim3A_1248, %scan3A_1346 = %broadcast_in_dim3A_1250, %scan3A_1347 = %broadcast_in_dim3A_1252, %scan3A_1348 = %broadcast_in_dim3A_1254, %scan3A_1349 = %broadcast_in_dim3A_1256, %scan3A_1350 = %broadcast_in_dim3A_1258, %scan3A_1351 = %broadcast_in_dim3A_1260, %scan3A_1352 = %broadcast_in_dim3A_1262, %scan3A_1353 = %broadcast_in_dim3A_1264, %scan3A_1354 = %broadcast_in_dim3A_1266, %scan3A_1355 = %broadcast_in_dim3A_1268) -> (vector<16xf32>, vector<16xf32>, vector<16xf32>, vector<16xf32>, vector<16xf32>, vector<16xf32>, vector<16xf32>, vector<16xf32>, vector<16xf32>, vector<16xf32>, vector<16xf32>, vector<16xf32>, vector<16xf32>, vector<16xf32>, vector<16xf32>, vector<16xf32>)  : i32 {
      %get3A_1356 = arith.index_cast %scan3A_1339 : i32 to index
      %get3A_1357 = arith.constant 0 : index
      %get3A_1358 = tpu.vector_load %arg7[%get3A_1356, %get3A_1357] {strides = array<i32>} : memref<256x256xf32, #tpu.memory_space<vmem>>, vector<1x16xf32>,
      %get3A_1359 = vector.shape_cast %get3A_1358 : vector<1x16xf32> to vector<16xf32>
      %add3A_1360 = arith.addf %scan3A_1340, %get3A_1359 : vector<16xf32>
      %get3A_1361 = arith.index_cast %scan3A_1339 : i32 to index
      %get3A_1362 = arith.constant 16 : index
      %get3A_1363 = tpu.vector_load %arg7[%get3A_1361, %get3A_1362] {strides = array<i32>} : memref<256x256xf32, #tpu.memory_space<vmem>>, vector<1x16xf32>,
      %get3A_1364 = vector.shape_cast %get3A_1363 : vector<1x16xf32> to vector<16xf32>
      %add3A_1365 = arith.addf %scan3A_1341, %get3A_1364 : vector<16xf32>
      %get3A_1366 = arith.index_cast %scan3A_1339 : i32 to index
      %get3A_1367 = arith.constant 32 : index
      %get3A_1368 = tpu.vector_load %arg7[%get3A_1366, %get3A_1367] {strides = array<i32>} : memref<256x256xf32, #tpu.memory_space<vmem>>, vector<1x16xf32>,
      %get3A_1369 = vector.shape_cast %get3A_1368 : vector<1x16xf32> to vector<16xf32>
      %add3A_1370 = arith.addf %scan3A_1342, %get3A_1369 : vector<16xf32>
      %get3A_1371 = arith.index_cast %scan3A_1339 : i32 to index
      %get3A_1372 = arith.constant 48 : index
      %get3A_1373 = tpu.vector_load %arg7[%get3A_1371, %get3A_1372] {strides = array<i32>} : memref<256x256xf32, #tpu.memory_space<vmem>>, vector<1x16xf32>,
      %get3A_1374 = vector.shape_cast %get3A_1373 : vector<1x16xf32> to vector<16xf32>
      %add3A_1375 = arith.addf %scan3A_1343, %get3A_1374 : vector<16xf32>
      %get3A_1376 = arith.index_cast %scan3A_1339 : i32 to index
      %get3A_1377 = arith.constant 64 : index
      %get3A_1378 = tpu.vector_load %arg7[%get3A_1376, %get3A_1377] {strides = array<i32>} : memref<256x256xf32, #tpu.memory_space<vmem>>, vector<1x16xf32>,
      %get3A_1379 = vector.shape_cast %get3A_1378 : vector<1x16xf32> to vector<16xf32>
      %add3A_1380 = arith.addf %scan3A_1344, %get3A_1379 : vector<16xf32>
      %get3A_1381 = arith.index_cast %scan3A_1339 : i32 to index
      %get3A_1382 = arith.constant 80 : index
      %get3A_1383 = tpu.vector_load %arg7[%get3A_1381, %get3A_1382] {strides = array<i32>} : memref<256x256xf32, #tpu.memory_space<vmem>>, vector<1x16xf32>,
      %get3A_1384 = vector.shape_cast %get3A_1383 : vector<1x16xf32> to vector<16xf32>
      %add3A_1385 = arith.addf %scan3A_1345, %get3A_1384 : vector<16xf32>
      %get3A_1386 = arith.index_cast %scan3A_1339 : i32 to index
      %get3A_1387 = arith.constant 96 : index
      %get3A_1388 = tpu.vector_load %arg7[%get3A_1386, %get3A_1387] {strides = array<i32>} : memref<256x256xf32, #tpu.memory_space<vmem>>, vector<1x16xf32>,
      %get3A_1389 = vector.shape_cast %get3A_1388 : vector<1x16xf32> to vector<16xf32>
      %add3A_1390 = arith.addf %scan3A_1346, %get3A_1389 : vector<16xf32>
      %get3A_1391 = arith.index_cast %scan3A_1339 : i32 to index
      %get3A_1392 = arith.constant 112 : index
      %get3A_1393 = tpu.vector_load %arg7[%get3A_1391, %get3A_1392] {strides = array<i32>} : memref<256x256xf32, #tpu.memory_space<vmem>>, vector<1x16xf32>,
      %get3A_1394 = vector.shape_cast %get3A_1393 : vector<1x16xf32> to vector<16xf32>
      %add3A_1395 = arith.addf %scan3A_1347, %get3A_1394 : vector<16xf32>
      %get3A_1396 = arith.index_cast %scan3A_1339 : i32 to index
      %get3A_1397 = arith.constant 128 : index
      %get3A_1398 = tpu.vector_load %arg7[%get3A_1396, %get3A_1397] {strides = array<i32>} : memref<256x256xf32, #tpu.memory_space<vmem>>, vector<1x16xf32>,
      %get3A_1399 = vector.shape_cast %get3A_1398 : vector<1x16xf32> to vector<16xf32>
      %add3A_1400 = arith.addf %scan3A_1348, %get3A_1399 : vector<16xf32>
      %get3A_1401 = arith.index_cast %scan3A_1339 : i32 to index
      %get3A_1402 = arith.constant 144 : index
      %get3A_1403 = tpu.vector_load %arg7[%get3A_1401, %get3A_1402] {strides = array<i32>} : memref<256x256xf32, #tpu.memory_space<vmem>>, vector<1x16xf32>,
      %get3A_1404 = vector.shape_cast %get3A_1403 : vector<1x16xf32> to vector<16xf32>
      %add3A_1405 = arith.addf %scan3A_1349, %get3A_1404 : vector<16xf32>
      %get3A_1406 = arith.index_cast %scan3A_1339 : i32 to index
      %get3A_1407 = arith.constant 160 : index
      %get3A_1408 = tpu.vector_load %arg7[%get3A_1406, %get3A_1407] {strides = array<i32>} : memref<256x256xf32, #tpu.memory_space<vmem>>, vector<1x16xf32>,
      %get3A_1409 = vector.shape_cast %get3A_1408 : vector<1x16xf32> to vector<16xf32>
      %add3A_1410 = arith.addf %scan3A_1350, %get3A_1409 : vector<16xf32>
      %get3A_1411 = arith.index_cast %scan3A_1339 : i32 to index
      %get3A_1412 = arith.constant 176 : index
      %get3A_1413 = tpu.vector_load %arg7[%get3A_1411, %get3A_1412] {strides = array<i32>} : memref<256x256xf32, #tpu.memory_space<vmem>>, vector<1x16xf32>,
      %get3A_1414 = vector.shape_cast %get3A_1413 : vector<1x16xf32> to vector<16xf32>
      %add3A_1415 = arith.addf %scan3A_1351, %get3A_1414 : vector<16xf32>
      %get3A_1416 = arith.index_cast %scan3A_1339 : i32 to index
      %get3A_1417 = arith.constant 192 : index
      %get3A_1418 = tpu.vector_load %arg7[%get3A_1416, %get3A_1417] {strides = array<i32>} : memref<256x256xf32, #tpu.memory_space<vmem>>, vector<1x16xf32>,
      %get3A_1419 = vector.shape_cast %get3A_1418 : vector<1x16xf32> to vector<16xf32>
      %add3A_1420 = arith.addf %scan3A_1352, %get3A_1419 : vector<16xf32>
      %get3A_1421 = arith.index_cast %scan3A_1339 : i32 to index
      %get3A_1422 = arith.constant 208 : index
      %get3A_1423 = tpu.vector_load %arg7[%get3A_1421, %get3A_1422] {strides = array<i32>} : memref<256x256xf32, #tpu.memory_space<vmem>>, vector<1x16xf32>,
      %get3A_1424 = vector.shape_cast %get3A_1423 : vector<1x16xf32> to vector<16xf32>
      %add3A_1425 = arith.addf %scan3A_1353, %get3A_1424 : vector<16xf32>
      %get3A_1426 = arith.index_cast %scan3A_1339 : i32 to index
      %get3A_1427 = arith.constant 224 : index
      %get3A_1428 = tpu.vector_load %arg7[%get3A_1426, %get3A_1427] {strides = array<i32>} : memref<256x256xf32, #tpu.memory_space<vmem>>, vector<1x16xf32>,
      %get3A_1429 = vector.shape_cast %get3A_1428 : vector<1x16xf32> to vector<16xf32>
      %add3A_1430 = arith.addf %scan3A_1354, %get3A_1429 : vector<16xf32>
      %get3A_1431 = arith.index_cast %scan3A_1339 : i32 to index
      %get3A_1432 = arith.constant 240 : index
      %get3A_1433 = tpu.vector_load %arg7[%get3A_1431, %get3A_1432] {strides = array<i32>} : memref<256x256xf32, #tpu.memory_space<vmem>>, vector<1x16xf32>,
      %get3A_1434 = vector.shape_cast %get3A_1433 : vector<1x16xf32> to vector<16xf32>
      %add3A_1435 = arith.addf %scan3A_1355, %get3A_1434 : vector<16xf32>
      scf.yield %add3A_1360, %add3A_1365, %add3A_1370, %add3A_1375, %add3A_1380, %add3A_1385, %add3A_1390, %add3A_1395, %add3A_1400, %add3A_1405, %add3A_1410, %add3A_1415, %add3A_1420, %add3A_1425, %add3A_1430, %add3A_1435 : vector<16xf32>, vector<16xf32>, vector<16xf32>, vector<16xf32>, vector<16xf32>, vector<16xf32>, vector<16xf32>, vector<16xf32>, vector<16xf32>, vector<16xf32>, vector<16xf32>, vector<16xf32>, vector<16xf32>, vector<16xf32>, vector<16xf32>, vector<16xf32>
    }
    %scan3A_1274 = arith.constant 256 : i32
    %swap3A_1275 = arith.constant 0 : index
    %swap3A_1276 = tpu.vector_load %arg8[%swap3A_1275] {strides = array<i32>} : memref<256xf32, #tpu.memory_space<vmem>>, vector<16xf32>,
    %swap3A_1277 = vector.shape_cast %swap3A_1276 : vector<16xf32> to vector<16xf32>
    %swap3A_1278 = vector.shape_cast %scan3A_1273#0 : vector<16xf32> to vector<16xf32>
    tpu.vector_store %arg8[%swap3A_1275], %swap3A_1278 {strides = array<i32>} : memref<256xf32, #tpu.memory_space<vmem>>, vector<16xf32>,
    %swap3A_1279 = arith.constant 16 : index
    %swap3A_1280 = tpu.vector_load %arg8[%swap3A_1279] {strides = array<i32>} : memref<256xf32, #tpu.memory_space<vmem>>, vector<16xf32>,
    %swap3A_1281 = vector.shape_cast %swap3A_1280 : vector<16xf32> to vector<16xf32>
    %swap3A_1282 = vector.shape_cast %scan3A_1273#1 : vector<16xf32> to vector<16xf32>
    tpu.vector_store %arg8[%swap3A_1279], %swap3A_1282 {strides = array<i32>} : memref<256xf32, #tpu.memory_space<vmem>>, vector<16xf32>,
    %swap3A_1283 = arith.constant 32 : index
    %swap3A_1284 = tpu.vector_load %arg8[%swap3A_1283] {strides = array<i32>} : memref<256xf32, #tpu.memory_space<vmem>>, vector<16xf32>,
    %swap3A_1285 = vector.shape_cast %swap3A_1284 : vector<16xf32> to vector<16xf32>
    %swap3A_1286 = vector.shape_cast %scan3A_1273#2 : vector<16xf32> to vector<16xf32>
    tpu.vector_store %arg8[%swap3A_1283], %swap3A_1286 {strides = array<i32>} : memref<256xf32, #tpu.memory_space<vmem>>, vector<16xf32>,
    %swap3A_1287 = arith.constant 48 : index
    %swap3A_1288 = tpu.vector_load %arg8[%swap3A_1287] {strides = array<i32>} : memref<256xf32, #tpu.memory_space<vmem>>, vector<16xf32>,
    %swap3A_1289 = vector.shape_cast %swap3A_1288 : vector<16xf32> to vector<16xf32>
    %swap3A_1290 = vector.shape_cast %scan3A_1273#3 : vector<16xf32> to vector<16xf32>
    tpu.vector_store %arg8[%swap3A_1287], %swap3A_1290 {strides = array<i32>} : memref<256xf32, #tpu.memory_space<vmem>>, vector<16xf32>,
    %swap3A_1291 = arith.constant 64 : index
    %swap3A_1292 = tpu.vector_load %arg8[%swap3A_1291] {strides = array<i32>} : memref<256xf32, #tpu.memory_space<vmem>>, vector<16xf32>,
    %swap3A_1293 = vector.shape_cast %swap3A_1292 : vector<16xf32> to vector<16xf32>
    %swap3A_1294 = vector.shape_cast %scan3A_1273#4 : vector<16xf32> to vector<16xf32>
    tpu.vector_store %arg8[%swap3A_1291], %swap3A_1294 {strides = array<i32>} : memref<256xf32, #tpu.memory_space<vmem>>, vector<16xf32>,
    %swap3A_1295 = arith.constant 80 : index
    %swap3A_1296 = tpu.vector_load %arg8[%swap3A_1295] {strides = array<i32>} : memref<256xf32, #tpu.memory_space<vmem>>, vector<16xf32>,
    %swap3A_1297 = vector.shape_cast %swap3A_1296 : vector<16xf32> to vector<16xf32>
    %swap3A_1298 = vector.shape_cast %scan3A_1273#5 : vector<16xf32> to vector<16xf32>
    tpu.vector_store %arg8[%swap3A_1295], %swap3A_1298 {strides = array<i32>} : memref<256xf32, #tpu.memory_space<vmem>>, vector<16xf32>,
    %swap3A_1299 = arith.constant 96 : index
    %swap3A_1300 = tpu.vector_load %arg8[%swap3A_1299] {strides = array<i32>} : memref<256xf32, #tpu.memory_space<vmem>>, vector<16xf32>,
    %swap3A_1301 = vector.shape_cast %swap3A_1300 : vector<16xf32> to vector<16xf32>
    %swap3A_1302 = vector.shape_cast %scan3A_1273#6 : vector<16xf32> to vector<16xf32>
    tpu.vector_store %arg8[%swap3A_1299], %swap3A_1302 {strides = array<i32>} : memref<256xf32, #tpu.memory_space<vmem>>, vector<16xf32>,
    %swap3A_1303 = arith.constant 112 : index
    %swap3A_1304 = tpu.vector_load %arg8[%swap3A_1303] {strides = array<i32>} : memref<256xf32, #tpu.memory_space<vmem>>, vector<16xf32>,
    %swap3A_1305 = vector.shape_cast %swap3A_1304 : vector<16xf32> to vector<16xf32>
    %swap3A_1306 = vector.shape_cast %scan3A_1273#7 : vector<16xf32> to vector<16xf32>
    tpu.vector_store %arg8[%swap3A_1303], %swap3A_1306 {strides = array<i32>} : memref<256xf32, #tpu.memory_space<vmem>>, vector<16xf32>,
    %swap3A_1307 = arith.constant 128 : index
    %swap3A_1308 = tpu.vector_load %arg8[%swap3A_1307] {strides = array<i32>} : memref<256xf32, #tpu.memory_space<vmem>>, vector<16xf32>,
    %swap3A_1309 = vector.shape_cast %swap3A_1308 : vector<16xf32> to vector<16xf32>
    %swap3A_1310 = vector.shape_cast %scan3A_1273#8 : vector<16xf32> to vector<16xf32>
    tpu.vector_store %arg8[%swap3A_1307], %swap3A_1310 {strides = array<i32>} : memref<256xf32, #tpu.memory_space<vmem>>, vector<16xf32>,
    %swap3A_1311 = arith.constant 144 : index
    %swap3A_1312 = tpu.vector_load %arg8[%swap3A_1311] {strides = array<i32>} : memref<256xf32, #tpu.memory_space<vmem>>, vector<16xf32>,
    %swap3A_1313 = vector.shape_cast %swap3A_1312 : vector<16xf32> to vector<16xf32>
    %swap3A_1314 = vector.shape_cast %scan3A_1273#9 : vector<16xf32> to vector<16xf32>
    tpu.vector_store %arg8[%swap3A_1311], %swap3A_1314 {strides = array<i32>} : memref<256xf32, #tpu.memory_space<vmem>>, vector<16xf32>,
    %swap3A_1315 = arith.constant 160 : index
    %swap3A_1316 = tpu.vector_load %arg8[%swap3A_1315] {strides = array<i32>} : memref<256xf32, #tpu.memory_space<vmem>>, vector<16xf32>,
    %swap3A_1317 = vector.shape_cast %swap3A_1316 : vector<16xf32> to vector<16xf32>
    %swap3A_1318 = vector.shape_cast %scan3A_1273#10 : vector<16xf32> to vector<16xf32>
    tpu.vector_store %arg8[%swap3A_1315], %swap3A_1318 {strides = array<i32>} : memref<256xf32, #tpu.memory_space<vmem>>, vector<16xf32>,
    %swap3A_1319 = arith.constant 176 : index
    %swap3A_1320 = tpu.vector_load %arg8[%swap3A_1319] {strides = array<i32>} : memref<256xf32, #tpu.memory_space<vmem>>, vector<16xf32>,
    %swap3A_1321 = vector.shape_cast %swap3A_1320 : vector<16xf32> to vector<16xf32>
    %swap3A_1322 = vector.shape_cast %scan3A_1273#11 : vector<16xf32> to vector<16xf32>
    tpu.vector_store %arg8[%swap3A_1319], %swap3A_1322 {strides = array<i32>} : memref<256xf32, #tpu.memory_space<vmem>>, vector<16xf32>,
    %swap3A_1323 = arith.constant 192 : index
    %swap3A_1324 = tpu.vector_load %arg8[%swap3A_1323] {strides = array<i32>} : memref<256xf32, #tpu.memory_space<vmem>>, vector<16xf32>,
    %swap3A_1325 = vector.shape_cast %swap3A_1324 : vector<16xf32> to vector<16xf32>
    %swap3A_1326 = vector.shape_cast %scan3A_1273#12 : vector<16xf32> to vector<16xf32>
    tpu.vector_store %arg8[%swap3A_1323], %swap3A_1326 {strides = array<i32>} : memref<256xf32, #tpu.memory_space<vmem>>, vector<16xf32>,
    %swap3A_1327 = arith.constant 208 : index
    %swap3A_1328 = tpu.vector_load %arg8[%swap3A_1327] {strides = array<i32>} : memref<256xf32, #tpu.memory_space<vmem>>, vector<16xf32>,
    %swap3A_1329 = vector.shape_cast %swap3A_1328 : vector<16xf32> to vector<16xf32>
    %swap3A_1330 = vector.shape_cast %scan3A_1273#13 : vector<16xf32> to vector<16xf32>
    tpu.vector_store %arg8[%swap3A_1327], %swap3A_1330 {strides = array<i32>} : memref<256xf32, #tpu.memory_space<vmem>>, vector<16xf32>,
    %swap3A_1331 = arith.constant 224 : index
    %swap3A_1332 = tpu.vector_load %arg8[%swap3A_1331] {strides = array<i32>} : memref<256xf32, #tpu.memory_space<vmem>>, vector<16xf32>,
    %swap3A_1333 = vector.shape_cast %swap3A_1332 : vector<16xf32> to vector<16xf32>
    %swap3A_1334 = vector.shape_cast %scan3A_1273#14 : vector<16xf32> to vector<16xf32>
    tpu.vector_store %arg8[%swap3A_1331], %swap3A_1334 {strides = array<i32>} : memref<256xf32, #tpu.memory_space<vmem>>, vector<16xf32>,
    %swap3A_1335 = arith.constant 240 : index
    %swap3A_1336 = tpu.vector_load %arg8[%swap3A_1335] {strides = array<i32>} : memref<256xf32, #tpu.memory_space<vmem>>, vector<16xf32>,
    %swap3A_1337 = vector.shape_cast %swap3A_1336 : vector<16xf32> to vector<16xf32>
    %swap3A_1338 = vector.shape_cast %scan3A_1273#15 : vector<16xf32> to vector<16xf32>
    tpu.vector_store %arg8[%swap3A_1335], %swap3A_1338 {strides = array<i32>} : memref<256xf32, #tpu.memory_space<vmem>>, vector<16xf32>,
    "tpu.region"() ({
      %run_scoped3A = tpu.sem_alloc : memref<!tpu.dma_semaphore, #tpu.memory_space<semaphore_mem>>
      %dma_start3A_1339 = arith.constant 0 : i32
      %dma_start3A_1340 = tpu.memref_slice %arg4[%add3A_1006, %dma_start3A_1339] : memref<128x256xf32, #tpu.memory_space<hbm>> -> memref<1x256xf32, #tpu.memory_space<hbm>>
      %dma_start3A_1341 = tpu.memref_squeeze %dma_start3A_1340 : memref<1x256xf32, #tpu.memory_space<hbm>> -> memref<256xf32, #tpu.memory_space<hbm>>
      %dma_start3A_1342 = arith.constant 0 : i32
      %dma_start3A_1343 = tpu.memref_slice %arg4[%add3A_1006, %dma_start3A_1342] : memref<128x256xf32, #tpu.memory_space<hbm>> -> memref<1x256xf32, #tpu.memory_space<hbm>>
      %dma_start3A_1344 = tpu.memref_squeeze %dma_start3A_1343 : memref<1x256xf32, #tpu.memory_space<hbm>> -> memref<256xf32, #tpu.memory_space<hbm>>
      tpu.enqueue_dma source(%arg8 : memref<256xf32, #tpu.memory_space<vmem>>) target(%dma_start3A_1344 : memref<256xf32, #tpu.memory_space<hbm>>) target_semaphore(%run_scoped3A : memref<!tpu.dma_semaphore, #tpu.memory_space<semaphore_mem>>)
      %dma_wait3A_1345 = arith.constant 0 : i32
      %dma_wait3A_1346 = tpu.memref_slice %arg4[%add3A_1006, %dma_wait3A_1345] : memref<128x256xf32, #tpu.memory_space<hbm>> -> memref<1x256xf32, #tpu.memory_space<hbm>>
      %dma_wait3A_1347 = tpu.memref_squeeze %dma_wait3A_1346 : memref<1x256xf32, #tpu.memory_space<hbm>> -> memref<256xf32, #tpu.memory_space<hbm>>
      %dma_wait3A_1348 = arith.constant 0 : i32
      %dma_wait3A_1349 = tpu.memref_slice %arg4[%add3A_1006, %dma_wait3A_1348] : memref<128x256xf32, #tpu.memory_space<hbm>> -> memref<1x256xf32, #tpu.memory_space<hbm>>
      %dma_wait3A_1350 = tpu.memref_squeeze %dma_wait3A_1349 : memref<1x256xf32, #tpu.memory_space<hbm>> -> memref<256xf32, #tpu.memory_space<hbm>>
      tpu.wait_dma2 semaphore(%run_scoped3A : memref<!tpu.dma_semaphore, #tpu.memory_space<semaphore_mem>>) src(%arg8 : memref<256xf32, #tpu.memory_space<vmem>>) dst(%dma_wait3A_1350 : memref<256xf32, #tpu.memory_space<hbm>>)
      tpu.yield
    }) : () -> ()
    return
  }
}

module attributes {stable_mosaic.version = 14 : i64} {
  func.func @_bcast_body(%arg0: i32, %arg1: memref<8x256x1xf32, #tpu.memory_space<vmem>>, %arg2: memref<8x128x1024xf32, #tpu.memory_space<vmem>>, %arg3: memref<8x384x1024xf32, #tpu.memory_space<vmem>>) attributes {dimension_semantics = [#tpu.dimension_semantics<arbitrary>], iteration_bounds = array<i64: 16>, scalar_prefetch = 0 : i64, scratch_operands = 0 : i64, tpu.core_type = #tpu.core_type<tc>, window_params = [{transform_indices = @transform_0, window_bounds = array<i64: 8, 256, 1>}, {transform_indices = @transform_1, window_bounds = array<i64: 8, 128, 1024>}, {transform_indices = @transform_2, window_bounds = array<i64: 8, 384, 1024>}]} {
    %get3A = arith.constant 0 : index
    %get3A_0 = arith.constant 0 : index
    %get3A_1 = arith.constant 0 : index
    %get3A_2 = vector.load %arg2[%get3A, %get3A_0, %get3A_1] : memref<8x128x1024xf32, #tpu.memory_space<vmem>>, vector<8x128x1024xf32>
    %swap3A = arith.constant 0 : index
    %swap3A_3 = arith.constant 0 : index
    %swap3A_4 = arith.constant 0 : index
    %swap3A_5 = vector.load %arg3[%swap3A, %swap3A_3, %swap3A_4] : memref<8x384x1024xf32, #tpu.memory_space<vmem>>, vector<8x128x1024xf32>
    tpu.vector_store %arg3[%swap3A, %swap3A_3, %swap3A_4], %get3A_2 {strides = array<i32>} : memref<8x384x1024xf32, #tpu.memory_space<vmem>>, vector<8x128x1024xf32>,
    %get3A_6 = arith.constant 0 : index
    %get3A_7 = arith.constant 0 : index
    %get3A_8 = arith.constant 0 : index
    %get3A_9 = vector.load %arg1[%get3A_6, %get3A_7, %get3A_8] : memref<8x256x1xf32, #tpu.memory_space<vmem>>, vector<8x256x1xf32>
    %broadcast_in_dim3A = vector.shape_cast %get3A_9 : vector<8x256x1xf32> to vector<8x256x1xf32>
    %broadcast_in_dim3A_10 = vector.broadcast %broadcast_in_dim3A : vector<8x256x1xf32> to vector<8x256x1024xf32>
    %swap3A_11 = arith.constant 0 : index
    %swap3A_12 = arith.constant 128 : index
    %swap3A_13 = arith.constant 0 : index
    %swap3A_14 = vector.load %arg3[%swap3A_11, %swap3A_12, %swap3A_13] : memref<8x384x1024xf32, #tpu.memory_space<vmem>>, vector<8x256x1024xf32>
    tpu.vector_store %arg3[%swap3A_11, %swap3A_12, %swap3A_13], %broadcast_in_dim3A_10 {strides = array<i32>} : memref<8x384x1024xf32, #tpu.memory_space<vmem>>, vector<8x256x1024xf32>,
    return
  }
  func.func @transform_0(%arg0: i32) -> (i32, i32, i32) {
    %c0_i32 = arith.constant 0 : i32
    %c0_i32_0 = arith.constant 0 : i32
    %c0_i32_1 = arith.constant 0 : i32
    return %arg0, %c0_i32, %c0_i32_0 : i32, i32, i32
  }
  func.func @transform_1(%arg0: i32) -> (i32, i32, i32) {
    %c0_i32 = arith.constant 0 : i32
    %c0_i32_0 = arith.constant 0 : i32
    %c0_i32_1 = arith.constant 0 : i32
    return %arg0, %c0_i32, %c0_i32_0 : i32, i32, i32
  }
  func.func @transform_2(%arg0: i32) -> (i32, i32, i32) {
    %c0_i32 = arith.constant 0 : i32
    %c0_i32_0 = arith.constant 0 : i32
    %c0_i32_1 = arith.constant 0 : i32
    return %arg0, %c0_i32, %c0_i32_0 : i32, i32, i32
  }
}

</mosaic_0001>

<sc_bundles>
// kernel: kernel.4.cloned.1.call-start
scs
__scs_entry_jumppad:
0x0: {  	(pc) =	sbr.rel $0x88, $3  }
0x1: {  	(tag) =	ssettag $0x0;
	lr =	simm.s32 $0x1  }
0x2: {  	[smem:$0x3F9E] =	sst lr;
	_ =	strace $0xD0000000  }
0x3: {  	_ = 	snop  }
0x4: {  	_ = 	snop  }
0x5: {  	_ = 	snop  }
0x6: {  	_ = 	snop  }
0x7: {  	_ = 	snop  }
__scs_overlays_trampoline_lowered:
0x8: {  	[smem:$0x3FAD] =	sst s0  }
0x9: {  	[smem:$0x3FAE] =	sst s1  }
0xa: {  	[smem:$0x3FAF] =	sst s2  }
0xb: {  	[smem:$0x3FB0] =	sst s3  }
0xc: {  	[smem:$0x3FB1] =	sst s4  }
0xd: {  	[smem:$0x3FB2] =	sst s5  }
0xe: {  	[smem:$0x3FB3] =	sst s6  }
0xf: {  	[smem:$0x3FB4] =	sst s7  }
0x10: {  	[smem:$0x3FB5] =	sst s8  }
0x11: {  	[smem:$0x3FB6] =	sst s9;
	s0 =	simm.s32 @!p0 $0x0  }
0x12: {  	s1 =	sld [smem:$0x3F9C];
	s0 =	simm.s32 @p0 $0x1  }
0x13: {  	[smem:$0x3FB7] =	sst s0;
	s0 =	simm.s32 @!p1 $0x0  }
0x14: {  	s2 =	sld [smem:$0x3F9B];
	s0 =	simm.s32 @p1 $0x1  }
0x15: {  	[smem:$0x3FB8] =	sst s0;
	s0 =	simm.s32 @!p2 $0x0  }
0x16: {  	s3 =	sld [smem:$0x3FDB];
	s0 =	simm.s32 @p2 $0x1  }
0x17: {  	s4 =	simm.s32 $0x1BF5;
	[smem:$0x3FBA] =	sst s0  }
0x18: {  	s0 =	sld [smem:$0x3F9D];
	_ =	swait.ge [sflag:s4], $0x0  }
0x19: {  	s7 =	sld [smem:$0x3F9E]  }
0x1a: {  	s8 =	sadd.s32 $0xFFFFE003, lr  }
0x1b: {  	s9 =	sadd.s32 $0xFFFFFEF7, lr;
	s5 =	simm.s32 $0xFFFFFFFF;
	p2 =	slt.u32 s8, $0xFFFFF086  }
0x1c: {  	p1 =	slt.u32 s9, $0xF7A;
	s5 =	simm.s32 @!p2 $0x0  }
0x1d: {  	s5 =	simm.s32 @p1 $0x1;
	p0 =	seq.s32 s7, s2  }
0x1e: {  	s7 =	smul.u32 @!p0 $0xF7A, s2;
	p2 =	seq.s32 @!p0 s5, $0x0  }
0x1f: {  	s9 =	smul.u32 $0xF7A, s1;
	s8 =	simm.s32 @!p0 $0x1BF5;
	p2 =	por !p2, p0  }
0x20: {  	[sflag:s8] =	ssyncset.s32 @!p0 $0xFFFFF086;
	s6 =	sadd.s32 @!p0 s3, s7;
	s7 =	simm.s32 @!p0 $0x108  }
0x21: {  	s3 =	sadd.s32 s3, s9;
	s6 =	sadd.s32 @!p0 $0x88, s6;
	s7 =	simm.s32 @p2 $0x1082  }
0x22: {  	[simem:s7], [sflag:s8] =	dma.local @!p0 [hbm:s6], $0xF7A  }
0x23: {  	s9 =	sor.u32 $0xD0000000, s2;
	s6 =	simm.s32 $0x108;
	_ =	swait.ge @!p0 [sflag:s8], $0x0  }
0x24: {  	s3 =	sadd.s32 $0x88, s3;
	s6 =	simm.s32 @!p1 $0x1082;
	[sflag:s4] =	ssyncset.s32 $0xFFFFF086  }
0x25: {  	[simem:s6], [sflag:s4] =	dma.local [hbm:s3], $0xF7A  }
0x26: {  	[smem:$0x3F9E] =	sst s1;
	(tag) =	ssettag s2;
	_ =	strace s9  }
0x27: {  	s1 =	sld [smem:$0x3FAE]  }
0x28: {  	s2 =	sld [smem:$0x3FAF]  }
0x29: {  	s4 =	sld [smem:$0x3FB1]  }
0x2a: {  	p0 =	seq.s32 s5, $0x0;
	s5 =	sld [smem:$0x3FB2]  }
0x2b: {  	s6 =	sld [smem:$0x3FB3]  }
0x2c: {  	s7 =	sld [smem:$0x3FB4]  }
0x2d: {  	s3 =	simm.s32 $0x108;
	s8 =	sld [smem:$0x3FB5]  }
0x2e: {  	s3 =	simm.s32 @!p0 $0x1082;
	s9 =	sld [smem:$0x3FB6]  }
0x2f: {  	lr =	sadd.s32 s0, s3;
	s0 =	sld [smem:$0x3FAD]  }
0x30: {  	s3 =	sld [smem:$0x3FB0]  }
0x31: {  	[smem:$0x3FB9] =	sst s10  }
0x32: {  	s10 =	sld [smem:$0x3FB7];
	_ =	sdelay $0x3  }
0x33: {  	p0 =	seq.s32 s10, $0x1;
	s10 =	sld [smem:$0x3FB9];
	_ =	sdelay $0x3  }
0x34: {  	[smem:$0x3FB9] =	sst s10  }
0x35: {  	s10 =	sld [smem:$0x3FB8];
	_ =	sdelay $0x3  }
0x36: {  	p1 =	seq.s32 s10, $0x1;
	s10 =	sld [smem:$0x3FB9];
	_ =	sdelay $0x3  }
0x37: {  	[smem:$0x3FB9] =	sst s10  }
0x38: {  	s10 =	sld [smem:$0x3FBA]  }
0x39: {  	_ = 	snop;
	(pc) =	sbr.ind lr, $3  }
0x3a: {  	_ = 	snop  }
0x3b: {  	_ = 	snop  }
0x3c: {  	p2 =	seq.s32 s10, $0x1;
	s10 =	sld [smem:$0x3FB9]  }
0x3d: {  	_ =	shalt  }
0x3e: {  	_ =	shalt  }
0x3f: {  	_ =	shalt  }
0x40: {  	_ =	shalt  }
0x41: {  	_ =	shalt  }
0x42: {  	_ =	shalt  }
0x43: {  	_ =	shalt  }
0x44: {  	_ =	shalt  }
0x45: {  	_ =	shalt  }
0x46: {  	_ =	shalt  }
0x47: {  	_ =	shalt  }
0x48: {  	_ =	shalt  }
0x49: {  	_ =	shalt  }
0x4a: {  	_ =	shalt  }
0x4b: {  	_ =	shalt  }
0x4c: {  	_ =	shalt  }
0x4d: {  	_ =	shalt  }
0x4e: {  	_ =	shalt  }
0x4f: {  	_ =	shalt  }
0x50: {  	_ =	shalt  }
0x51: {  	_ =	shalt  }
0x52: {  	_ =	shalt  }
0x53: {  	_ =	shalt  }
0x54: {  	_ =	shalt  }
0x55: {  	_ =	shalt  }
0x56: {  	_ =	shalt  }
0x57: {  	_ =	shalt  }
0x58: {  	_ =	shalt  }
0x59: {  	_ =	shalt  }
0x5a: {  	_ =	shalt  }
0x5b: {  	_ =	shalt  }
0x5c: {  	_ =	shalt  }
0x5d: {  	_ =	shalt  }
0x5e: {  	_ =	shalt  }
0x5f: {  	_ =	shalt  }
0x60: {  	_ =	shalt  }
0x61: {  	_ =	shalt  }
0x62: {  	_ =	shalt  }
0x63: {  	_ =	shalt  }
0x64: {  	_ =	shalt  }
0x65: {  	_ =	shalt  }
0x66: {  	_ =	shalt  }
0x67: {  	_ =	shalt  }
0x68: {  	_ =	shalt  }
0x69: {  	_ =	shalt  }
0x6a: {  	_ =	shalt  }
0x6b: {  	_ =	shalt  }
0x6c: {  	_ =	shalt  }
0x6d: {  	_ =	shalt  }
0x6e: {  	_ =	shalt  }
0x6f: {  	_ =	shalt  }
0x70: {  	_ =	shalt  }
0x71: {  	_ =	shalt  }
0x72: {  	_ =	shalt  }
0x73: {  	_ =	shalt  }
0x74: {  	_ =	shalt  }
0x75: {  	_ =	shalt  }
0x76: {  	_ =	shalt  }
0x77: {  	_ =	shalt  }
0x78: {  	_ =	shalt  }
0x79: {  	_ =	shalt  }
0x7a: {  	_ =	shalt  }
0x7b: {  	_ =	shalt  }
0x7c: {  	_ =	shalt  }
0x7d: {  	_ =	shalt  }
0x7e: {  	_ =	shalt  }
0x7f: {  	_ =	shalt  }
0x80: {  	_ =	shalt  }
0x81: {  	_ =	shalt  }
0x82: {  	_ =	shalt  }
0x83: {  	_ =	shalt  }
0x84: {  	_ =	shalt  }
0x85: {  	_ =	shalt  }
0x86: {  	_ =	shalt  }
0x87: {  	_ =	shalt  }
.Lfunc_end0:
.L_simem_size_0:
called_computation_lowered:
.L_overlay_start_0:
0x88: {  	s2 =	sld [smem:$0x3FD9]  }
0x89: {  	s3 =	sld [smem:$0x3FFE];
	_ =	sdelay $0x1  }
0x8a: {  	s1 =	srdreg.scid  }
0x8b: {  	s0 =	sand.u32 $0x1, s1  }
0x8c: {  	s17 =	sshll.u32 s0, $0xA;
	s2 =	sadd.s32 s3, s2  }
0x8d: {  	s2 =	sadd.s32 s2, s17  }
0x8e: {  	[smem:$0x3FC5] =	sst s2  }
0x8f: {  	_ = 	snop  }
0x90: {  	s2 =	sld [smem:$0x3FC8]  }
0x91: {  	s18 =	sld [smem:$0x3FC7];
	(tm) =	ssettm $0x1  }
0x92: {  	s4 =	sld [smem:$0x3FFB];
	_ =	sdelay $0x3  }
0x93: {  	_ =	strace s4  }
0x94: {  	s4 =	sld [smem:$0x3FFC];
	_ =	sdelay $0x3  }
0x95: {  	_ =	strace s4  }
0x96: {  	s4 =	sld [smem:$0x3FFD];
	_ =	sdelay $0x3  }
0x97: {  	_ =	strace s4  }
0x98: {  	_ =	strace $0x8FFFFFFF  }
0x99: {  	s19 =	sld [smem:$0x3FDB];
	_ =	sdelay $0x1  }
0x9a: {  	s5 =	simm.s32 $_scs_section_size  }
0x9b: {  	s6 =	simm.s32 $_size__tile_overlayer_lowered;
	s7 =	simm.s32 $_tile_overlayer_lowered  }
0x9c: {  	s22 =	simm.s32 $0x1BFF;
	s21 =	sshll.u32 s7, $0x1;
	s4 =	sadd.s32 s5, s19  }
0x9d: {  	s8 =	simm.s32 $0x0;
	s20 =	sshll.u32 s6, $0x1;
	s6 =	sadd.s32 s21, s4  }
0x9e: {  	[timem:s8], [sflag:s22] =	dma.local [hbm:s6], s20  }
0x9f: {  	_ =	swait.ge [sflag:s22], s20  }
0xa0: {  	s5 =	ssub.s32 $0x0, s20;
	[sflag:s22] =	ssyncset.done $0x0  }
0xa1: {  	[sflag:s22] =	ssyncadd.s32 s5;
	_ =	sdelay $0x1  }
0xa2: {  	s23 =	simm.s32 $0x1B8B  }
0xa3: {  	_ =	swait.ge [sflag:s23], $0x1  }
0xa4: {  	[sflag:s23] =	ssyncset.done $0x0  }
0xa5: {  	s25 =	simm.s32 $0x1B8E;
	s24 =	sld [smem:$0x3FFE];
	[sflag:s23] =	ssyncadd.s32 $0xFFFFFFFF  }
0xa6: {  	s26 =	simm.s32 $execute0_lowered;
	[smem:$0x3FD2] =	sst s25  }
0xa7: {  	s6 =	sshll.u32 s26, $0x1;
	_ =	strace $0x80000046;
	[dreg:$0x1] =	wrdreg $0xFFFFFFFF  }
0xa8: {  	s28 =	simm.s32 $_size_execute0_lowered;
	s4 =	sadd.s32 s4, s6;
	[dreg:$0x0] =	wrdreg $0x0  }
0xa9: {  	s6 =	sshll.u32 s28, $0x1;
	[dreg:$0x2] =	wrdreg s4  }
0xaa: {  	[dreg:$0x3] =	wrdreg s6  }
0xab: {  	[dreg:$0x4] =	wrdreg $0xC0  }
0xac: {  	_ =	task [dreg:s8], $0x5FFFF  }
0xad: {  	[dreg:$0x1] =	wrdreg $0xFFFFFFFF  }
0xae: {  	[dreg:$0x0] =	wrdreg $0x60  }
0xaf: {  	[dreg:$0x2] =	wrdreg s2  }
0xb0: {  	[dreg:$0x3] =	wrdreg s18  }
0xb1: {  	[dreg:$0x4] =	wrdreg s24  }
0xb2: {  	[dreg:$0x5] =	wrdreg $0x9  }
0xb3: {  	_ =	task.clear_ibuf [dreg:s8], $0x6FFFF;
	_ =	strace $0x90000046  }
0xb4: {  	s29 =	simm.s32 $0x9;
	_ =	strace $0x80000048  }
0xb5: {  	_ =	swait.ge [sflag:s29], $0x1  }
0xb6: {  	[sflag:s29] =	ssyncadd.s32 $0xFFFFFFFF  }
0xb7: {  	_ =	strace $0x90000048  }
0xb8: {  	_ =	sfence  }
0xb9: {  	s30 =	sld [smem:$0x0];
	_ =	sdelay $0x2  }
0xba: {  	s31 =	sshll.u32 s1, $0xD;
	s1 =	sshrl.u32 s1, $0x2  }
0xbb: {  	s3 =	sand.u32 $0x4000, s31;
	s1 =	sadd.s32 s1, s30  }
0xbc: {  	s0 =	sor.u32 s3, s0;
	s1 =	sshll.u32 s1, $0x11  }
0xbd: {  	s0 =	sor.u32 s1, s0  }
0xbe: {  	s0 =	sadd.s32 $0x8F2B, s0  }
0xbf: {  	[sflag:s0] =	ssyncadd.remote.s32 $0x1  }
0xc0: {  	_ =	sfence.sel $0xFFFF  }
0xc1: {  	[dreg:$0x0] =	wrdreg $0xFFFFFFFF;
	(pc) =	sbr.abs _section_cstart, $3  }
0xc2: {  	[dreg:$0x1] =	wrdreg $0xFFFFFFFF  }
0xc3: {  	_ =	task.clear_ibuf [dreg:s8], $0x2FFFF;
	_ =	strace $0x9FFFFFFF  }
0xc4: {  	(tm) =	ssettm $0x7FFFFFFF  }
0xc5: {  	_ =	shalt  }
tec
execute0_lowered:
.L_overlay_start_1:
0x0: {  	(tag) =	ssettag $0x1  }
0x1: {  	s0 =	rddreg [dreg:$0x0]  }
0x2: {  	s1 =	rddreg [dreg:$0x1]  }
0x3: {  	s2 =	rddreg [dreg:$0x2];
	s3 =	simm.s32 $0x0  }
0x4: {  	s4 =	srdreg.scid;
	s6 =	stileid.u32;
	s13 =	simm.s32 $0x80  }
0x5: {  	s14 =	simm.s32 $0x400;
	s15 =	simm.s32 $0x2;
	s31 =	simm.s32 $0x7200  }
0x6: {  	s8 =	simm.s32 $0xAA00;
	s9 =	simm.s32 $0xB200;
	s10 =	simm.s32 $0xBA00  }
0x7: {  	s11 =	simm.s32 $0xC200;
	s12 =	simm.s32 $0xCA00;
	s16 =	simm.s32 $0xD200  }
0x8: {  	s17 =	simm.s32 $0xDA00;
	s18 =	simm.s32 $0xE200;
	s19 =	simm.s32 $0xEA00  }
0x9: {  	s20 =	simm.s32 $0xF200;
	s21 =	simm.s32 $0xFA00;
	s4 =	sand.u32 $0x1, s4  }
0xa: {  	s6 =	sshll.u32 s6, $0x8;
	s5 =	ssub.s32 $0x2, s4;
	s4 =	sshll.u32 s4, $0x6  }
0xb: {  	[smem:$0x7FF] =	sst s3;
	s2 =	sadd.s32 $0x400, s2;
	s4 =	sor.u32 s4, s6  }
0xc: {  	_ =	strace $0x80000047;
	s7 =	sshrl.u32 s5, $0x1;
	s6 =	sadd.s32 s0, s4  }
0xd: {  	s22 =	sor.u32 $0x10, s4;
	s23 =	sadd.s32 s2, s4;
	[dreg:$0x4] =	wrdreg s6  }
0xe: {  	s5 =	ssub.s32 s5, s7;
	[dreg:$0x5] =	wrdreg s23;
	s24 =	sadd.s32 s0, s22  }
0xf: {  	v18 =	vlaneseq.u32;
	s25 =	sor.u32 $0x20, s4;
	s6 =	sadd.s32 s2, s22;
	[dreg:$0x6] =	wrdreg s24  }
0x10: {  	vm0 =	vmmov $0xffff;
	v0 =	vmul.u32 $0x2, v18;
	v17 =	vshrl.u32 v18, $0x3;
	s4 =	sor.u32 $0x30, s4;
	s26 =	sadd.s32 s0, s25;
	[dreg:$0x7] =	wrdreg s6  }
0x11: {  	v16 =	vand.u32 $0x7, v18;
	v18 =	vor.u32 $0x8, v18;
	v17 =	vmul.u32 $0x8, v17;
	s7 =	simm.s32 $0xA200;
	s28 =	sadd.s32 s2, s25;
	[dreg:$0x8] =	wrdreg s26  }
0x12: {  	v1 =	vor.u32 $0x20, v0;
	v2 =	vor.u32 $0x40, v0;
	v3 =	vor.u32 $0x60, v0;
	s0 =	sadd.s32 s0, s4;
	s29 =	sadd.s32 s2, s4;
	[dreg:$0x9] =	wrdreg s28  }
0x13: {  	v4 =	vor.u32 $0x80, v0;
	v5 =	vor.u32 $0xA0, v0;
	v6 =	vor.u32 $0xC0, v0;
	s30 =	smax.u32 s5, $0x1;
	s2 =	simm.s32 $0x8200;
	[dreg:$0xa] =	wrdreg s0  }
0x14: {  	v7 =	vor.u32 $0xE0, v0;
	v8 =	vor.u32 $0x100, v0;
	v9 =	vor.u32 $0x120, v0;
	s4 =	simm.s32 $0x8A00;
	s5 =	simm.s32 $0x9200;
	[dreg:$0xb] =	wrdreg s29  }
0x15: {  	v10 =	vor.u32 $0x140, v0;
	v11 =	vor.u32 $0x160, v0;
	v12 =	vor.u32 $0x180, v0;
	s22 =	simm.s32 $0x1;
	s23 =	simm.s32 $0x10200;
	[dreg:$0xc] =	wrdreg s30  }
0x16: {  	v13 =	vor.u32 $0x1A0, v0;
	v14 =	vor.u32 $0x1C0, v0;
	v15 =	vor.u32 $0x1E0, v0;
	s0 =	simm.s32 $0x7A00;
	s6 =	simm.s32 $0x9A00;
	s24 =	simm.s32 $0x0  }
.LBB2_1:
0x17: {  	s25 =	rddreg [dreg:$0x4]  }
0x18: {  	[tilespmem:s3], [sflag:$0x2] =	stream.strided.gather [hbm4b:s25+s13], $0x100, s14, s13, $0x38;
	[tilespmem:$0x10300] =	vst v63  }
0x19: {  	_ =	swait.ge [sflag:s15], $0x100  }
0x1a: {  	[sflag:s15] =	ssyncset.done $0x0  }
0x1b: {  	[sflag:s15] =	ssyncadd.s32 $0xFFFFFF00  }
0x1c: {  	v19 =	vld [tilespmem:$0x0]  }
0x1d: {  	v20 =	vld [tilespmem:$0x10]  }
0x1e: {  	v21 =	vld [tilespmem:$0x20]  }
0x1f: {  	v22 =	vld [tilespmem:$0x30]  }
0x20: {  	v23 =	vld [tilespmem:$0x40]  }
0x21: {  	v24 =	vld [tilespmem:$0x50];
	v19 =	vadd.s32 v0, v19  }
0x22: {  	v25 =	vld [tilespmem:$0x60];
	v20 =	vadd.s32 v1, v20;
	[tilespmem:$0x100] =	vst v19  }
0x23: {  	[tilespmem:$0x110] =	vst v20;
	v20 =	vadd.s32 v2, v21;
	v21 =	vld [tilespmem:$0x70]  }
0x24: {  	[tilespmem:$0x120] =	vst v20;
	v20 =	vadd.s32 v3, v22;
	v22 =	vld [tilespmem:$0x80]  }
0x25: {  	[tilespmem:$0x130] =	vst v20;
	v20 =	vadd.s32 v4, v23;
	v23 =	vld [tilespmem:$0x90]  }
0x26: {  	[tilespmem:$0x140] =	vst v20;
	v20 =	vadd.s32 v5, v24;
	v24 =	vld [tilespmem:$0xA0]  }
0x27: {  	[tilespmem:$0x150] =	vst v20;
	v20 =	vadd.s32 v6, v25;
	v25 =	vld [tilespmem:$0xB0]  }
0x28: {  	v26 =	vshll.u32 v19, $0x1;
	[tilespmem:$0x160] =	vst v20;
	v20 =	vadd.s32 v7, v21;
	v21 =	vld [tilespmem:$0xC0]  }
0x29: {  	v19 =	vand.u32 $0x7, v19;
	v26 =	vand.u32 $0xFFFFFFF0, v26;
	[tilespmem:$0x170] =	vst v20;
	v20 =	vadd.s32 v8, v22;
	v22 =	vld [tilespmem:$0xD0]  }
0x2a: {  	v19 =	vor.u32 v19, v26;
	[tilespmem:$0x180] =	vst v20;
	v20 =	vadd.s32 v9, v23;
	v23 =	vld [tilespmem:$0xE0]  }
0x2b: {  	v26 =	vperm.xlane v19, v16;
	[tilespmem:$0x190] =	vst v20;
	v20 =	vadd.s32 v10, v24;
	v24 =	vld [tilespmem:$0xF0]  }
0x2c: {  	[tilespmem:$0x1A0] =	vst v20;
	v20 =	vadd.s32 v11, v25  }
0x2d: {  	v19 =	vperm.xlane v19, v18;
	[tilespmem:$0x1B0] =	vst v20;
	v20 =	vadd.s32 v12, v21;
	v21 =	vadd.s32 v17, v26  }
0x2e: {  	[tilespmem:$0x1C0] =	vst v20;
	v20 =	vadd.s32 v13, v22  }
0x2f: {  	v19 =	vadd.s32 v17, v19;
	[tilespmem:$0x1D0] =	vst v20;
	v20 =	vadd.s32 v14, v23  }
0x30: {  	[tilespmem:$0x1E0] =	vst v20;
	v20 =	vadd.s32 v15, v24  }
0x31: {  	s26 =	simm.s32 $0x200;
	[tilespmem:$0x1F0] =	vst v20  }
0x32: {  	[tilespmem:s26], [sflag:$0x1] =	stream.indirect_vreg.gather [hbm4b:s1+s3], $0x80, v21, vm0, $0xb8;
	[tilespmem:$0x10300] =	vst v63  }
0x33: {  	s26 =	simm.s32 $0xA00  }
0x34: {  	[tilespmem:s26], [sflag:$0x1] =	stream.indirect_vreg.gather [hbm4b:s1+s3], $0x80, v19, vm0, $0xb8;
	[tilespmem:$0x10300] =	vst v63  }
0x35: {  	v19 =	vld [tilespmem:$0x110];
	_ =	sdelay $0x4  }
0x36: {  	v20 =	vshll.u32 v19, $0x1  }
0x37: {  	v19 =	vand.u32 $0x7, v19;
	v20 =	vand.u32 $0xFFFFFFF0, v20  }
0x38: {  	v19 =	vor.u32 v19, v20  }
0x39: {  	v20 =	vperm.xlane v19, v16;
	_ =	sdelay $0x1  }
0x3a: {  	v19 =	vperm.xlane v19, v18;
	v20 =	vadd.s32 v17, v20;
	_ =	sdelay $0x1  }
0x3b: {  	v19 =	vadd.s32 v17, v19;
	_ =	sdelay $0x1  }
0x3c: {  	s26 =	simm.s32 $0x1200  }
0x3d: {  	[tilespmem:s26], [sflag:$0x1] =	stream.indirect_vreg.gather [hbm4b:s1+s3], $0x80, v20, vm0, $0xb8;
	[tilespmem:$0x10300] =	vst v63  }
0x3e: {  	s26 =	simm.s32 $0x1A00  }
0x3f: {  	[tilespmem:s26], [sflag:$0x1] =	stream.indirect_vreg.gather [hbm4b:s1+s3], $0x80, v19, vm0, $0xb8;
	[tilespmem:$0x10300] =	vst v63  }
0x40: {  	v19 =	vld [tilespmem:$0x120];
	_ =	sdelay $0x4  }
0x41: {  	v20 =	vshll.u32 v19, $0x1  }
0x42: {  	v19 =	vand.u32 $0x7, v19;
	v20 =	vand.u32 $0xFFFFFFF0, v20  }
0x43: {  	v19 =	vor.u32 v19, v20  }
0x44: {  	v20 =	vperm.xlane v19, v16;
	_ =	sdelay $0x1  }
0x45: {  	v19 =	vperm.xlane v19, v18;
	v20 =	vadd.s32 v17, v20;
	_ =	sdelay $0x1  }
0x46: {  	v19 =	vadd.s32 v17, v19;
	_ =	sdelay $0x1  }
0x47: {  	s26 =	simm.s32 $0x2200  }
0x48: {  	[tilespmem:s26], [sflag:$0x1] =	stream.indirect_vreg.gather [hbm4b:s1+s3], $0x80, v20, vm0, $0xb8;
	[tilespmem:$0x10300] =	vst v63  }
0x49: {  	s26 =	simm.s32 $0x2A00  }
0x4a: {  	[tilespmem:s26], [sflag:$0x1] =	stream.indirect_vreg.gather [hbm4b:s1+s3], $0x80, v19, vm0, $0xb8;
	[tilespmem:$0x10300] =	vst v63  }
0x4b: {  	v19 =	vld [tilespmem:$0x130];
	_ =	sdelay $0x4  }
0x4c: {  	v20 =	vshll.u32 v19, $0x1  }
0x4d: {  	v19 =	vand.u32 $0x7, v19;
	v20 =	vand.u32 $0xFFFFFFF0, v20  }
0x4e: {  	v19 =	vor.u32 v19, v20  }
0x4f: {  	v20 =	vperm.xlane v19, v16;
	_ =	sdelay $0x1  }
0x50: {  	v19 =	vperm.xlane v19, v18;
	v20 =	vadd.s32 v17, v20;
	_ =	sdelay $0x1  }
0x51: {  	v19 =	vadd.s32 v17, v19;
	_ =	sdelay $0x1  }
0x52: {  	s26 =	simm.s32 $0x3200  }
0x53: {  	[tilespmem:s26], [sflag:$0x1] =	stream.indirect_vreg.gather [hbm4b:s1+s3], $0x80, v20, vm0, $0xb8;
	[tilespmem:$0x10300] =	vst v63  }
0x54: {  	s26 =	simm.s32 $0x3A00  }
0x55: {  	[tilespmem:s26], [sflag:$0x1] =	stream.indirect_vreg.gather [hbm4b:s1+s3], $0x80, v19, vm0, $0xb8;
	[tilespmem:$0x10300] =	vst v63  }
0x56: {  	v19 =	vld [tilespmem:$0x140];
	_ =	sdelay $0x4  }
0x57: {  	v20 =	vshll.u32 v19, $0x1  }
0x58: {  	v19 =	vand.u32 $0x7, v19;
	v20 =	vand.u32 $0xFFFFFFF0, v20  }
0x59: {  	v19 =	vor.u32 v19, v20  }
0x5a: {  	v20 =	vperm.xlane v19, v16;
	_ =	sdelay $0x1  }
0x5b: {  	v19 =	vperm.xlane v19, v18;
	v20 =	vadd.s32 v17, v20;
	_ =	sdelay $0x1  }
0x5c: {  	v19 =	vadd.s32 v17, v19;
	_ =	sdelay $0x1  }
0x5d: {  	s26 =	simm.s32 $0x4200  }
0x5e: {  	[tilespmem:s26], [sflag:$0x1] =	stream.indirect_vreg.gather [hbm4b:s1+s3], $0x80, v20, vm0, $0xb8;
	[tilespmem:$0x10300] =	vst v63  }
0x5f: {  	s26 =	simm.s32 $0x4A00  }
0x60: {  	[tilespmem:s26], [sflag:$0x1] =	stream.indirect_vreg.gather [hbm4b:s1+s3], $0x80, v19, vm0, $0xb8;
	[tilespmem:$0x10300] =	vst v63  }
0x61: {  	v19 =	vld [tilespmem:$0x150];
	_ =	sdelay $0x4  }
0x62: {  	v20 =	vshll.u32 v19, $0x1  }
0x63: {  	v19 =	vand.u32 $0x7, v19;
	v20 =	vand.u32 $0xFFFFFFF0, v20  }
0x64: {  	v19 =	vor.u32 v19, v20  }
0x65: {  	v20 =	vperm.xlane v19, v16;
	_ =	sdelay $0x1  }
0x66: {  	v19 =	vperm.xlane v19, v18;
	v20 =	vadd.s32 v17, v20;
	_ =	sdelay $0x1  }
0x67: {  	v19 =	vadd.s32 v17, v19;
	_ =	sdelay $0x1  }
0x68: {  	s26 =	simm.s32 $0x5200  }
0x69: {  	[tilespmem:s26], [sflag:$0x1] =	stream.indirect_vreg.gather [hbm4b:s1+s3], $0x80, v20, vm0, $0xb8;
	[tilespmem:$0x10300] =	vst v63  }
0x6a: {  	s26 =	simm.s32 $0x5A00  }
0x6b: {  	[tilespmem:s26], [sflag:$0x1] =	stream.indirect_vreg.gather [hbm4b:s1+s3], $0x80, v19, vm0, $0xb8;
	[tilespmem:$0x10300] =	vst v63  }
0x6c: {  	v19 =	vld [tilespmem:$0x160];
	_ =	sdelay $0x4  }
0x6d: {  	v20 =	vshll.u32 v19, $0x1  }
0x6e: {  	v19 =	vand.u32 $0x7, v19;
	v20 =	vand.u32 $0xFFFFFFF0, v20  }
0x6f: {  	v19 =	vor.u32 v19, v20  }
0x70: {  	v20 =	vperm.xlane v19, v16;
	_ =	sdelay $0x1  }
0x71: {  	v19 =	vperm.xlane v19, v18;
	v20 =	vadd.s32 v17, v20;
	_ =	sdelay $0x1  }
0x72: {  	v19 =	vadd.s32 v17, v19;
	_ =	sdelay $0x1  }
0x73: {  	s26 =	simm.s32 $0x6200  }
0x74: {  	[tilespmem:s26], [sflag:$0x1] =	stream.indirect_vreg.gather [hbm4b:s1+s3], $0x80, v20, vm0, $0xb8;
	[tilespmem:$0x10300] =	vst v63  }
0x75: {  	s26 =	simm.s32 $0x6A00  }
0x76: {  	[tilespmem:s26], [sflag:$0x1] =	stream.indirect_vreg.gather [hbm4b:s1+s3], $0x80, v19, vm0, $0xb8;
	[tilespmem:$0x10300] =	vst v63  }
0x77: {  	v19 =	vld [tilespmem:$0x170];
	_ =	sdelay $0x4  }
0x78: {  	v20 =	vshll.u32 v19, $0x1  }
0x79: {  	v19 =	vand.u32 $0x7, v19;
	v20 =	vand.u32 $0xFFFFFFF0, v20  }
0x7a: {  	v19 =	vor.u32 v19, v20  }
0x7b: {  	v20 =	vperm.xlane v19, v16;
	_ =	sdelay $0x1  }
0x7c: {  	v19 =	vperm.xlane v19, v18;
	v20 =	vadd.s32 v17, v20;
	_ =	sdelay $0x1  }
0x7d: {  	v19 =	vadd.s32 v17, v19;
	_ =	sdelay $0x2  }
0x7e: {  	[tilespmem:s31], [sflag:$0x1] =	stream.indirect_vreg.gather [hbm4b:s1+s3], $0x80, v20, vm0, $0xb8;
	[tilespmem:$0x10300] =	vst v63  }
0x7f: {  	_ = 	snop  }
0x80: {  	[tilespmem:s0], [sflag:$0x1] =	stream.indirect_vreg.gather [hbm4b:s1+s3], $0x80, v19, vm0, $0xb8;
	[tilespmem:$0x10300] =	vst v63  }
0x81: {  	v19 =	vld [tilespmem:$0x180];
	_ =	sdelay $0x4  }
0x82: {  	v20 =	vshll.u32 v19, $0x1  }
0x83: {  	v19 =	vand.u32 $0x7, v19;
	v20 =	vand.u32 $0xFFFFFFF0, v20  }
0x84: {  	v19 =	vor.u32 v19, v20  }
0x85: {  	v20 =	vperm.xlane v19, v16;
	_ =	sdelay $0x1  }
0x86: {  	v19 =	vperm.xlane v19, v18;
	v20 =	vadd.s32 v17, v20;
	_ =	sdelay $0x1  }
0x87: {  	v19 =	vadd.s32 v17, v19;
	_ =	sdelay $0x2  }
0x88: {  	[tilespmem:s2], [sflag:$0x1] =	stream.indirect_vreg.gather [hbm4b:s1+s3], $0x80, v20, vm0, $0xb8;
	[tilespmem:$0x10300] =	vst v63  }
0x89: {  	_ = 	snop  }
0x8a: {  	[tilespmem:s4], [sflag:$0x1] =	stream.indirect_vreg.gather [hbm4b:s1+s3], $0x80, v19, vm0, $0xb8;
	[tilespmem:$0x10300] =	vst v63  }
0x8b: {  	v19 =	vld [tilespmem:$0x190];
	_ =	sdelay $0x4  }
0x8c: {  	v20 =	vshll.u32 v19, $0x1  }
0x8d: {  	v19 =	vand.u32 $0x7, v19;
	v20 =	vand.u32 $0xFFFFFFF0, v20  }
0x8e: {  	v19 =	vor.u32 v19, v20  }
0x8f: {  	v20 =	vperm.xlane v19, v16;
	_ =	sdelay $0x1  }
0x90: {  	v19 =	vperm.xlane v19, v18;
	v20 =	vadd.s32 v17, v20;
	_ =	sdelay $0x1  }
0x91: {  	v19 =	vadd.s32 v17, v19;
	_ =	sdelay $0x2  }
0x92: {  	[tilespmem:s5], [sflag:$0x1] =	stream.indirect_vreg.gather [hbm4b:s1+s3], $0x80, v20, vm0, $0xb8;
	[tilespmem:$0x10300] =	vst v63  }
0x93: {  	_ = 	snop  }
0x94: {  	[tilespmem:s6], [sflag:$0x1] =	stream.indirect_vreg.gather [hbm4b:s1+s3], $0x80, v19, vm0, $0xb8;
	[tilespmem:$0x10300] =	vst v63  }
0x95: {  	v19 =	vld [tilespmem:$0x1A0];
	_ =	sdelay $0x4  }
0x96: {  	v20 =	vshll.u32 v19, $0x1  }
0x97: {  	v19 =	vand.u32 $0x7, v19;
	v20 =	vand.u32 $0xFFFFFFF0, v20  }
0x98: {  	v19 =	vor.u32 v19, v20  }
0x99: {  	v20 =	vperm.xlane v19, v16;
	_ =	sdelay $0x1  }
0x9a: {  	v19 =	vperm.xlane v19, v18;
	v20 =	vadd.s32 v17, v20;
	_ =	sdelay $0x1  }
0x9b: {  	v19 =	vadd.s32 v17, v19;
	_ =	sdelay $0x2  }
0x9c: {  	[tilespmem:s7], [sflag:$0x1] =	stream.indirect_vreg.gather [hbm4b:s1+s3], $0x80, v20, vm0, $0xb8;
	[tilespmem:$0x10300] =	vst v63  }
0x9d: {  	_ = 	snop  }
0x9e: {  	[tilespmem:s8], [sflag:$0x1] =	stream.indirect_vreg.gather [hbm4b:s1+s3], $0x80, v19, vm0, $0xb8;
	[tilespmem:$0x10300] =	vst v63  }
0x9f: {  	v19 =	vld [tilespmem:$0x1B0];
	_ =	sdelay $0x4  }
0xa0: {  	v20 =	vshll.u32 v19, $0x1  }
0xa1: {  	v19 =	vand.u32 $0x7, v19;
	v20 =	vand.u32 $0xFFFFFFF0, v20  }
0xa2: {  	v19 =	vor.u32 v19, v20  }
0xa3: {  	v20 =	vperm.xlane v19, v16;
	_ =	sdelay $0x1  }
0xa4: {  	v19 =	vperm.xlane v19, v18;
	v20 =	vadd.s32 v17, v20;
	_ =	sdelay $0x1  }
0xa5: {  	v19 =	vadd.s32 v17, v19;
	_ =	sdelay $0x2  }
0xa6: {  	[tilespmem:s9], [sflag:$0x1] =	stream.indirect_vreg.gather [hbm4b:s1+s3], $0x80, v20, vm0, $0xb8;
	[tilespmem:$0x10300] =	vst v63  }
0xa7: {  	_ = 	snop  }
0xa8: {  	[tilespmem:s10], [sflag:$0x1] =	stream.indirect_vreg.gather [hbm4b:s1+s3], $0x80, v19, vm0, $0xb8;
	[tilespmem:$0x10300] =	vst v63  }
0xa9: {  	v19 =	vld [tilespmem:$0x1C0];
	_ =	sdelay $0x4  }
0xaa: {  	v20 =	vshll.u32 v19, $0x1  }
0xab: {  	v19 =	vand.u32 $0x7, v19;
	v20 =	vand.u32 $0xFFFFFFF0, v20  }
0xac: {  	v19 =	vor.u32 v19, v20  }
0xad: {  	v20 =	vperm.xlane v19, v16;
	_ =	sdelay $0x1  }
0xae: {  	v19 =	vperm.xlane v19, v18;
	v20 =	vadd.s32 v17, v20;
	_ =	sdelay $0x1  }
0xaf: {  	v19 =	vadd.s32 v17, v19;
	_ =	sdelay $0x2  }
0xb0: {  	[tilespmem:s11], [sflag:$0x1] =	stream.indirect_vreg.gather [hbm4b:s1+s3], $0x80, v20, vm0, $0xb8;
	[tilespmem:$0x10300] =	vst v63  }
0xb1: {  	_ = 	snop  }
0xb2: {  	[tilespmem:s12], [sflag:$0x1] =	stream.indirect_vreg.gather [hbm4b:s1+s3], $0x80, v19, vm0, $0xb8;
	[tilespmem:$0x10300] =	vst v63  }
0xb3: {  	v19 =	vld [tilespmem:$0x1D0];
	_ =	sdelay $0x4  }
0xb4: {  	v20 =	vshll.u32 v19, $0x1  }
0xb5: {  	v19 =	vand.u32 $0x7, v19;
	v20 =	vand.u32 $0xFFFFFFF0, v20  }
0xb6: {  	v19 =	vor.u32 v19, v20  }
0xb7: {  	v20 =	vperm.xlane v19, v16;
	_ =	sdelay $0x1  }
0xb8: {  	v19 =	vperm.xlane v19, v18;
	v20 =	vadd.s32 v17, v20;
	_ =	sdelay $0x1  }
0xb9: {  	v19 =	vadd.s32 v17, v19;
	_ =	sdelay $0x2  }
0xba: {  	[tilespmem:s16], [sflag:$0x1] =	stream.indirect_vreg.gather [hbm4b:s1+s3], $0x80, v20, vm0, $0xb8;
	[tilespmem:$0x10300] =	vst v63  }
0xbb: {  	_ = 	snop  }
0xbc: {  	[tilespmem:s17], [sflag:$0x1] =	stream.indirect_vreg.gather [hbm4b:s1+s3], $0x80, v19, vm0, $0xb8;
	[tilespmem:$0x10300] =	vst v63  }
0xbd: {  	v19 =	vld [tilespmem:$0x1E0];
	_ =	sdelay $0x4  }
0xbe: {  	v20 =	vshll.u32 v19, $0x1  }
0xbf: {  	v19 =	vand.u32 $0x7, v19;
	v20 =	vand.u32 $0xFFFFFFF0, v20  }
0xc0: {  	v19 =	vor.u32 v19, v20  }
0xc1: {  	v20 =	vperm.xlane v19, v16;
	_ =	sdelay $0x1  }
0xc2: {  	v19 =	vperm.xlane v19, v18;
	v20 =	vadd.s32 v17, v20;
	_ =	sdelay $0x1  }
0xc3: {  	v19 =	vadd.s32 v17, v19;
	_ =	sdelay $0x2  }
0xc4: {  	[tilespmem:s18], [sflag:$0x1] =	stream.indirect_vreg.gather [hbm4b:s1+s3], $0x80, v20, vm0, $0xb8;
	[tilespmem:$0x10300] =	vst v63  }
0xc5: {  	_ = 	snop  }
0xc6: {  	[tilespmem:s19], [sflag:$0x1] =	stream.indirect_vreg.gather [hbm4b:s1+s3], $0x80, v19, vm0, $0xb8;
	[tilespmem:$0x10300] =	vst v63  }
0xc7: {  	v19 =	vld [tilespmem:$0x1F0];
	_ =	sdelay $0x4  }
0xc8: {  	v20 =	vshll.u32 v19, $0x1  }
0xc9: {  	v19 =	vand.u32 $0x7, v19;
	v20 =	vand.u32 $0xFFFFFFF0, v20  }
0xca: {  	v19 =	vor.u32 v19, v20  }
0xcb: {  	v20 =	vperm.xlane v19, v16;
	_ =	sdelay $0x1  }
0xcc: {  	v19 =	vperm.xlane v19, v18;
	v20 =	vadd.s32 v17, v20;
	_ =	sdelay $0x1  }
0xcd: {  	v19 =	vadd.s32 v17, v19;
	_ =	sdelay $0x2  }
0xce: {  	[tilespmem:s20], [sflag:$0x1] =	stream.indirect_vreg.gather [hbm4b:s1+s3], $0x80, v20, vm0, $0xb8;
	[tilespmem:$0x10300] =	vst v63  }
0xcf: {  	_ = 	snop  }
0xd0: {  	[tilespmem:s21], [sflag:$0x1] =	stream.indirect_vreg.gather [hbm4b:s1+s3], $0x80, v19, vm0, $0xb8;
	[tilespmem:$0x10300] =	vst v63  }
0xd1: {  	_ =	swait.ge [sflag:s22], $0x10000  }
0xd2: {  	s25 =	sand.u32 $0xF800, s3;
	s26 =	sand.u32 $0x380, s3;
	[sflag:s22] =	ssyncset.done $0x0  }
0xd3: {  	s25 =	sor.u32 s26, s25;
	[sflag:s22] =	ssyncadd.s32 $0xFFFF0000  }
0xd4: {  	v19 =	vld [tilespmem:s25+$0x670]  }
0xd5: {  	v21 =	vld [tilespmem:s25+$0x200]  }
0xd6: {  	v22 =	vld [tilespmem:s25+$0x210]  }
0xd7: {  	v23 =	vld [tilespmem:s25+$0x220]  }
0xd8: {  	v24 =	vld [tilespmem:s25+$0x230]  }
0xd9: {  	v25 =	vld [tilespmem:s25+$0x240]  }
0xda: {  	v26 =	vld [tilespmem:s25+$0x250]  }
0xdb: {  	v27 =	vld [tilespmem:s25+$0x260]  }
0xdc: {  	v20 =	vimm.f32 $0.0e+00;
	v30 =	vld [tilespmem:s25+$0x270]  }
0xdd: {  	v31 =	vld [tilespmem:s25+$0x600];
	v19 =	vadd.f32 v19, v20  }
0xde: {  	v34 =	vadd.f32 v21, v20;
	v33 =	vadd.f32 v22, v20  }
0xdf: {  	v38 =	vld [tilespmem:s25+$0x610];
	v32 =	vadd.f32 v23, v20;
	v28 =	vadd.f32 v24, v20  }
0xe0: {  	v37 =	vld [tilespmem:s25+$0x620];
	v29 =	vadd.f32 v25, v20;
	v25 =	vadd.f32 v26, v20  }
0xe1: {  	v35 =	vld [tilespmem:s25+$0x630];
	v26 =	vadd.f32 v27, v20;
	v22 =	vadd.f32 v30, v20  }
0xe2: {  	s28 =	simm.s32 $0x100;
	s26 =	simm.s32 $0x80;
	v36 =	vld [tilespmem:s25+$0x640];
	v27 =	vadd.f32 v31, v20;
	v30 =	vimm.f32 $0.0e+00;
	v23 =	vimm.f32 $0.0e+00  }
0xe3: {  	s29 =	sand.u32 $0xF800, s28;
	s28 =	simm.s32 $0x200;
	s30 =	sand.u32 $0x380, s26;
	v39 =	vld [tilespmem:s25+$0x650];
	v31 =	vimm.f32 $0.0e+00;
	v24 =	vimm.f32 $0.0e+00;
	v21 =	vimm.f32 $0.0e+00  }
.LBB2_2:
0xe4: {  	p0 =	sne.s32 s28, $0xFF00;
	v20 =	vadd.f32 v38, v20;
	v38 =	vld [tilespmem:s25+$0x660];
	s25 =	sor.u32 s30, s29  }
0xe5: {  	v40 =	vld [tilespmem:s25+$0x670];
	v30 =	vadd.f32 v37, v30  }
0xe6: {  	v37 =	vld [tilespmem:s25+$0x200];
	v23 =	vadd.f32 v35, v23  }
0xe7: {  	v35 =	vld [tilespmem:s25+$0x210];
	v31 =	vadd.f32 v36, v31  }
0xe8: {  	v36 =	vld [tilespmem:s25+$0x220];
	v24 =	vadd.f32 v39, v24  }
0xe9: {  	v39 =	vld [tilespmem:s25+$0x230];
	v21 =	vadd.f32 v38, v21  }
0xea: {  	v38 =	vld [tilespmem:s25+$0x240];
	v19 =	vadd.f32 v40, v19  }
0xeb: {  	v34 =	vadd.f32 v37, v34;
	v37 =	vld [tilespmem:s25+$0x250]  }
0xec: {  	v33 =	vadd.f32 v35, v33;
	v35 =	vld [tilespmem:s25+$0x260]  }
0xed: {  	v32 =	vadd.f32 v36, v32;
	v36 =	vld [tilespmem:s25+$0x270]  }
0xee: {  	v28 =	vadd.f32 v39, v28;
	v39 =	vld [tilespmem:s25+$0x600]  }
.Ltmp0:
0xef: {  	v29 =	vadd.f32 v38, v29;
	v38 =	vld [tilespmem:s25+$0x610];
	(pc) =	sbr.rel @p0 .LBB2_2-.Ltmp0, $4  }
0xf0: {  	v25 =	vadd.f32 v37, v25;
	v37 =	vld [tilespmem:s25+$0x620]  }
0xf1: {  	v26 =	vadd.f32 v35, v26;
	v35 =	vld [tilespmem:s25+$0x630]  }
0xf2: {  	s26 =	sadd.s32 $0x80, s26;
	v22 =	vadd.f32 v36, v22;
	v36 =	vld [tilespmem:s25+$0x640]  }
0xf3: {  	s29 =	sand.u32 $0xF800, s28;
	s28 =	sadd.s32 $0x100, s28;
	s30 =	sand.u32 $0x380, s26;
	v27 =	vadd.f32 v39, v27;
	v39 =	vld [tilespmem:s25+$0x650]  }
0xf4: {  	s26 =	sor.u32 s30, s29;
	v40 =	vld [tilespmem:s25+$0x660]  }
0xf5: {  	v41 =	vld [tilespmem:s26+$0x670]  }
0xf6: {  	v42 =	vld [tilespmem:s26+$0x200]  }
0xf7: {  	v43 =	vld [tilespmem:s26+$0x210]  }
0xf8: {  	v44 =	vld [tilespmem:s26+$0x220]  }
0xf9: {  	v45 =	vld [tilespmem:s26+$0x230]  }
0xfa: {  	v46 =	vld [tilespmem:s26+$0x240]  }
0xfb: {  	v47 =	vld [tilespmem:s26+$0x250]  }
0xfc: {  	v48 =	vld [tilespmem:s26+$0x260]  }
0xfd: {  	v49 =	vld [tilespmem:s26+$0x270]  }
0xfe: {  	v50 =	vld [tilespmem:s26+$0x600]  }
0xff: {  	v51 =	vld [tilespmem:s26+$0x610]  }
0x100: {  	v52 =	vld [tilespmem:s26+$0x620]  }
0x101: {  	v53 =	vld [tilespmem:s26+$0x630]  }
0x102: {  	v54 =	vld [tilespmem:s26+$0x640];
	v34 =	vadd.f32 v42, v34  }
0x103: {  	v62 =	vld [tilespmem:s26+$0x650];
	v33 =	vadd.f32 v43, v33  }
0x104: {  	v63 =	vld [tilespmem:s26+$0x660];
	v32 =	vadd.f32 v44, v32;
	[tilespmem:$0x10200] =	vst v34  }
0x105: {  	v28 =	vadd.f32 v45, v28;
	[tilespmem:$0x10210] =	vst v33  }
0x106: {  	v29 =	vadd.f32 v46, v29;
	[tilespmem:$0x10220] =	vst v32  }
0x107: {  	v25 =	vadd.f32 v47, v25;
	[tilespmem:$0x10230] =	vst v28  }
0x108: {  	v26 =	vadd.f32 v48, v26;
	[tilespmem:$0x10240] =	vst v29  }
0x109: {  	v20 =	vadd.f32 v38, v20;
	v22 =	vadd.f32 v49, v22;
	[tilespmem:$0x10250] =	vst v25  }
0x10a: {  	v23 =	vadd.f32 v35, v23;
	v27 =	vadd.f32 v50, v27;
	[tilespmem:$0x10260] =	vst v26  }
0x10b: {  	v20 =	vadd.f32 v51, v20;
	[tilespmem:$0x10270] =	vst v22  }
0x10c: {  	v23 =	vadd.f32 v53, v23;
	v25 =	vadd.f32 v37, v30;
	[tilespmem:$0x10280] =	vst v27  }
0x10d: {  	v19 =	vadd.f32 v41, v19;
	v22 =	vadd.f32 v36, v31;
	[tilespmem:$0x10290] =	vst v20  }
0x10e: {  	v24 =	vadd.f32 v39, v24;
	[tilespmem:$0x102B0] =	vst v23;
	v25 =	vadd.f32 v52, v25  }
0x10f: {  	v20 =	vadd.f32 v40, v21;
	[tilespmem:$0x102F0] =	vst v19;
	v21 =	vadd.f32 v54, v22  }
0x110: {  	v22 =	vadd.f32 v62, v24;
	[tilespmem:$0x102A0] =	vst v25  }
0x111: {  	v20 =	vadd.f32 v63, v20;
	[tilespmem:$0x102C0] =	vst v21  }
0x112: {  	[tilespmem:$0x102D0] =	vst v22  }
0x113: {  	s26 =	rddreg [dreg:$0x5];
	[tilespmem:$0x102E0] =	vst v20  }
0x114: {  	[hbm4b:s26+s13] =	stream.strided.scatter [tilespmem:s23], [sflag:$0x2], $0x100, s14, s13, $0x38;
	[tilespmem:$0x10300] =	vst v63  }
0x115: {  	_ =	swait.ge [sflag:s15], $0x100  }
0x116: {  	[sflag:s15] =	ssyncset.done $0x0  }
0x117: {  	s25 =	simm.s32 $0x0;
	s26 =	rddreg [dreg:$0x6];
	[sflag:s15] =	ssyncadd.s32 $0xFFFFFF00  }
0x118: {  	[tilespmem:s25], [sflag:$0x2] =	stream.strided.gather [hbm4b:s26+s13], $0x100, s14, s13, $0x38;
	[tilespmem:$0x10300] =	vst v63  }
0x119: {  	_ =	swait.ge [sflag:s15], $0x100  }
0x11a: {  	[sflag:s15] =	ssyncset.done $0x0  }
0x11b: {  	[sflag:s15] =	ssyncadd.s32 $0xFFFFFF00  }
0x11c: {  	v19 =	vld [tilespmem:$0x0]  }
0x11d: {  	v20 =	vld [tilespmem:$0x10]  }
0x11e: {  	v21 =	vld [tilespmem:$0x20]  }
0x11f: {  	v22 =	vld [tilespmem:$0x30]  }
0x120: {  	v23 =	vld [tilespmem:$0x40]  }
0x121: {  	v24 =	vld [tilespmem:$0x50];
	v19 =	vadd.s32 v0, v19  }
0x122: {  	v25 =	vld [tilespmem:$0x60];
	v20 =	vadd.s32 v1, v20;
	[tilespmem:$0x100] =	vst v19  }
0x123: {  	[tilespmem:$0x110] =	vst v20;
	v20 =	vadd.s32 v2, v21;
	v21 =	vld [tilespmem:$0x70]  }
0x124: {  	[tilespmem:$0x120] =	vst v20;
	v20 =	vadd.s32 v3, v22;
	v22 =	vld [tilespmem:$0x80]  }
0x125: {  	[tilespmem:$0x130] =	vst v20;
	v20 =	vadd.s32 v4, v23;
	v23 =	vld [tilespmem:$0x90]  }
0x126: {  	[tilespmem:$0x140] =	vst v20;
	v20 =	vadd.s32 v5, v24;
	v24 =	vld [tilespmem:$0xA0]  }
0x127: {  	[tilespmem:$0x150] =	vst v20;
	v20 =	vadd.s32 v6, v25;
	v25 =	vld [tilespmem:$0xB0]  }
0x128: {  	v26 =	vshll.u32 v19, $0x1;
	[tilespmem:$0x160] =	vst v20;
	v20 =	vadd.s32 v7, v21;
	v21 =	vld [tilespmem:$0xC0]  }
0x129: {  	v19 =	vand.u32 $0x7, v19;
	v26 =	vand.u32 $0xFFFFFFF0, v26;
	[tilespmem:$0x170] =	vst v20;
	v20 =	vadd.s32 v8, v22;
	v22 =	vld [tilespmem:$0xD0]  }
0x12a: {  	v19 =	vor.u32 v19, v26;
	[tilespmem:$0x180] =	vst v20;
	v20 =	vadd.s32 v9, v23;
	v23 =	vld [tilespmem:$0xE0]  }
0x12b: {  	v26 =	vperm.xlane v19, v16;
	[tilespmem:$0x190] =	vst v20;
	v20 =	vadd.s32 v10, v24;
	v24 =	vld [tilespmem:$0xF0]  }
0x12c: {  	[tilespmem:$0x1A0] =	vst v20;
	v20 =	vadd.s32 v11, v25  }
0x12d: {  	v19 =	vperm.xlane v19, v18;
	[tilespmem:$0x1B0] =	vst v20;
	v20 =	vadd.s32 v12, v21;
	v21 =	vadd.s32 v17, v26  }
0x12e: {  	[tilespmem:$0x1C0] =	vst v20;
	v20 =	vadd.s32 v13, v22  }
0x12f: {  	v19 =	vadd.s32 v17, v19;
	[tilespmem:$0x1D0] =	vst v20;
	v20 =	vadd.s32 v14, v23  }
0x130: {  	[tilespmem:$0x1E0] =	vst v20;
	v20 =	vadd.s32 v15, v24  }
0x131: {  	s26 =	simm.s32 $0x200;
	[tilespmem:$0x1F0] =	vst v20  }
0x132: {  	[tilespmem:s26], [sflag:$0x1] =	stream.indirect_vreg.gather [hbm4b:s1+s25], $0x80, v21, vm0, $0xb8;
	[tilespmem:$0x10300] =	vst v63  }
0x133: {  	s26 =	simm.s32 $0xA00  }
0x134: {  	[tilespmem:s26], [sflag:$0x1] =	stream.indirect_vreg.gather [hbm4b:s1+s25], $0x80, v19, vm0, $0xb8;
	[tilespmem:$0x10300] =	vst v63  }
0x135: {  	v19 =	vld [tilespmem:$0x110];
	_ =	sdelay $0x4  }
0x136: {  	v20 =	vshll.u32 v19, $0x1  }
0x137: {  	v19 =	vand.u32 $0x7, v19;
	v20 =	vand.u32 $0xFFFFFFF0, v20  }
0x138: {  	v19 =	vor.u32 v19, v20  }
0x139: {  	v20 =	vperm.xlane v19, v16;
	_ =	sdelay $0x1  }
0x13a: {  	v19 =	vperm.xlane v19, v18;
	v20 =	vadd.s32 v17, v20;
	_ =	sdelay $0x1  }
0x13b: {  	v19 =	vadd.s32 v17, v19;
	_ =	sdelay $0x1  }
0x13c: {  	s26 =	simm.s32 $0x1200  }
0x13d: {  	[tilespmem:s26], [sflag:$0x1] =	stream.indirect_vreg.gather [hbm4b:s1+s25], $0x80, v20, vm0, $0xb8;
	[tilespmem:$0x10300] =	vst v63  }
0x13e: {  	s26 =	simm.s32 $0x1A00  }
0x13f: {  	[tilespmem:s26], [sflag:$0x1] =	stream.indirect_vreg.gather [hbm4b:s1+s25], $0x80, v19, vm0, $0xb8;
	[tilespmem:$0x10300] =	vst v63  }
0x140: {  	v19 =	vld [tilespmem:$0x120];
	_ =	sdelay $0x4  }
0x141: {  	v20 =	vshll.u32 v19, $0x1  }
0x142: {  	v19 =	vand.u32 $0x7, v19;
	v20 =	vand.u32 $0xFFFFFFF0, v20  }
0x143: {  	v19 =	vor.u32 v19, v20  }
0x144: {  	v20 =	vperm.xlane v19, v16;
	_ =	sdelay $0x1  }
0x145: {  	v19 =	vperm.xlane v19, v18;
	v20 =	vadd.s32 v17, v20;
	_ =	sdelay $0x1  }
0x146: {  	v19 =	vadd.s32 v17, v19;
	_ =	sdelay $0x1  }
0x147: {  	s26 =	simm.s32 $0x2200  }
0x148: {  	[tilespmem:s26], [sflag:$0x1] =	stream.indirect_vreg.gather [hbm4b:s1+s25], $0x80, v20, vm0, $0xb8;
	[tilespmem:$0x10300] =	vst v63  }
0x149: {  	s26 =	simm.s32 $0x2A00  }
0x14a: {  	[tilespmem:s26], [sflag:$0x1] =	stream.indirect_vreg.gather [hbm4b:s1+s25], $0x80, v19, vm0, $0xb8;
	[tilespmem:$0x10300] =	vst v63  }
0x14b: {  	v19 =	vld [tilespmem:$0x130];
	_ =	sdelay $0x4  }
0x14c: {  	v20 =	vshll.u32 v19, $0x1  }
0x14d: {  	v19 =	vand.u32 $0x7, v19;
	v20 =	vand.u32 $0xFFFFFFF0, v20  }
0x14e: {  	v19 =	vor.u32 v19, v20  }
0x14f: {  	v20 =	vperm.xlane v19, v16;
	_ =	sdelay $0x1  }
0x150: {  	v19 =	vperm.xlane v19, v18;
	v20 =	vadd.s32 v17, v20;
	_ =	sdelay $0x1  }
0x151: {  	v19 =	vadd.s32 v17, v19;
	_ =	sdelay $0x1  }
0x152: {  	s26 =	simm.s32 $0x3200  }
0x153: {  	[tilespmem:s26], [sflag:$0x1] =	stream.indirect_vreg.gather [hbm4b:s1+s25], $0x80, v20, vm0, $0xb8;
	[tilespmem:$0x10300] =	vst v63  }
0x154: {  	s26 =	simm.s32 $0x3A00  }
0x155: {  	[tilespmem:s26], [sflag:$0x1] =	stream.indirect_vreg.gather [hbm4b:s1+s25], $0x80, v19, vm0, $0xb8;
	[tilespmem:$0x10300] =	vst v63  }
0x156: {  	v19 =	vld [tilespmem:$0x140];
	_ =	sdelay $0x4  }
0x157: {  	v20 =	vshll.u32 v19, $0x1  }
0x158: {  	v19 =	vand.u32 $0x7, v19;
	v20 =	vand.u32 $0xFFFFFFF0, v20  }
0x159: {  	v19 =	vor.u32 v19, v20  }
0x15a: {  	v20 =	vperm.xlane v19, v16;
	_ =	sdelay $0x1  }
0x15b: {  	v19 =	vperm.xlane v19, v18;
	v20 =	vadd.s32 v17, v20;
	_ =	sdelay $0x1  }
0x15c: {  	v19 =	vadd.s32 v17, v19;
	_ =	sdelay $0x1  }
0x15d: {  	s26 =	simm.s32 $0x4200  }
0x15e: {  	[tilespmem:s26], [sflag:$0x1] =	stream.indirect_vreg.gather [hbm4b:s1+s25], $0x80, v20, vm0, $0xb8;
	[tilespmem:$0x10300] =	vst v63  }
0x15f: {  	s26 =	simm.s32 $0x4A00  }
0x160: {  	[tilespmem:s26], [sflag:$0x1] =	stream.indirect_vreg.gather [hbm4b:s1+s25], $0x80, v19, vm0, $0xb8;
	[tilespmem:$0x10300] =	vst v63  }
0x161: {  	v19 =	vld [tilespmem:$0x150];
	_ =	sdelay $0x4  }
0x162: {  	v20 =	vshll.u32 v19, $0x1  }
0x163: {  	v19 =	vand.u32 $0x7, v19;
	v20 =	vand.u32 $0xFFFFFFF0, v20  }
0x164: {  	v19 =	vor.u32 v19, v20  }
0x165: {  	v20 =	vperm.xlane v19, v16;
	_ =	sdelay $0x1  }
0x166: {  	v19 =	vperm.xlane v19, v18;
	v20 =	vadd.s32 v17, v20;
	_ =	sdelay $0x1  }
0x167: {  	v19 =	vadd.s32 v17, v19;
	_ =	sdelay $0x1  }
0x168: {  	s26 =	simm.s32 $0x5200  }
0x169: {  	[tilespmem:s26], [sflag:$0x1] =	stream.indirect_vreg.gather [hbm4b:s1+s25], $0x80, v20, vm0, $0xb8;
	[tilespmem:$0x10300] =	vst v63  }
0x16a: {  	s26 =	simm.s32 $0x5A00  }
0x16b: {  	[tilespmem:s26], [sflag:$0x1] =	stream.indirect_vreg.gather [hbm4b:s1+s25], $0x80, v19, vm0, $0xb8;
	[tilespmem:$0x10300] =	vst v63  }
0x16c: {  	v19 =	vld [tilespmem:$0x160];
	_ =	sdelay $0x4  }
0x16d: {  	v20 =	vshll.u32 v19, $0x1  }
0x16e: {  	v19 =	vand.u32 $0x7, v19;
	v20 =	vand.u32 $0xFFFFFFF0, v20  }
0x16f: {  	v19 =	vor.u32 v19, v20  }
0x170: {  	v20 =	vperm.xlane v19, v16;
	_ =	sdelay $0x1  }
0x171: {  	v19 =	vperm.xlane v19, v18;
	v20 =	vadd.s32 v17, v20;
	_ =	sdelay $0x1  }
0x172: {  	v19 =	vadd.s32 v17, v19;
	_ =	sdelay $0x1  }
0x173: {  	s26 =	simm.s32 $0x6200  }
0x174: {  	[tilespmem:s26], [sflag:$0x1] =	stream.indirect_vreg.gather [hbm4b:s1+s25], $0x80, v20, vm0, $0xb8;
	[tilespmem:$0x10300] =	vst v63  }
0x175: {  	s26 =	simm.s32 $0x6A00  }
0x176: {  	[tilespmem:s26], [sflag:$0x1] =	stream.indirect_vreg.gather [hbm4b:s1+s25], $0x80, v19, vm0, $0xb8;
	[tilespmem:$0x10300] =	vst v63  }
0x177: {  	v19 =	vld [tilespmem:$0x170];
	_ =	sdelay $0x4  }
0x178: {  	v20 =	vshll.u32 v19, $0x1  }
0x179: {  	v19 =	vand.u32 $0x7, v19;
	v20 =	vand.u32 $0xFFFFFFF0, v20  }
0x17a: {  	v19 =	vor.u32 v19, v20  }
0x17b: {  	v20 =	vperm.xlane v19, v16;
	_ =	sdelay $0x1  }
0x17c: {  	v19 =	vperm.xlane v19, v18;
	v20 =	vadd.s32 v17, v20;
	_ =	sdelay $0x1  }
0x17d: {  	v19 =	vadd.s32 v17, v19;
	_ =	sdelay $0x2  }
0x17e: {  	[tilespmem:s31], [sflag:$0x1] =	stream.indirect_vreg.gather [hbm4b:s1+s25], $0x80, v20, vm0, $0xb8;
	[tilespmem:$0x10300] =	vst v63  }
0x17f: {  	_ = 	snop  }
0x180: {  	[tilespmem:s0], [sflag:$0x1] =	stream.indirect_vreg.gather [hbm4b:s1+s25], $0x80, v19, vm0, $0xb8;
	[tilespmem:$0x10300] =	vst v63  }
0x181: {  	v19 =	vld [tilespmem:$0x180];
	_ =	sdelay $0x4  }
0x182: {  	v20 =	vshll.u32 v19, $0x1  }
0x183: {  	v19 =	vand.u32 $0x7, v19;
	v20 =	vand.u32 $0xFFFFFFF0, v20  }
0x184: {  	v19 =	vor.u32 v19, v20  }
0x185: {  	v20 =	vperm.xlane v19, v16;
	_ =	sdelay $0x1  }
0x186: {  	v19 =	vperm.xlane v19, v18;
	v20 =	vadd.s32 v17, v20;
	_ =	sdelay $0x1  }
0x187: {  	v19 =	vadd.s32 v17, v19;
	_ =	sdelay $0x2  }
0x188: {  	[tilespmem:s2], [sflag:$0x1] =	stream.indirect_vreg.gather [hbm4b:s1+s25], $0x80, v20, vm0, $0xb8;
	[tilespmem:$0x10300] =	vst v63  }
0x189: {  	_ = 	snop  }
0x18a: {  	[tilespmem:s4], [sflag:$0x1] =	stream.indirect_vreg.gather [hbm4b:s1+s25], $0x80, v19, vm0, $0xb8;
	[tilespmem:$0x10300] =	vst v63  }
0x18b: {  	v19 =	vld [tilespmem:$0x190];
	_ =	sdelay $0x4  }
0x18c: {  	v20 =	vshll.u32 v19, $0x1  }
0x18d: {  	v19 =	vand.u32 $0x7, v19;
	v20 =	vand.u32 $0xFFFFFFF0, v20  }
0x18e: {  	v19 =	vor.u32 v19, v20  }
0x18f: {  	v20 =	vperm.xlane v19, v16;
	_ =	sdelay $0x1  }
0x190: {  	v19 =	vperm.xlane v19, v18;
	v20 =	vadd.s32 v17, v20;
	_ =	sdelay $0x1  }
0x191: {  	v19 =	vadd.s32 v17, v19;
	_ =	sdelay $0x2  }
0x192: {  	[tilespmem:s5], [sflag:$0x1] =	stream.indirect_vreg.gather [hbm4b:s1+s25], $0x80, v20, vm0, $0xb8;
	[tilespmem:$0x10300] =	vst v63  }
0x193: {  	_ = 	snop  }
0x194: {  	[tilespmem:s6], [sflag:$0x1] =	stream.indirect_vreg.gather [hbm4b:s1+s25], $0x80, v19, vm0, $0xb8;
	[tilespmem:$0x10300] =	vst v63  }
0x195: {  	v19 =	vld [tilespmem:$0x1A0];
	_ =	sdelay $0x4  }
0x196: {  	v20 =	vshll.u32 v19, $0x1  }
0x197: {  	v19 =	vand.u32 $0x7, v19;
	v20 =	vand.u32 $0xFFFFFFF0, v20  }
0x198: {  	v19 =	vor.u32 v19, v20  }
0x199: {  	v20 =	vperm.xlane v19, v16;
	_ =	sdelay $0x1  }
0x19a: {  	v19 =	vperm.xlane v19, v18;
	v20 =	vadd.s32 v17, v20;
	_ =	sdelay $0x1  }
0x19b: {  	v19 =	vadd.s32 v17, v19;
	_ =	sdelay $0x2  }
0x19c: {  	[tilespmem:s7], [sflag:$0x1] =	stream.indirect_vreg.gather [hbm4b:s1+s25], $0x80, v20, vm0, $0xb8;
	[tilespmem:$0x10300] =	vst v63  }
0x19d: {  	_ = 	snop  }
0x19e: {  	[tilespmem:s8], [sflag:$0x1] =	stream.indirect_vreg.gather [hbm4b:s1+s25], $0x80, v19, vm0, $0xb8;
	[tilespmem:$0x10300] =	vst v63  }
0x19f: {  	v19 =	vld [tilespmem:$0x1B0];
	_ =	sdelay $0x4  }
0x1a0: {  	v20 =	vshll.u32 v19, $0x1  }
0x1a1: {  	v19 =	vand.u32 $0x7, v19;
	v20 =	vand.u32 $0xFFFFFFF0, v20  }
0x1a2: {  	v19 =	vor.u32 v19, v20  }
0x1a3: {  	v20 =	vperm.xlane v19, v16;
	_ =	sdelay $0x1  }
0x1a4: {  	v19 =	vperm.xlane v19, v18;
	v20 =	vadd.s32 v17, v20;
	_ =	sdelay $0x1  }
0x1a5: {  	v19 =	vadd.s32 v17, v19;
	_ =	sdelay $0x2  }
0x1a6: {  	[tilespmem:s9], [sflag:$0x1] =	stream.indirect_vreg.gather [hbm4b:s1+s25], $0x80, v20, vm0, $0xb8;
	[tilespmem:$0x10300] =	vst v63  }
0x1a7: {  	_ = 	snop  }
0x1a8: {  	[tilespmem:s10], [sflag:$0x1] =	stream.indirect_vreg.gather [hbm4b:s1+s25], $0x80, v19, vm0, $0xb8;
	[tilespmem:$0x10300] =	vst v63  }
0x1a9: {  	v19 =	vld [tilespmem:$0x1C0];
	_ =	sdelay $0x4  }
0x1aa: {  	v20 =	vshll.u32 v19, $0x1  }
0x1ab: {  	v19 =	vand.u32 $0x7, v19;
	v20 =	vand.u32 $0xFFFFFFF0, v20  }
0x1ac: {  	v19 =	vor.u32 v19, v20  }
0x1ad: {  	v20 =	vperm.xlane v19, v16;
	_ =	sdelay $0x1  }
0x1ae: {  	v19 =	vperm.xlane v19, v18;
	v20 =	vadd.s32 v17, v20;
	_ =	sdelay $0x1  }
0x1af: {  	v19 =	vadd.s32 v17, v19;
	_ =	sdelay $0x2  }
0x1b0: {  	[tilespmem:s11], [sflag:$0x1] =	stream.indirect_vreg.gather [hbm4b:s1+s25], $0x80, v20, vm0, $0xb8;
	[tilespmem:$0x10300] =	vst v63  }
0x1b1: {  	_ = 	snop  }
0x1b2: {  	[tilespmem:s12], [sflag:$0x1] =	stream.indirect_vreg.gather [hbm4b:s1+s25], $0x80, v19, vm0, $0xb8;
	[tilespmem:$0x10300] =	vst v63  }
0x1b3: {  	v19 =	vld [tilespmem:$0x1D0];
	_ =	sdelay $0x4  }
0x1b4: {  	v20 =	vshll.u32 v19, $0x1  }
0x1b5: {  	v19 =	vand.u32 $0x7, v19;
	v20 =	vand.u32 $0xFFFFFFF0, v20  }
0x1b6: {  	v19 =	vor.u32 v19, v20  }
0x1b7: {  	v20 =	vperm.xlane v19, v16;
	_ =	sdelay $0x1  }
0x1b8: {  	v19 =	vperm.xlane v19, v18;
	v20 =	vadd.s32 v17, v20;
	_ =	sdelay $0x1  }
0x1b9: {  	v19 =	vadd.s32 v17, v19;
	_ =	sdelay $0x2  }
0x1ba: {  	[tilespmem:s16], [sflag:$0x1] =	stream.indirect_vreg.gather [hbm4b:s1+s25], $0x80, v20, vm0, $0xb8;
	[tilespmem:$0x10300] =	vst v63  }
0x1bb: {  	_ = 	snop  }
0x1bc: {  	[tilespmem:s17], [sflag:$0x1] =	stream.indirect_vreg.gather [hbm4b:s1+s25], $0x80, v19, vm0, $0xb8;
	[tilespmem:$0x10300] =	vst v63  }
0x1bd: {  	v19 =	vld [tilespmem:$0x1E0];
	_ =	sdelay $0x4  }
0x1be: {  	v20 =	vshll.u32 v19, $0x1  }
0x1bf: {  	v19 =	vand.u32 $0x7, v19;
	v20 =	vand.u32 $0xFFFFFFF0, v20  }
0x1c0: {  	v19 =	vor.u32 v19, v20  }
0x1c1: {  	v20 =	vperm.xlane v19, v16;
	_ =	sdelay $0x1  }
0x1c2: {  	v19 =	vperm.xlane v19, v18;
	v20 =	vadd.s32 v17, v20;
	_ =	sdelay $0x1  }
0x1c3: {  	v19 =	vadd.s32 v17, v19;
	_ =	sdelay $0x2  }
0x1c4: {  	[tilespmem:s18], [sflag:$0x1] =	stream.indirect_vreg.gather [hbm4b:s1+s25], $0x80, v20, vm0, $0xb8;
	[tilespmem:$0x10300] =	vst v63  }
0x1c5: {  	_ = 	snop  }
0x1c6: {  	[tilespmem:s19], [sflag:$0x1] =	stream.indirect_vreg.gather [hbm4b:s1+s25], $0x80, v19, vm0, $0xb8;
	[tilespmem:$0x10300] =	vst v63  }
0x1c7: {  	v19 =	vld [tilespmem:$0x1F0];
	_ =	sdelay $0x4  }
0x1c8: {  	v20 =	vshll.u32 v19, $0x1  }
0x1c9: {  	v19 =	vand.u32 $0x7, v19;
	v20 =	vand.u32 $0xFFFFFFF0, v20  }
0x1ca: {  	v19 =	vor.u32 v19, v20  }
0x1cb: {  	v20 =	vperm.xlane v19, v16;
	_ =	sdelay $0x1  }
0x1cc: {  	v19 =	vperm.xlane v19, v18;
	v20 =	vadd.s32 v17, v20;
	_ =	sdelay $0x1  }
0x1cd: {  	v19 =	vadd.s32 v17, v19;
	_ =	sdelay $0x2  }
0x1ce: {  	[tilespmem:s20], [sflag:$0x1] =	stream.indirect_vreg.gather [hbm4b:s1+s25], $0x80, v20, vm0, $0xb8;
	[tilespmem:$0x10300] =	vst v63  }
0x1cf: {  	_ = 	snop  }
0x1d0: {  	[tilespmem:s21], [sflag:$0x1] =	stream.indirect_vreg.gather [hbm4b:s1+s25], $0x80, v19, vm0, $0xb8;
	[tilespmem:$0x10300] =	vst v63  }
0x1d1: {  	_ =	swait.ge [sflag:s22], $0x10000  }
0x1d2: {  	s26 =	sand.u32 $0xF800, s25;
	s25 =	sand.u32 $0x380, s25;
	[sflag:s22] =	ssyncset.done $0x0  }
0x1d3: {  	s25 =	sor.u32 s25, s26;
	[sflag:s22] =	ssyncadd.s32 $0xFFFF0000  }
0x1d4: {  	v19 =	vld [tilespmem:s25+$0x670]  }
0x1d5: {  	v21 =	vld [tilespmem:s25+$0x200]  }
0x1d6: {  	v22 =	vld [tilespmem:s25+$0x210]  }
0x1d7: {  	v23 =	vld [tilespmem:s25+$0x220]  }
0x1d8: {  	v24 =	vld [tilespmem:s25+$0x230]  }
0x1d9: {  	v25 =	vld [tilespmem:s25+$0x240]  }
0x1da: {  	v26 =	vld [tilespmem:s25+$0x250]  }
0x1db: {  	v27 =	vld [tilespmem:s25+$0x260]  }
0x1dc: {  	v20 =	vimm.f32 $0.0e+00;
	v30 =	vld [tilespmem:s25+$0x270]  }
0x1dd: {  	v31 =	vld [tilespmem:s25+$0x600];
	v19 =	vadd.f32 v19, v20  }
0x1de: {  	v34 =	vadd.f32 v21, v20;
	v33 =	vadd.f32 v22, v20  }
0x1df: {  	v38 =	vld [tilespmem:s25+$0x610];
	v32 =	vadd.f32 v23, v20;
	v28 =	vadd.f32 v24, v20  }
0x1e0: {  	v37 =	vld [tilespmem:s25+$0x620];
	v29 =	vadd.f32 v25, v20;
	v25 =	vadd.f32 v26, v20  }
0x1e1: {  	v35 =	vld [tilespmem:s25+$0x630];
	v26 =	vadd.f32 v27, v20;
	v22 =	vadd.f32 v30, v20  }
0x1e2: {  	s28 =	simm.s32 $0x100;
	s26 =	simm.s32 $0x80;
	v36 =	vld [tilespmem:s25+$0x640];
	v27 =	vadd.f32 v31, v20;
	v30 =	vimm.f32 $0.0e+00;
	v23 =	vimm.f32 $0.0e+00  }
0x1e3: {  	s29 =	sand.u32 $0xF800, s28;
	s28 =	simm.s32 $0x200;
	s30 =	sand.u32 $0x380, s26;
	v39 =	vld [tilespmem:s25+$0x650];
	v31 =	vimm.f32 $0.0e+00;
	v24 =	vimm.f32 $0.0e+00;
	v21 =	vimm.f32 $0.0e+00  }
.LBB2_4:
0x1e4: {  	p0 =	sne.s32 s28, $0xFF00;
	v20 =	vadd.f32 v38, v20;
	v38 =	vld [tilespmem:s25+$0x660];
	s25 =	sor.u32 s30, s29  }
0x1e5: {  	v40 =	vld [tilespmem:s25+$0x670];
	v30 =	vadd.f32 v37, v30  }
0x1e6: {  	v37 =	vld [tilespmem:s25+$0x200];
	v23 =	vadd.f32 v35, v23  }
0x1e7: {  	v35 =	vld [tilespmem:s25+$0x210];
	v31 =	vadd.f32 v36, v31  }
0x1e8: {  	v36 =	vld [tilespmem:s25+$0x220];
	v24 =	vadd.f32 v39, v24  }
0x1e9: {  	v39 =	vld [tilespmem:s25+$0x230];
	v21 =	vadd.f32 v38, v21  }
0x1ea: {  	v38 =	vld [tilespmem:s25+$0x240];
	v19 =	vadd.f32 v40, v19  }
0x1eb: {  	v34 =	vadd.f32 v37, v34;
	v37 =	vld [tilespmem:s25+$0x250]  }
0x1ec: {  	v33 =	vadd.f32 v35, v33;
	v35 =	vld [tilespmem:s25+$0x260]  }
0x1ed: {  	v32 =	vadd.f32 v36, v32;
	v36 =	vld [tilespmem:s25+$0x270]  }
0x1ee: {  	v28 =	vadd.f32 v39, v28;
	v39 =	vld [tilespmem:s25+$0x600]  }
.Ltmp1:
0x1ef: {  	v29 =	vadd.f32 v38, v29;
	v38 =	vld [tilespmem:s25+$0x610];
	(pc) =	sbr.rel @p0 .LBB2_4-.Ltmp1, $4  }
0x1f0: {  	v25 =	vadd.f32 v37, v25;
	v37 =	vld [tilespmem:s25+$0x620]  }
0x1f1: {  	v26 =	vadd.f32 v35, v26;
	v35 =	vld [tilespmem:s25+$0x630]  }
0x1f2: {  	s26 =	sadd.s32 $0x80, s26;
	v22 =	vadd.f32 v36, v22;
	v36 =	vld [tilespmem:s25+$0x640]  }
0x1f3: {  	s29 =	sand.u32 $0xF800, s28;
	s28 =	sadd.s32 $0x100, s28;
	s30 =	sand.u32 $0x380, s26;
	v27 =	vadd.f32 v39, v27;
	v39 =	vld [tilespmem:s25+$0x650]  }
0x1f4: {  	s26 =	sor.u32 s30, s29;
	v40 =	vld [tilespmem:s25+$0x660]  }
0x1f5: {  	v41 =	vld [tilespmem:s26+$0x670]  }
0x1f6: {  	v42 =	vld [tilespmem:s26+$0x200]  }
0x1f7: {  	v43 =	vld [tilespmem:s26+$0x210]  }
0x1f8: {  	v44 =	vld [tilespmem:s26+$0x220]  }
0x1f9: {  	v45 =	vld [tilespmem:s26+$0x230]  }
0x1fa: {  	v46 =	vld [tilespmem:s26+$0x240]  }
0x1fb: {  	v47 =	vld [tilespmem:s26+$0x250]  }
0x1fc: {  	v48 =	vld [tilespmem:s26+$0x260]  }
0x1fd: {  	v49 =	vld [tilespmem:s26+$0x270]  }
0x1fe: {  	v50 =	vld [tilespmem:s26+$0x600]  }
0x1ff: {  	v51 =	vld [tilespmem:s26+$0x610]  }
0x200: {  	v52 =	vld [tilespmem:s26+$0x620]  }
0x201: {  	v53 =	vld [tilespmem:s26+$0x630]  }
0x202: {  	v54 =	vld [tilespmem:s26+$0x640];
	v34 =	vadd.f32 v42, v34  }
0x203: {  	v62 =	vld [tilespmem:s26+$0x650];
	v33 =	vadd.f32 v43, v33  }
0x204: {  	v63 =	vld [tilespmem:s26+$0x660];
	v32 =	vadd.f32 v44, v32;
	[tilespmem:$0x10200] =	vst v34  }
0x205: {  	v28 =	vadd.f32 v45, v28;
	[tilespmem:$0x10210] =	vst v33  }
0x206: {  	v29 =	vadd.f32 v46, v29;
	[tilespmem:$0x10220] =	vst v32  }
0x207: {  	v25 =	vadd.f32 v47, v25;
	[tilespmem:$0x10230] =	vst v28  }
0x208: {  	v26 =	vadd.f32 v48, v26;
	[tilespmem:$0x10240] =	vst v29  }
0x209: {  	v20 =	vadd.f32 v38, v20;
	v22 =	vadd.f32 v49, v22;
	[tilespmem:$0x10250] =	vst v25  }
0x20a: {  	v23 =	vadd.f32 v35, v23;
	v27 =	vadd.f32 v50, v27;
	[tilespmem:$0x10260] =	vst v26  }
0x20b: {  	v20 =	vadd.f32 v51, v20;
	[tilespmem:$0x10270] =	vst v22  }
0x20c: {  	v23 =	vadd.f32 v53, v23;
	v25 =	vadd.f32 v37, v30;
	[tilespmem:$0x10280] =	vst v27  }
0x20d: {  	v19 =	vadd.f32 v41, v19;
	v22 =	vadd.f32 v36, v31;
	[tilespmem:$0x10290] =	vst v20  }
0x20e: {  	v24 =	vadd.f32 v39, v24;
	[tilespmem:$0x102B0] =	vst v23;
	v25 =	vadd.f32 v52, v25  }
0x20f: {  	v20 =	vadd.f32 v40, v21;
	[tilespmem:$0x102F0] =	vst v19;
	v21 =	vadd.f32 v54, v22  }
0x210: {  	v22 =	vadd.f32 v62, v24;
	[tilespmem:$0x102A0] =	vst v25  }
0x211: {  	v20 =	vadd.f32 v63, v20;
	[tilespmem:$0x102C0] =	vst v21  }
0x212: {  	[tilespmem:$0x102D0] =	vst v22  }
0x213: {  	s26 =	rddreg [dreg:$0x7];
	[tilespmem:$0x102E0] =	vst v20  }
0x214: {  	[hbm4b:s26+s13] =	stream.strided.scatter [tilespmem:s23], [sflag:$0x2], $0x100, s14, s13, $0x38;
	[tilespmem:$0x10300] =	vst v63  }
0x215: {  	_ =	swait.ge [sflag:s15], $0x100  }
0x216: {  	[sflag:s15] =	ssyncset.done $0x0  }
0x217: {  	s25 =	simm.s32 $0x0;
	s26 =	rddreg [dreg:$0x8];
	[sflag:s15] =	ssyncadd.s32 $0xFFFFFF00  }
0x218: {  	[tilespmem:s25], [sflag:$0x2] =	stream.strided.gather [hbm4b:s26+s13], $0x100, s14, s13, $0x38;
	[tilespmem:$0x10300] =	vst v63  }
0x219: {  	_ =	swait.ge [sflag:s15], $0x100  }
0x21a: {  	[sflag:s15] =	ssyncset.done $0x0  }
0x21b: {  	[sflag:s15] =	ssyncadd.s32 $0xFFFFFF00  }
0x21c: {  	v19 =	vld [tilespmem:$0x0]  }
0x21d: {  	v20 =	vld [tilespmem:$0x10]  }
0x21e: {  	v21 =	vld [tilespmem:$0x20]  }
0x21f: {  	v22 =	vld [tilespmem:$0x30]  }
0x220: {  	v23 =	vld [tilespmem:$0x40]  }
0x221: {  	v24 =	vld [tilespmem:$0x50];
	v19 =	vadd.s32 v0, v19  }
0x222: {  	v25 =	vld [tilespmem:$0x60];
	v20 =	vadd.s32 v1, v20;
	[tilespmem:$0x100] =	vst v19  }
0x223: {  	[tilespmem:$0x110] =	vst v20;
	v20 =	vadd.s32 v2, v21;
	v21 =	vld [tilespmem:$0x70]  }
0x224: {  	[tilespmem:$0x120] =	vst v20;
	v20 =	vadd.s32 v3, v22;
	v22 =	vld [tilespmem:$0x80]  }
0x225: {  	[tilespmem:$0x130] =	vst v20;
	v20 =	vadd.s32 v4, v23;
	v23 =	vld [tilespmem:$0x90]  }
0x226: {  	[tilespmem:$0x140] =	vst v20;
	v20 =	vadd.s32 v5, v24;
	v24 =	vld [tilespmem:$0xA0]  }
0x227: {  	[tilespmem:$0x150] =	vst v20;
	v20 =	vadd.s32 v6, v25;
	v25 =	vld [tilespmem:$0xB0]  }
0x228: {  	v26 =	vshll.u32 v19, $0x1;
	[tilespmem:$0x160] =	vst v20;
	v20 =	vadd.s32 v7, v21;
	v21 =	vld [tilespmem:$0xC0]  }
0x229: {  	v19 =	vand.u32 $0x7, v19;
	v26 =	vand.u32 $0xFFFFFFF0, v26;
	[tilespmem:$0x170] =	vst v20;
	v20 =	vadd.s32 v8, v22;
	v22 =	vld [tilespmem:$0xD0]  }
0x22a: {  	v19 =	vor.u32 v19, v26;
	[tilespmem:$0x180] =	vst v20;
	v20 =	vadd.s32 v9, v23;
	v23 =	vld [tilespmem:$0xE0]  }
0x22b: {  	v26 =	vperm.xlane v19, v16;
	[tilespmem:$0x190] =	vst v20;
	v20 =	vadd.s32 v10, v24;
	v24 =	vld [tilespmem:$0xF0]  }
0x22c: {  	[tilespmem:$0x1A0] =	vst v20;
	v20 =	vadd.s32 v11, v25  }
0x22d: {  	v19 =	vperm.xlane v19, v18;
	[tilespmem:$0x1B0] =	vst v20;
	v20 =	vadd.s32 v12, v21;
	v21 =	vadd.s32 v17, v26  }
0x22e: {  	[tilespmem:$0x1C0] =	vst v20;
	v20 =	vadd.s32 v13, v22  }
0x22f: {  	v19 =	vadd.s32 v17, v19;
	[tilespmem:$0x1D0] =	vst v20;
	v20 =	vadd.s32 v14, v23  }
0x230: {  	[tilespmem:$0x1E0] =	vst v20;
	v20 =	vadd.s32 v15, v24  }
0x231: {  	s26 =	simm.s32 $0x200;
	[tilespmem:$0x1F0] =	vst v20  }
0x232: {  	[tilespmem:s26], [sflag:$0x1] =	stream.indirect_vreg.gather [hbm4b:s1+s25], $0x80, v21, vm0, $0xb8;
	[tilespmem:$0x10300] =	vst v63  }
0x233: {  	s26 =	simm.s32 $0xA00  }
0x234: {  	[tilespmem:s26], [sflag:$0x1] =	stream.indirect_vreg.gather [hbm4b:s1+s25], $0x80, v19, vm0, $0xb8;
	[tilespmem:$0x10300] =	vst v63  }
0x235: {  	v19 =	vld [tilespmem:$0x110];
	_ =	sdelay $0x4  }
0x236: {  	v20 =	vshll.u32 v19, $0x1  }
0x237: {  	v19 =	vand.u32 $0x7, v19;
	v20 =	vand.u32 $0xFFFFFFF0, v20  }
0x238: {  	v19 =	vor.u32 v19, v20  }
0x239: {  	v20 =	vperm.xlane v19, v16;
	_ =	sdelay $0x1  }
0x23a: {  	v19 =	vperm.xlane v19, v18;
	v20 =	vadd.s32 v17, v20;
	_ =	sdelay $0x1  }
0x23b: {  	v19 =	vadd.s32 v17, v19;
	_ =	sdelay $0x1  }
0x23c: {  	s26 =	simm.s32 $0x1200  }
0x23d: {  	[tilespmem:s26], [sflag:$0x1] =	stream.indirect_vreg.gather [hbm4b:s1+s25], $0x80, v20, vm0, $0xb8;
	[tilespmem:$0x10300] =	vst v63  }
0x23e: {  	s26 =	simm.s32 $0x1A00  }
0x23f: {  	[tilespmem:s26], [sflag:$0x1] =	stream.indirect_vreg.gather [hbm4b:s1+s25], $0x80, v19, vm0, $0xb8;
	[tilespmem:$0x10300] =	vst v63  }
0x240: {  	v19 =	vld [tilespmem:$0x120];
	_ =	sdelay $0x4  }
0x241: {  	v20 =	vshll.u32 v19, $0x1  }
0x242: {  	v19 =	vand.u32 $0x7, v19;
	v20 =	vand.u32 $0xFFFFFFF0, v20  }
0x243: {  	v19 =	vor.u32 v19, v20  }
0x244: {  	v20 =	vperm.xlane v19, v16;
	_ =	sdelay $0x1  }
0x245: {  	v19 =	vperm.xlane v19, v18;
	v20 =	vadd.s32 v17, v20;
	_ =	sdelay $0x1  }
0x246: {  	v19 =	vadd.s32 v17, v19;
	_ =	sdelay $0x1  }
0x247: {  	s26 =	simm.s32 $0x2200  }
0x248: {  	[tilespmem:s26], [sflag:$0x1] =	stream.indirect_vreg.gather [hbm4b:s1+s25], $0x80, v20, vm0, $0xb8;
	[tilespmem:$0x10300] =	vst v63  }
0x249: {  	s26 =	simm.s32 $0x2A00  }
0x24a: {  	[tilespmem:s26], [sflag:$0x1] =	stream.indirect_vreg.gather [hbm4b:s1+s25], $0x80, v19, vm0, $0xb8;
	[tilespmem:$0x10300] =	vst v63  }
0x24b: {  	v19 =	vld [tilespmem:$0x130];
	_ =	sdelay $0x4  }
0x24c: {  	v20 =	vshll.u32 v19, $0x1  }
0x24d: {  	v19 =	vand.u32 $0x7, v19;
	v20 =	vand.u32 $0xFFFFFFF0, v20  }
0x24e: {  	v19 =	vor.u32 v19, v20  }
0x24f: {  	v20 =	vperm.xlane v19, v16;
	_ =	sdelay $0x1  }
0x250: {  	v19 =	vperm.xlane v19, v18;
	v20 =	vadd.s32 v17, v20;
	_ =	sdelay $0x1  }
0x251: {  	v19 =	vadd.s32 v17, v19;
	_ =	sdelay $0x1  }
0x252: {  	s26 =	simm.s32 $0x3200  }
0x253: {  	[tilespmem:s26], [sflag:$0x1] =	stream.indirect_vreg.gather [hbm4b:s1+s25], $0x80, v20, vm0, $0xb8;
	[tilespmem:$0x10300] =	vst v63  }
0x254: {  	s26 =	simm.s32 $0x3A00  }
0x255: {  	[tilespmem:s26], [sflag:$0x1] =	stream.indirect_vreg.gather [hbm4b:s1+s25], $0x80, v19, vm0, $0xb8;
	[tilespmem:$0x10300] =	vst v63  }
0x256: {  	v19 =	vld [tilespmem:$0x140];
	_ =	sdelay $0x4  }
0x257: {  	v20 =	vshll.u32 v19, $0x1  }
0x258: {  	v19 =	vand.u32 $0x7, v19;
	v20 =	vand.u32 $0xFFFFFFF0, v20  }
0x259: {  	v19 =	vor.u32 v19, v20  }
0x25a: {  	v20 =	vperm.xlane v19, v16;
	_ =	sdelay $0x1  }
0x25b: {  	v19 =	vperm.xlane v19, v18;
	v20 =	vadd.s32 v17, v20;
	_ =	sdelay $0x1  }
0x25c: {  	v19 =	vadd.s32 v17, v19;
	_ =	sdelay $0x1  }
0x25d: {  	s26 =	simm.s32 $0x4200  }
0x25e: {  	[tilespmem:s26], [sflag:$0x1] =	stream.indirect_vreg.gather [hbm4b:s1+s25], $0x80, v20, vm0, $0xb8;
	[tilespmem:$0x10300] =	vst v63  }
0x25f: {  	s26 =	simm.s32 $0x4A00  }
0x260: {  	[tilespmem:s26], [sflag:$0x1] =	stream.indirect_vreg.gather [hbm4b:s1+s25], $0x80, v19, vm0, $0xb8;
	[tilespmem:$0x10300] =	vst v63  }
0x261: {  	v19 =	vld [tilespmem:$0x150];
	_ =	sdelay $0x4  }
0x262: {  	v20 =	vshll.u32 v19, $0x1  }
0x263: {  	v19 =	vand.u32 $0x7, v19;
	v20 =	vand.u32 $0xFFFFFFF0, v20  }
0x264: {  	v19 =	vor.u32 v19, v20  }
0x265: {  	v20 =	vperm.xlane v19, v16;
	_ =	sdelay $0x1  }
0x266: {  	v19 =	vperm.xlane v19, v18;
	v20 =	vadd.s32 v17, v20;
	_ =	sdelay $0x1  }
0x267: {  	v19 =	vadd.s32 v17, v19;
	_ =	sdelay $0x1  }
0x268: {  	s26 =	simm.s32 $0x5200  }
0x269: {  	[tilespmem:s26], [sflag:$0x1] =	stream.indirect_vreg.gather [hbm4b:s1+s25], $0x80, v20, vm0, $0xb8;
	[tilespmem:$0x10300] =	vst v63  }
0x26a: {  	s26 =	simm.s32 $0x5A00  }
0x26b: {  	[tilespmem:s26], [sflag:$0x1] =	stream.indirect_vreg.gather [hbm4b:s1+s25], $0x80, v19, vm0, $0xb8;
	[tilespmem:$0x10300] =	vst v63  }
0x26c: {  	v19 =	vld [tilespmem:$0x160];
	_ =	sdelay $0x4  }
0x26d: {  	v20 =	vshll.u32 v19, $0x1  }
0x26e: {  	v19 =	vand.u32 $0x7, v19;
	v20 =	vand.u32 $0xFFFFFFF0, v20  }
0x26f: {  	v19 =	vor.u32 v19, v20  }
0x270: {  	v20 =	vperm.xlane v19, v16;
	_ =	sdelay $0x1  }
0x271: {  	v19 =	vperm.xlane v19, v18;
	v20 =	vadd.s32 v17, v20;
	_ =	sdelay $0x1  }
0x272: {  	v19 =	vadd.s32 v17, v19;
	_ =	sdelay $0x1  }
0x273: {  	s26 =	simm.s32 $0x6200  }
0x274: {  	[tilespmem:s26], [sflag:$0x1] =	stream.indirect_vreg.gather [hbm4b:s1+s25], $0x80, v20, vm0, $0xb8;
	[tilespmem:$0x10300] =	vst v63  }
0x275: {  	s26 =	simm.s32 $0x6A00  }
0x276: {  	[tilespmem:s26], [sflag:$0x1] =	stream.indirect_vreg.gather [hbm4b:s1+s25], $0x80, v19, vm0, $0xb8;
	[tilespmem:$0x10300] =	vst v63  }
0x277: {  	v19 =	vld [tilespmem:$0x170];
	_ =	sdelay $0x4  }
0x278: {  	v20 =	vshll.u32 v19, $0x1  }
0x279: {  	v19 =	vand.u32 $0x7, v19;
	v20 =	vand.u32 $0xFFFFFFF0, v20  }
0x27a: {  	v19 =	vor.u32 v19, v20  }
0x27b: {  	v20 =	vperm.xlane v19, v16;
	_ =	sdelay $0x1  }
0x27c: {  	v19 =	vperm.xlane v19, v18;
	v20 =	vadd.s32 v17, v20;
	_ =	sdelay $0x1  }
0x27d: {  	v19 =	vadd.s32 v17, v19;
	_ =	sdelay $0x2  }
0x27e: {  	[tilespmem:s31], [sflag:$0x1] =	stream.indirect_vreg.gather [hbm4b:s1+s25], $0x80, v20, vm0, $0xb8;
	[tilespmem:$0x10300] =	vst v63  }
0x27f: {  	_ = 	snop  }
0x280: {  	[tilespmem:s0], [sflag:$0x1] =	stream.indirect_vreg.gather [hbm4b:s1+s25], $0x80, v19, vm0, $0xb8;
	[tilespmem:$0x10300] =	vst v63  }
0x281: {  	v19 =	vld [tilespmem:$0x180];
	_ =	sdelay $0x4  }
0x282: {  	v20 =	vshll.u32 v19, $0x1  }
0x283: {  	v19 =	vand.u32 $0x7, v19;
	v20 =	vand.u32 $0xFFFFFFF0, v20  }
0x284: {  	v19 =	vor.u32 v19, v20  }
0x285: {  	v20 =	vperm.xlane v19, v16;
	_ =	sdelay $0x1  }
0x286: {  	v19 =	vperm.xlane v19, v18;
	v20 =	vadd.s32 v17, v20;
	_ =	sdelay $0x1  }
0x287: {  	v19 =	vadd.s32 v17, v19;
	_ =	sdelay $0x2  }
0x288: {  	[tilespmem:s2], [sflag:$0x1] =	stream.indirect_vreg.gather [hbm4b:s1+s25], $0x80, v20, vm0, $0xb8;
	[tilespmem:$0x10300] =	vst v63  }
0x289: {  	_ = 	snop  }
0x28a: {  	[tilespmem:s4], [sflag:$0x1] =	stream.indirect_vreg.gather [hbm4b:s1+s25], $0x80, v19, vm0, $0xb8;
	[tilespmem:$0x10300] =	vst v63  }
0x28b: {  	v19 =	vld [tilespmem:$0x190];
	_ =	sdelay $0x4  }
0x28c: {  	v20 =	vshll.u32 v19, $0x1  }
0x28d: {  	v19 =	vand.u32 $0x7, v19;
	v20 =	vand.u32 $0xFFFFFFF0, v20  }
0x28e: {  	v19 =	vor.u32 v19, v20  }
0x28f: {  	v20 =	vperm.xlane v19, v16;
	_ =	sdelay $0x1  }
0x290: {  	v19 =	vperm.xlane v19, v18;
	v20 =	vadd.s32 v17, v20;
	_ =	sdelay $0x1  }
0x291: {  	v19 =	vadd.s32 v17, v19;
	_ =	sdelay $0x2  }
0x292: {  	[tilespmem:s5], [sflag:$0x1] =	stream.indirect_vreg.gather [hbm4b:s1+s25], $0x80, v20, vm0, $0xb8;
	[tilespmem:$0x10300] =	vst v63  }
0x293: {  	_ = 	snop  }
0x294: {  	[tilespmem:s6], [sflag:$0x1] =	stream.indirect_vreg.gather [hbm4b:s1+s25], $0x80, v19, vm0, $0xb8;
	[tilespmem:$0x10300] =	vst v63  }
0x295: {  	v19 =	vld [tilespmem:$0x1A0];
	_ =	sdelay $0x4  }
0x296: {  	v20 =	vshll.u32 v19, $0x1  }
0x297: {  	v19 =	vand.u32 $0x7, v19;
	v20 =	vand.u32 $0xFFFFFFF0, v20  }
0x298: {  	v19 =	vor.u32 v19, v20  }
0x299: {  	v20 =	vperm.xlane v19, v16;
	_ =	sdelay $0x1  }
0x29a: {  	v19 =	vperm.xlane v19, v18;
	v20 =	vadd.s32 v17, v20;
	_ =	sdelay $0x1  }
0x29b: {  	v19 =	vadd.s32 v17, v19;
	_ =	sdelay $0x2  }
0x29c: {  	[tilespmem:s7], [sflag:$0x1] =	stream.indirect_vreg.gather [hbm4b:s1+s25], $0x80, v20, vm0, $0xb8;
	[tilespmem:$0x10300] =	vst v63  }
0x29d: {  	_ = 	snop  }
0x29e: {  	[tilespmem:s8], [sflag:$0x1] =	stream.indirect_vreg.gather [hbm4b:s1+s25], $0x80, v19, vm0, $0xb8;
	[tilespmem:$0x10300] =	vst v63  }
0x29f: {  	v19 =	vld [tilespmem:$0x1B0];
	_ =	sdelay $0x4  }
0x2a0: {  	v20 =	vshll.u32 v19, $0x1  }
0x2a1: {  	v19 =	vand.u32 $0x7, v19;
	v20 =	vand.u32 $0xFFFFFFF0, v20  }
0x2a2: {  	v19 =	vor.u32 v19, v20  }
0x2a3: {  	v20 =	vperm.xlane v19, v16;
	_ =	sdelay $0x1  }
0x2a4: {  	v19 =	vperm.xlane v19, v18;
	v20 =	vadd.s32 v17, v20;
	_ =	sdelay $0x1  }
0x2a5: {  	v19 =	vadd.s32 v17, v19;
	_ =	sdelay $0x2  }
0x2a6: {  	[tilespmem:s9], [sflag:$0x1] =	stream.indirect_vreg.gather [hbm4b:s1+s25], $0x80, v20, vm0, $0xb8;
	[tilespmem:$0x10300] =	vst v63  }
0x2a7: {  	_ = 	snop  }
0x2a8: {  	[tilespmem:s10], [sflag:$0x1] =	stream.indirect_vreg.gather [hbm4b:s1+s25], $0x80, v19, vm0, $0xb8;
	[tilespmem:$0x10300] =	vst v63  }
0x2a9: {  	v19 =	vld [tilespmem:$0x1C0];
	_ =	sdelay $0x4  }
0x2aa: {  	v20 =	vshll.u32 v19, $0x1  }
0x2ab: {  	v19 =	vand.u32 $0x7, v19;
	v20 =	vand.u32 $0xFFFFFFF0, v20  }
0x2ac: {  	v19 =	vor.u32 v19, v20  }
0x2ad: {  	v20 =	vperm.xlane v19, v16;
	_ =	sdelay $0x1  }
0x2ae: {  	v19 =	vperm.xlane v19, v18;
	v20 =	vadd.s32 v17, v20;
	_ =	sdelay $0x1  }
0x2af: {  	v19 =	vadd.s32 v17, v19;
	_ =	sdelay $0x2  }
0x2b0: {  	[tilespmem:s11], [sflag:$0x1] =	stream.indirect_vreg.gather [hbm4b:s1+s25], $0x80, v20, vm0, $0xb8;
	[tilespmem:$0x10300] =	vst v63  }
0x2b1: {  	_ = 	snop  }
0x2b2: {  	[tilespmem:s12], [sflag:$0x1] =	stream.indirect_vreg.gather [hbm4b:s1+s25], $0x80, v19, vm0, $0xb8;
	[tilespmem:$0x10300] =	vst v63  }
0x2b3: {  	v19 =	vld [tilespmem:$0x1D0];
	_ =	sdelay $0x4  }
0x2b4: {  	v20 =	vshll.u32 v19, $0x1  }
0x2b5: {  	v19 =	vand.u32 $0x7, v19;
	v20 =	vand.u32 $0xFFFFFFF0, v20  }
0x2b6: {  	v19 =	vor.u32 v19, v20  }
0x2b7: {  	v20 =	vperm.xlane v19, v16;
	_ =	sdelay $0x1  }
0x2b8: {  	v19 =	vperm.xlane v19, v18;
	v20 =	vadd.s32 v17, v20;
	_ =	sdelay $0x1  }
0x2b9: {  	v19 =	vadd.s32 v17, v19;
	_ =	sdelay $0x2  }
0x2ba: {  	[tilespmem:s16], [sflag:$0x1] =	stream.indirect_vreg.gather [hbm4b:s1+s25], $0x80, v20, vm0, $0xb8;
	[tilespmem:$0x10300] =	vst v63  }
0x2bb: {  	_ = 	snop  }
0x2bc: {  	[tilespmem:s17], [sflag:$0x1] =	stream.indirect_vreg.gather [hbm4b:s1+s25], $0x80, v19, vm0, $0xb8;
	[tilespmem:$0x10300] =	vst v63  }
0x2bd: {  	v19 =	vld [tilespmem:$0x1E0];
	_ =	sdelay $0x4  }
0x2be: {  	v20 =	vshll.u32 v19, $0x1  }
0x2bf: {  	v19 =	vand.u32 $0x7, v19;
	v20 =	vand.u32 $0xFFFFFFF0, v20  }
0x2c0: {  	v19 =	vor.u32 v19, v20  }
0x2c1: {  	v20 =	vperm.xlane v19, v16;
	_ =	sdelay $0x1  }
0x2c2: {  	v19 =	vperm.xlane v19, v18;
	v20 =	vadd.s32 v17, v20;
	_ =	sdelay $0x1  }
0x2c3: {  	v19 =	vadd.s32 v17, v19;
	_ =	sdelay $0x2  }
0x2c4: {  	[tilespmem:s18], [sflag:$0x1] =	stream.indirect_vreg.gather [hbm4b:s1+s25], $0x80, v20, vm0, $0xb8;
	[tilespmem:$0x10300] =	vst v63  }
0x2c5: {  	_ = 	snop  }
0x2c6: {  	[tilespmem:s19], [sflag:$0x1] =	stream.indirect_vreg.gather [hbm4b:s1+s25], $0x80, v19, vm0, $0xb8;
	[tilespmem:$0x10300] =	vst v63  }
0x2c7: {  	v19 =	vld [tilespmem:$0x1F0];
	_ =	sdelay $0x4  }
0x2c8: {  	v20 =	vshll.u32 v19, $0x1  }
0x2c9: {  	v19 =	vand.u32 $0x7, v19;
	v20 =	vand.u32 $0xFFFFFFF0, v20  }
0x2ca: {  	v19 =	vor.u32 v19, v20  }
0x2cb: {  	v20 =	vperm.xlane v19, v16;
	_ =	sdelay $0x1  }
0x2cc: {  	v19 =	vperm.xlane v19, v18;
	v20 =	vadd.s32 v17, v20;
	_ =	sdelay $0x1  }
0x2cd: {  	v19 =	vadd.s32 v17, v19;
	_ =	sdelay $0x2  }
0x2ce: {  	[tilespmem:s20], [sflag:$0x1] =	stream.indirect_vreg.gather [hbm4b:s1+s25], $0x80, v20, vm0, $0xb8;
	[tilespmem:$0x10300] =	vst v63  }
0x2cf: {  	_ = 	snop  }
0x2d0: {  	[tilespmem:s21], [sflag:$0x1] =	stream.indirect_vreg.gather [hbm4b:s1+s25], $0x80, v19, vm0, $0xb8;
	[tilespmem:$0x10300] =	vst v63  }
0x2d1: {  	_ =	swait.ge [sflag:s22], $0x10000  }
0x2d2: {  	s26 =	sand.u32 $0xF800, s25;
	s25 =	sand.u32 $0x380, s25;
	[sflag:s22] =	ssyncset.done $0x0  }
0x2d3: {  	s25 =	sor.u32 s25, s26;
	[sflag:s22] =	ssyncadd.s32 $0xFFFF0000  }
0x2d4: {  	v19 =	vld [tilespmem:s25+$0x670]  }
0x2d5: {  	v21 =	vld [tilespmem:s25+$0x200]  }
0x2d6: {  	v22 =	vld [tilespmem:s25+$0x210]  }
0x2d7: {  	v23 =	vld [tilespmem:s25+$0x220]  }
0x2d8: {  	v24 =	vld [tilespmem:s25+$0x230]  }
0x2d9: {  	v25 =	vld [tilespmem:s25+$0x240]  }
0x2da: {  	v26 =	vld [tilespmem:s25+$0x250]  }
0x2db: {  	v27 =	vld [tilespmem:s25+$0x260]  }
0x2dc: {  	v20 =	vimm.f32 $0.0e+00;
	v30 =	vld [tilespmem:s25+$0x270]  }
0x2dd: {  	v31 =	vld [tilespmem:s25+$0x600];
	v19 =	vadd.f32 v19, v20  }
0x2de: {  	v34 =	vadd.f32 v21, v20;
	v33 =	vadd.f32 v22, v20  }
0x2df: {  	v38 =	vld [tilespmem:s25+$0x610];
	v32 =	vadd.f32 v23, v20;
	v28 =	vadd.f32 v24, v20  }
0x2e0: {  	v37 =	vld [tilespmem:s25+$0x620];
	v29 =	vadd.f32 v25, v20;
	v25 =	vadd.f32 v26, v20  }
0x2e1: {  	v35 =	vld [tilespmem:s25+$0x630];
	v26 =	vadd.f32 v27, v20;
	v22 =	vadd.f32 v30, v20  }
0x2e2: {  	s28 =	simm.s32 $0x100;
	s26 =	simm.s32 $0x80;
	v36 =	vld [tilespmem:s25+$0x640];
	v27 =	vadd.f32 v31, v20;
	v30 =	vimm.f32 $0.0e+00;
	v23 =	vimm.f32 $0.0e+00  }
0x2e3: {  	s29 =	sand.u32 $0xF800, s28;
	s28 =	simm.s32 $0x200;
	s30 =	sand.u32 $0x380, s26;
	v39 =	vld [tilespmem:s25+$0x650];
	v31 =	vimm.f32 $0.0e+00;
	v24 =	vimm.f32 $0.0e+00;
	v21 =	vimm.f32 $0.0e+00  }
.LBB2_6:
0x2e4: {  	p0 =	sne.s32 s28, $0xFF00;
	v20 =	vadd.f32 v38, v20;
	v38 =	vld [tilespmem:s25+$0x660];
	s25 =	sor.u32 s30, s29  }
0x2e5: {  	v40 =	vld [tilespmem:s25+$0x670];
	v30 =	vadd.f32 v37, v30  }
0x2e6: {  	v37 =	vld [tilespmem:s25+$0x200];
	v23 =	vadd.f32 v35, v23  }
0x2e7: {  	v35 =	vld [tilespmem:s25+$0x210];
	v31 =	vadd.f32 v36, v31  }
0x2e8: {  	v36 =	vld [tilespmem:s25+$0x220];
	v24 =	vadd.f32 v39, v24  }
0x2e9: {  	v39 =	vld [tilespmem:s25+$0x230];
	v21 =	vadd.f32 v38, v21  }
0x2ea: {  	v38 =	vld [tilespmem:s25+$0x240];
	v19 =	vadd.f32 v40, v19  }
0x2eb: {  	v34 =	vadd.f32 v37, v34;
	v37 =	vld [tilespmem:s25+$0x250]  }
0x2ec: {  	v33 =	vadd.f32 v35, v33;
	v35 =	vld [tilespmem:s25+$0x260]  }
0x2ed: {  	v32 =	vadd.f32 v36, v32;
	v36 =	vld [tilespmem:s25+$0x270]  }
0x2ee: {  	v28 =	vadd.f32 v39, v28;
	v39 =	vld [tilespmem:s25+$0x600]  }
.Ltmp2:
0x2ef: {  	v29 =	vadd.f32 v38, v29;
	v38 =	vld [tilespmem:s25+$0x610];
	(pc) =	sbr.rel @p0 .LBB2_6-.Ltmp2, $4  }
0x2f0: {  	v25 =	vadd.f32 v37, v25;
	v37 =	vld [tilespmem:s25+$0x620]  }
0x2f1: {  	v26 =	vadd.f32 v35, v26;
	v35 =	vld [tilespmem:s25+$0x630]  }
0x2f2: {  	s26 =	sadd.s32 $0x80, s26;
	v22 =	vadd.f32 v36, v22;
	v36 =	vld [tilespmem:s25+$0x640]  }
0x2f3: {  	s29 =	sand.u32 $0xF800, s28;
	s28 =	sadd.s32 $0x100, s28;
	s30 =	sand.u32 $0x380, s26;
	v27 =	vadd.f32 v39, v27;
	v39 =	vld [tilespmem:s25+$0x650]  }
0x2f4: {  	s26 =	sor.u32 s30, s29;
	v40 =	vld [tilespmem:s25+$0x660]  }
0x2f5: {  	v41 =	vld [tilespmem:s26+$0x670]  }
0x2f6: {  	v42 =	vld [tilespmem:s26+$0x200]  }
0x2f7: {  	v43 =	vld [tilespmem:s26+$0x210]  }
0x2f8: {  	v44 =	vld [tilespmem:s26+$0x220]  }
0x2f9: {  	v45 =	vld [tilespmem:s26+$0x230]  }
0x2fa: {  	v46 =	vld [tilespmem:s26+$0x240]  }
0x2fb: {  	v47 =	vld [tilespmem:s26+$0x250]  }
0x2fc: {  	v48 =	vld [tilespmem:s26+$0x260]  }
0x2fd: {  	v49 =	vld [tilespmem:s26+$0x270]  }
0x2fe: {  	v50 =	vld [tilespmem:s26+$0x600]  }
0x2ff: {  	v51 =	vld [tilespmem:s26+$0x610]  }
0x300: {  	v52 =	vld [tilespmem:s26+$0x620]  }
0x301: {  	v53 =	vld [tilespmem:s26+$0x630]  }
0x302: {  	v54 =	vld [tilespmem:s26+$0x640];
	v34 =	vadd.f32 v42, v34  }
0x303: {  	v62 =	vld [tilespmem:s26+$0x650];
	v33 =	vadd.f32 v43, v33  }
0x304: {  	v63 =	vld [tilespmem:s26+$0x660];
	v32 =	vadd.f32 v44, v32;
	[tilespmem:$0x10200] =	vst v34  }
0x305: {  	v28 =	vadd.f32 v45, v28;
	[tilespmem:$0x10210] =	vst v33  }
0x306: {  	v29 =	vadd.f32 v46, v29;
	[tilespmem:$0x10220] =	vst v32  }
0x307: {  	v25 =	vadd.f32 v47, v25;
	[tilespmem:$0x10230] =	vst v28  }
0x308: {  	v26 =	vadd.f32 v48, v26;
	[tilespmem:$0x10240] =	vst v29  }
0x309: {  	v20 =	vadd.f32 v38, v20;
	v22 =	vadd.f32 v49, v22;
	[tilespmem:$0x10250] =	vst v25  }
0x30a: {  	v23 =	vadd.f32 v35, v23;
	v27 =	vadd.f32 v50, v27;
	[tilespmem:$0x10260] =	vst v26  }
0x30b: {  	v20 =	vadd.f32 v51, v20;
	[tilespmem:$0x10270] =	vst v22  }
0x30c: {  	v23 =	vadd.f32 v53, v23;
	v25 =	vadd.f32 v37, v30;
	[tilespmem:$0x10280] =	vst v27  }
0x30d: {  	v19 =	vadd.f32 v41, v19;
	v22 =	vadd.f32 v36, v31;
	[tilespmem:$0x10290] =	vst v20  }
0x30e: {  	v24 =	vadd.f32 v39, v24;
	[tilespmem:$0x102B0] =	vst v23;
	v25 =	vadd.f32 v52, v25  }
0x30f: {  	v20 =	vadd.f32 v40, v21;
	[tilespmem:$0x102F0] =	vst v19;
	v21 =	vadd.f32 v54, v22  }
0x310: {  	v22 =	vadd.f32 v62, v24;
	[tilespmem:$0x102A0] =	vst v25  }
0x311: {  	v20 =	vadd.f32 v63, v20;
	[tilespmem:$0x102C0] =	vst v21  }
0x312: {  	[tilespmem:$0x102D0] =	vst v22  }
0x313: {  	s26 =	rddreg [dreg:$0x9];
	[tilespmem:$0x102E0] =	vst v20  }
0x314: {  	[hbm4b:s26+s13] =	stream.strided.scatter [tilespmem:s23], [sflag:$0x2], $0x100, s14, s13, $0x38;
	[tilespmem:$0x10300] =	vst v63  }
0x315: {  	_ =	swait.ge [sflag:s15], $0x100  }
0x316: {  	[sflag:s15] =	ssyncset.done $0x0  }
0x317: {  	s25 =	simm.s32 $0x0;
	s26 =	rddreg [dreg:$0xa];
	[sflag:s15] =	ssyncadd.s32 $0xFFFFFF00  }
0x318: {  	[tilespmem:s25], [sflag:$0x2] =	stream.strided.gather [hbm4b:s26+s13], $0x100, s14, s13, $0x38;
	[tilespmem:$0x10300] =	vst v63  }
0x319: {  	_ =	swait.ge [sflag:s15], $0x100  }
0x31a: {  	[sflag:s15] =	ssyncset.done $0x0  }
0x31b: {  	[sflag:s15] =	ssyncadd.s32 $0xFFFFFF00  }
0x31c: {  	v19 =	vld [tilespmem:$0x0]  }
0x31d: {  	v20 =	vld [tilespmem:$0x10]  }
0x31e: {  	v21 =	vld [tilespmem:$0x20]  }
0x31f: {  	v22 =	vld [tilespmem:$0x30]  }
0x320: {  	v23 =	vld [tilespmem:$0x40]  }
0x321: {  	v24 =	vld [tilespmem:$0x50];
	v19 =	vadd.s32 v0, v19  }
0x322: {  	v25 =	vld [tilespmem:$0x60];
	v20 =	vadd.s32 v1, v20;
	[tilespmem:$0x100] =	vst v19  }
0x323: {  	[tilespmem:$0x110] =	vst v20;
	v20 =	vadd.s32 v2, v21;
	v21 =	vld [tilespmem:$0x70]  }
0x324: {  	[tilespmem:$0x120] =	vst v20;
	v20 =	vadd.s32 v3, v22;
	v22 =	vld [tilespmem:$0x80]  }
0x325: {  	[tilespmem:$0x130] =	vst v20;
	v20 =	vadd.s32 v4, v23;
	v23 =	vld [tilespmem:$0x90]  }
0x326: {  	[tilespmem:$0x140] =	vst v20;
	v20 =	vadd.s32 v5, v24;
	v24 =	vld [tilespmem:$0xA0]  }
0x327: {  	[tilespmem:$0x150] =	vst v20;
	v20 =	vadd.s32 v6, v25;
	v25 =	vld [tilespmem:$0xB0]  }
0x328: {  	v26 =	vshll.u32 v19, $0x1;
	[tilespmem:$0x160] =	vst v20;
	v20 =	vadd.s32 v7, v21;
	v21 =	vld [tilespmem:$0xC0]  }
0x329: {  	v19 =	vand.u32 $0x7, v19;
	v26 =	vand.u32 $0xFFFFFFF0, v26;
	[tilespmem:$0x170] =	vst v20;
	v20 =	vadd.s32 v8, v22;
	v22 =	vld [tilespmem:$0xD0]  }
0x32a: {  	v19 =	vor.u32 v19, v26;
	[tilespmem:$0x180] =	vst v20;
	v20 =	vadd.s32 v9, v23;
	v23 =	vld [tilespmem:$0xE0]  }
0x32b: {  	v26 =	vperm.xlane v19, v16;
	[tilespmem:$0x190] =	vst v20;
	v20 =	vadd.s32 v10, v24;
	v24 =	vld [tilespmem:$0xF0]  }
0x32c: {  	[tilespmem:$0x1A0] =	vst v20;
	v20 =	vadd.s32 v11, v25  }
0x32d: {  	v19 =	vperm.xlane v19, v18;
	[tilespmem:$0x1B0] =	vst v20;
	v20 =	vadd.s32 v12, v21;
	v21 =	vadd.s32 v17, v26  }
0x32e: {  	[tilespmem:$0x1C0] =	vst v20;
	v20 =	vadd.s32 v13, v22  }
0x32f: {  	v19 =	vadd.s32 v17, v19;
	[tilespmem:$0x1D0] =	vst v20;
	v20 =	vadd.s32 v14, v23  }
0x330: {  	[tilespmem:$0x1E0] =	vst v20;
	v20 =	vadd.s32 v15, v24  }
0x331: {  	s26 =	simm.s32 $0x200;
	[tilespmem:$0x1F0] =	vst v20  }
0x332: {  	[tilespmem:s26], [sflag:$0x1] =	stream.indirect_vreg.gather [hbm4b:s1+s25], $0x80, v21, vm0, $0xb8;
	[tilespmem:$0x10300] =	vst v63  }
0x333: {  	s26 =	simm.s32 $0xA00  }
0x334: {  	[tilespmem:s26], [sflag:$0x1] =	stream.indirect_vreg.gather [hbm4b:s1+s25], $0x80, v19, vm0, $0xb8;
	[tilespmem:$0x10300] =	vst v63  }
0x335: {  	v19 =	vld [tilespmem:$0x110];
	_ =	sdelay $0x4  }
0x336: {  	v20 =	vshll.u32 v19, $0x1  }
0x337: {  	v19 =	vand.u32 $0x7, v19;
	v20 =	vand.u32 $0xFFFFFFF0, v20  }
0x338: {  	v19 =	vor.u32 v19, v20  }
0x339: {  	v20 =	vperm.xlane v19, v16;
	_ =	sdelay $0x1  }
0x33a: {  	v19 =	vperm.xlane v19, v18;
	v20 =	vadd.s32 v17, v20;
	_ =	sdelay $0x1  }
0x33b: {  	v19 =	vadd.s32 v17, v19;
	_ =	sdelay $0x1  }
0x33c: {  	s26 =	simm.s32 $0x1200  }
0x33d: {  	[tilespmem:s26], [sflag:$0x1] =	stream.indirect_vreg.gather [hbm4b:s1+s25], $0x80, v20, vm0, $0xb8;
	[tilespmem:$0x10300] =	vst v63  }
0x33e: {  	s26 =	simm.s32 $0x1A00  }
0x33f: {  	[tilespmem:s26], [sflag:$0x1] =	stream.indirect_vreg.gather [hbm4b:s1+s25], $0x80, v19, vm0, $0xb8;
	[tilespmem:$0x10300] =	vst v63  }
0x340: {  	v19 =	vld [tilespmem:$0x120];
	_ =	sdelay $0x4  }
0x341: {  	v20 =	vshll.u32 v19, $0x1  }
0x342: {  	v19 =	vand.u32 $0x7, v19;
	v20 =	vand.u32 $0xFFFFFFF0, v20  }
0x343: {  	v19 =	vor.u32 v19, v20  }
0x344: {  	v20 =	vperm.xlane v19, v16;
	_ =	sdelay $0x1  }
0x345: {  	v19 =	vperm.xlane v19, v18;
	v20 =	vadd.s32 v17, v20;
	_ =	sdelay $0x1  }
0x346: {  	v19 =	vadd.s32 v17, v19;
	_ =	sdelay $0x1  }
0x347: {  	s26 =	simm.s32 $0x2200  }
0x348: {  	[tilespmem:s26], [sflag:$0x1] =	stream.indirect_vreg.gather [hbm4b:s1+s25], $0x80, v20, vm0, $0xb8;
	[tilespmem:$0x10300] =	vst v63  }
0x349: {  	s26 =	simm.s32 $0x2A00  }
0x34a: {  	[tilespmem:s26], [sflag:$0x1] =	stream.indirect_vreg.gather [hbm4b:s1+s25], $0x80, v19, vm0, $0xb8;
	[tilespmem:$0x10300] =	vst v63  }
0x34b: {  	v19 =	vld [tilespmem:$0x130];
	_ =	sdelay $0x4  }
0x34c: {  	v20 =	vshll.u32 v19, $0x1  }
0x34d: {  	v19 =	vand.u32 $0x7, v19;
	v20 =	vand.u32 $0xFFFFFFF0, v20  }
0x34e: {  	v19 =	vor.u32 v19, v20  }
0x34f: {  	v20 =	vperm.xlane v19, v16;
	_ =	sdelay $0x1  }
0x350: {  	v19 =	vperm.xlane v19, v18;
	v20 =	vadd.s32 v17, v20;
	_ =	sdelay $0x1  }
0x351: {  	v19 =	vadd.s32 v17, v19;
	_ =	sdelay $0x1  }
0x352: {  	s26 =	simm.s32 $0x3200  }
0x353: {  	[tilespmem:s26], [sflag:$0x1] =	stream.indirect_vreg.gather [hbm4b:s1+s25], $0x80, v20, vm0, $0xb8;
	[tilespmem:$0x10300] =	vst v63  }
0x354: {  	s26 =	simm.s32 $0x3A00  }
0x355: {  	[tilespmem:s26], [sflag:$0x1] =	stream.indirect_vreg.gather [hbm4b:s1+s25], $0x80, v19, vm0, $0xb8;
	[tilespmem:$0x10300] =	vst v63  }
0x356: {  	v19 =	vld [tilespmem:$0x140];
	_ =	sdelay $0x4  }
0x357: {  	v20 =	vshll.u32 v19, $0x1  }
0x358: {  	v19 =	vand.u32 $0x7, v19;
	v20 =	vand.u32 $0xFFFFFFF0, v20  }
0x359: {  	v19 =	vor.u32 v19, v20  }
0x35a: {  	v20 =	vperm.xlane v19, v16;
	_ =	sdelay $0x1  }
0x35b: {  	v19 =	vperm.xlane v19, v18;
	v20 =	vadd.s32 v17, v20;
	_ =	sdelay $0x1  }
0x35c: {  	v19 =	vadd.s32 v17, v19;
	_ =	sdelay $0x1  }
0x35d: {  	s26 =	simm.s32 $0x4200  }
0x35e: {  	[tilespmem:s26], [sflag:$0x1] =	stream.indirect_vreg.gather [hbm4b:s1+s25], $0x80, v20, vm0, $0xb8;
	[tilespmem:$0x10300] =	vst v63  }
0x35f: {  	s26 =	simm.s32 $0x4A00  }
0x360: {  	[tilespmem:s26], [sflag:$0x1] =	stream.indirect_vreg.gather [hbm4b:s1+s25], $0x80, v19, vm0, $0xb8;
	[tilespmem:$0x10300] =	vst v63  }
0x361: {  	v19 =	vld [tilespmem:$0x150];
	_ =	sdelay $0x4  }
0x362: {  	v20 =	vshll.u32 v19, $0x1  }
0x363: {  	v19 =	vand.u32 $0x7, v19;
	v20 =	vand.u32 $0xFFFFFFF0, v20  }
0x364: {  	v19 =	vor.u32 v19, v20  }
0x365: {  	v20 =	vperm.xlane v19, v16;
	_ =	sdelay $0x1  }
0x366: {  	v19 =	vperm.xlane v19, v18;
	v20 =	vadd.s32 v17, v20;
	_ =	sdelay $0x1  }
0x367: {  	v19 =	vadd.s32 v17, v19;
	_ =	sdelay $0x1  }
0x368: {  	s26 =	simm.s32 $0x5200  }
0x369: {  	[tilespmem:s26], [sflag:$0x1] =	stream.indirect_vreg.gather [hbm4b:s1+s25], $0x80, v20, vm0, $0xb8;
	[tilespmem:$0x10300] =	vst v63  }
0x36a: {  	s26 =	simm.s32 $0x5A00  }
0x36b: {  	[tilespmem:s26], [sflag:$0x1] =	stream.indirect_vreg.gather [hbm4b:s1+s25], $0x80, v19, vm0, $0xb8;
	[tilespmem:$0x10300] =	vst v63  }
0x36c: {  	v19 =	vld [tilespmem:$0x160];
	_ =	sdelay $0x4  }
0x36d: {  	v20 =	vshll.u32 v19, $0x1  }
0x36e: {  	v19 =	vand.u32 $0x7, v19;
	v20 =	vand.u32 $0xFFFFFFF0, v20  }
0x36f: {  	v19 =	vor.u32 v19, v20  }
0x370: {  	v20 =	vperm.xlane v19, v16;
	_ =	sdelay $0x1  }
0x371: {  	v19 =	vperm.xlane v19, v18;
	v20 =	vadd.s32 v17, v20;
	_ =	sdelay $0x1  }
0x372: {  	v19 =	vadd.s32 v17, v19;
	_ =	sdelay $0x1  }
0x373: {  	s26 =	simm.s32 $0x6200  }
0x374: {  	[tilespmem:s26], [sflag:$0x1] =	stream.indirect_vreg.gather [hbm4b:s1+s25], $0x80, v20, vm0, $0xb8;
	[tilespmem:$0x10300] =	vst v63  }
0x375: {  	s26 =	simm.s32 $0x6A00  }
0x376: {  	[tilespmem:s26], [sflag:$0x1] =	stream.indirect_vreg.gather [hbm4b:s1+s25], $0x80, v19, vm0, $0xb8;
	[tilespmem:$0x10300] =	vst v63  }
0x377: {  	v19 =	vld [tilespmem:$0x170];
	_ =	sdelay $0x4  }
0x378: {  	v20 =	vshll.u32 v19, $0x1  }
0x379: {  	v19 =	vand.u32 $0x7, v19;
	v20 =	vand.u32 $0xFFFFFFF0, v20  }
0x37a: {  	v19 =	vor.u32 v19, v20  }
0x37b: {  	v20 =	vperm.xlane v19, v16;
	_ =	sdelay $0x1  }
0x37c: {  	v19 =	vperm.xlane v19, v18;
	v20 =	vadd.s32 v17, v20;
	_ =	sdelay $0x1  }
0x37d: {  	v19 =	vadd.s32 v17, v19;
	_ =	sdelay $0x2  }
0x37e: {  	[tilespmem:s31], [sflag:$0x1] =	stream.indirect_vreg.gather [hbm4b:s1+s25], $0x80, v20, vm0, $0xb8;
	[tilespmem:$0x10300] =	vst v63  }
0x37f: {  	_ = 	snop  }
0x380: {  	[tilespmem:s0], [sflag:$0x1] =	stream.indirect_vreg.gather [hbm4b:s1+s25], $0x80, v19, vm0, $0xb8;
	[tilespmem:$0x10300] =	vst v63  }
0x381: {  	v19 =	vld [tilespmem:$0x180];
	_ =	sdelay $0x4  }
0x382: {  	v20 =	vshll.u32 v19, $0x1  }
0x383: {  	v19 =	vand.u32 $0x7, v19;
	v20 =	vand.u32 $0xFFFFFFF0, v20  }
0x384: {  	v19 =	vor.u32 v19, v20  }
0x385: {  	v20 =	vperm.xlane v19, v16;
	_ =	sdelay $0x1  }
0x386: {  	v19 =	vperm.xlane v19, v18;
	v20 =	vadd.s32 v17, v20;
	_ =	sdelay $0x1  }
0x387: {  	v19 =	vadd.s32 v17, v19;
	_ =	sdelay $0x2  }
0x388: {  	[tilespmem:s2], [sflag:$0x1] =	stream.indirect_vreg.gather [hbm4b:s1+s25], $0x80, v20, vm0, $0xb8;
	[tilespmem:$0x10300] =	vst v63  }
0x389: {  	_ = 	snop  }
0x38a: {  	[tilespmem:s4], [sflag:$0x1] =	stream.indirect_vreg.gather [hbm4b:s1+s25], $0x80, v19, vm0, $0xb8;
	[tilespmem:$0x10300] =	vst v63  }
0x38b: {  	v19 =	vld [tilespmem:$0x190];
	_ =	sdelay $0x4  }
0x38c: {  	v20 =	vshll.u32 v19, $0x1  }
0x38d: {  	v19 =	vand.u32 $0x7, v19;
	v20 =	vand.u32 $0xFFFFFFF0, v20  }
0x38e: {  	v19 =	vor.u32 v19, v20  }
0x38f: {  	v20 =	vperm.xlane v19, v16;
	_ =	sdelay $0x1  }
0x390: {  	v19 =	vperm.xlane v19, v18;
	v20 =	vadd.s32 v17, v20;
	_ =	sdelay $0x1  }
0x391: {  	v19 =	vadd.s32 v17, v19;
	_ =	sdelay $0x2  }
0x392: {  	[tilespmem:s5], [sflag:$0x1] =	stream.indirect_vreg.gather [hbm4b:s1+s25], $0x80, v20, vm0, $0xb8;
	[tilespmem:$0x10300] =	vst v63  }
0x393: {  	_ = 	snop  }
0x394: {  	[tilespmem:s6], [sflag:$0x1] =	stream.indirect_vreg.gather [hbm4b:s1+s25], $0x80, v19, vm0, $0xb8;
	[tilespmem:$0x10300] =	vst v63  }
0x395: {  	v19 =	vld [tilespmem:$0x1A0];
	_ =	sdelay $0x4  }
0x396: {  	v20 =	vshll.u32 v19, $0x1  }
0x397: {  	v19 =	vand.u32 $0x7, v19;
	v20 =	vand.u32 $0xFFFFFFF0, v20  }
0x398: {  	v19 =	vor.u32 v19, v20  }
0x399: {  	v20 =	vperm.xlane v19, v16;
	_ =	sdelay $0x1  }
0x39a: {  	v19 =	vperm.xlane v19, v18;
	v20 =	vadd.s32 v17, v20;
	_ =	sdelay $0x1  }
0x39b: {  	v19 =	vadd.s32 v17, v19;
	_ =	sdelay $0x2  }
0x39c: {  	[tilespmem:s7], [sflag:$0x1] =	stream.indirect_vreg.gather [hbm4b:s1+s25], $0x80, v20, vm0, $0xb8;
	[tilespmem:$0x10300] =	vst v63  }
0x39d: {  	_ = 	snop  }
0x39e: {  	[tilespmem:s8], [sflag:$0x1] =	stream.indirect_vreg.gather [hbm4b:s1+s25], $0x80, v19, vm0, $0xb8;
	[tilespmem:$0x10300] =	vst v63  }
0x39f: {  	v19 =	vld [tilespmem:$0x1B0];
	_ =	sdelay $0x4  }
0x3a0: {  	v20 =	vshll.u32 v19, $0x1  }
0x3a1: {  	v19 =	vand.u32 $0x7, v19;
	v20 =	vand.u32 $0xFFFFFFF0, v20  }
0x3a2: {  	v19 =	vor.u32 v19, v20  }
0x3a3: {  	v20 =	vperm.xlane v19, v16;
	_ =	sdelay $0x1  }
0x3a4: {  	v19 =	vperm.xlane v19, v18;
	v20 =	vadd.s32 v17, v20;
	_ =	sdelay $0x1  }
0x3a5: {  	v19 =	vadd.s32 v17, v19;
	_ =	sdelay $0x2  }
0x3a6: {  	[tilespmem:s9], [sflag:$0x1] =	stream.indirect_vreg.gather [hbm4b:s1+s25], $0x80, v20, vm0, $0xb8;
	[tilespmem:$0x10300] =	vst v63  }
0x3a7: {  	_ = 	snop  }
0x3a8: {  	[tilespmem:s10], [sflag:$0x1] =	stream.indirect_vreg.gather [hbm4b:s1+s25], $0x80, v19, vm0, $0xb8;
	[tilespmem:$0x10300] =	vst v63  }
0x3a9: {  	v19 =	vld [tilespmem:$0x1C0];
	_ =	sdelay $0x4  }
0x3aa: {  	v20 =	vshll.u32 v19, $0x1  }
0x3ab: {  	v19 =	vand.u32 $0x7, v19;
	v20 =	vand.u32 $0xFFFFFFF0, v20  }
0x3ac: {  	v19 =	vor.u32 v19, v20  }
0x3ad: {  	v20 =	vperm.xlane v19, v16;
	_ =	sdelay $0x1  }
0x3ae: {  	v19 =	vperm.xlane v19, v18;
	v20 =	vadd.s32 v17, v20;
	_ =	sdelay $0x1  }
0x3af: {  	v19 =	vadd.s32 v17, v19;
	_ =	sdelay $0x2  }
0x3b0: {  	[tilespmem:s11], [sflag:$0x1] =	stream.indirect_vreg.gather [hbm4b:s1+s25], $0x80, v20, vm0, $0xb8;
	[tilespmem:$0x10300] =	vst v63  }
0x3b1: {  	_ = 	snop  }
0x3b2: {  	[tilespmem:s12], [sflag:$0x1] =	stream.indirect_vreg.gather [hbm4b:s1+s25], $0x80, v19, vm0, $0xb8;
	[tilespmem:$0x10300] =	vst v63  }
0x3b3: {  	v19 =	vld [tilespmem:$0x1D0];
	_ =	sdelay $0x4  }
0x3b4: {  	v20 =	vshll.u32 v19, $0x1  }
0x3b5: {  	v19 =	vand.u32 $0x7, v19;
	v20 =	vand.u32 $0xFFFFFFF0, v20  }
0x3b6: {  	v19 =	vor.u32 v19, v20  }
0x3b7: {  	v20 =	vperm.xlane v19, v16;
	_ =	sdelay $0x1  }
0x3b8: {  	v19 =	vperm.xlane v19, v18;
	v20 =	vadd.s32 v17, v20;
	_ =	sdelay $0x1  }
0x3b9: {  	v19 =	vadd.s32 v17, v19;
	_ =	sdelay $0x2  }
0x3ba: {  	[tilespmem:s16], [sflag:$0x1] =	stream.indirect_vreg.gather [hbm4b:s1+s25], $0x80, v20, vm0, $0xb8;
	[tilespmem:$0x10300] =	vst v63  }
0x3bb: {  	_ = 	snop  }
0x3bc: {  	[tilespmem:s17], [sflag:$0x1] =	stream.indirect_vreg.gather [hbm4b:s1+s25], $0x80, v19, vm0, $0xb8;
	[tilespmem:$0x10300] =	vst v63  }
0x3bd: {  	v19 =	vld [tilespmem:$0x1E0];
	_ =	sdelay $0x4  }
0x3be: {  	v20 =	vshll.u32 v19, $0x1  }
0x3bf: {  	v19 =	vand.u32 $0x7, v19;
	v20 =	vand.u32 $0xFFFFFFF0, v20  }
0x3c0: {  	v19 =	vor.u32 v19, v20  }
0x3c1: {  	v20 =	vperm.xlane v19, v16;
	_ =	sdelay $0x1  }
0x3c2: {  	v19 =	vperm.xlane v19, v18;
	v20 =	vadd.s32 v17, v20;
	_ =	sdelay $0x1  }
0x3c3: {  	v19 =	vadd.s32 v17, v19;
	_ =	sdelay $0x2  }
0x3c4: {  	[tilespmem:s18], [sflag:$0x1] =	stream.indirect_vreg.gather [hbm4b:s1+s25], $0x80, v20, vm0, $0xb8;
	[tilespmem:$0x10300] =	vst v63  }
0x3c5: {  	_ = 	snop  }
0x3c6: {  	[tilespmem:s19], [sflag:$0x1] =	stream.indirect_vreg.gather [hbm4b:s1+s25], $0x80, v19, vm0, $0xb8;
	[tilespmem:$0x10300] =	vst v63  }
0x3c7: {  	v19 =	vld [tilespmem:$0x1F0];
	_ =	sdelay $0x4  }
0x3c8: {  	v20 =	vshll.u32 v19, $0x1  }
0x3c9: {  	v19 =	vand.u32 $0x7, v19;
	v20 =	vand.u32 $0xFFFFFFF0, v20  }
0x3ca: {  	v19 =	vor.u32 v19, v20  }
0x3cb: {  	v20 =	vperm.xlane v19, v16;
	_ =	sdelay $0x1  }
0x3cc: {  	v19 =	vperm.xlane v19, v18;
	v20 =	vadd.s32 v17, v20;
	_ =	sdelay $0x1  }
0x3cd: {  	v19 =	vadd.s32 v17, v19;
	_ =	sdelay $0x2  }
0x3ce: {  	[tilespmem:s20], [sflag:$0x1] =	stream.indirect_vreg.gather [hbm4b:s1+s25], $0x80, v20, vm0, $0xb8;
	[tilespmem:$0x10300] =	vst v63  }
0x3cf: {  	_ = 	snop  }
0x3d0: {  	[tilespmem:s21], [sflag:$0x1] =	stream.indirect_vreg.gather [hbm4b:s1+s25], $0x80, v19, vm0, $0xb8;
	[tilespmem:$0x10300] =	vst v63  }
0x3d1: {  	_ =	swait.ge [sflag:s22], $0x10000  }
0x3d2: {  	s26 =	sand.u32 $0xF800, s25;
	s25 =	sand.u32 $0x380, s25;
	[sflag:s22] =	ssyncset.done $0x0  }
0x3d3: {  	s25 =	sor.u32 s25, s26;
	[sflag:s22] =	ssyncadd.s32 $0xFFFF0000  }
0x3d4: {  	v19 =	vld [tilespmem:s25+$0x670]  }
0x3d5: {  	v21 =	vld [tilespmem:s25+$0x200]  }
0x3d6: {  	v22 =	vld [tilespmem:s25+$0x210]  }
0x3d7: {  	v23 =	vld [tilespmem:s25+$0x220]  }
0x3d8: {  	v24 =	vld [tilespmem:s25+$0x230]  }
0x3d9: {  	v25 =	vld [tilespmem:s25+$0x240]  }
0x3da: {  	v26 =	vld [tilespmem:s25+$0x250]  }
0x3db: {  	v27 =	vld [tilespmem:s25+$0x260]  }
0x3dc: {  	v20 =	vimm.f32 $0.0e+00;
	v30 =	vld [tilespmem:s25+$0x270]  }
0x3dd: {  	v31 =	vld [tilespmem:s25+$0x600];
	v19 =	vadd.f32 v19, v20  }
0x3de: {  	v34 =	vadd.f32 v21, v20;
	v33 =	vadd.f32 v22, v20  }
0x3df: {  	v38 =	vld [tilespmem:s25+$0x610];
	v32 =	vadd.f32 v23, v20;
	v28 =	vadd.f32 v24, v20  }
0x3e0: {  	v37 =	vld [tilespmem:s25+$0x620];
	v29 =	vadd.f32 v25, v20;
	v25 =	vadd.f32 v26, v20  }
0x3e1: {  	v35 =	vld [tilespmem:s25+$0x630];
	v26 =	vadd.f32 v27, v20;
	v22 =	vadd.f32 v30, v20  }
0x3e2: {  	s28 =	simm.s32 $0x100;
	s26 =	simm.s32 $0x80;
	v36 =	vld [tilespmem:s25+$0x640];
	v27 =	vadd.f32 v31, v20;
	v30 =	vimm.f32 $0.0e+00;
	v23 =	vimm.f32 $0.0e+00  }
0x3e3: {  	s29 =	sand.u32 $0xF800, s28;
	s28 =	simm.s32 $0x200;
	s30 =	sand.u32 $0x380, s26;
	v39 =	vld [tilespmem:s25+$0x650];
	v31 =	vimm.f32 $0.0e+00;
	v24 =	vimm.f32 $0.0e+00;
	v21 =	vimm.f32 $0.0e+00  }
.LBB2_8:
0x3e4: {  	p0 =	sne.s32 s28, $0xFF00;
	v20 =	vadd.f32 v38, v20;
	v38 =	vld [tilespmem:s25+$0x660];
	s25 =	sor.u32 s30, s29  }
0x3e5: {  	v40 =	vld [tilespmem:s25+$0x670];
	v30 =	vadd.f32 v37, v30  }
0x3e6: {  	v37 =	vld [tilespmem:s25+$0x200];
	v23 =	vadd.f32 v35, v23  }
0x3e7: {  	v35 =	vld [tilespmem:s25+$0x210];
	v31 =	vadd.f32 v36, v31  }
0x3e8: {  	v36 =	vld [tilespmem:s25+$0x220];
	v24 =	vadd.f32 v39, v24  }
0x3e9: {  	v39 =	vld [tilespmem:s25+$0x230];
	v21 =	vadd.f32 v38, v21  }
0x3ea: {  	v38 =	vld [tilespmem:s25+$0x240];
	v19 =	vadd.f32 v40, v19  }
0x3eb: {  	v34 =	vadd.f32 v37, v34;
	v37 =	vld [tilespmem:s25+$0x250]  }
0x3ec: {  	v33 =	vadd.f32 v35, v33;
	v35 =	vld [tilespmem:s25+$0x260]  }
0x3ed: {  	v32 =	vadd.f32 v36, v32;
	v36 =	vld [tilespmem:s25+$0x270]  }
0x3ee: {  	v28 =	vadd.f32 v39, v28;
	v39 =	vld [tilespmem:s25+$0x600]  }
.Ltmp3:
0x3ef: {  	v29 =	vadd.f32 v38, v29;
	v38 =	vld [tilespmem:s25+$0x610];
	(pc) =	sbr.rel @p0 .LBB2_8-.Ltmp3, $4  }
0x3f0: {  	v25 =	vadd.f32 v37, v25;
	v37 =	vld [tilespmem:s25+$0x620]  }
0x3f1: {  	v26 =	vadd.f32 v35, v26;
	v35 =	vld [tilespmem:s25+$0x630]  }
0x3f2: {  	s26 =	sadd.s32 $0x80, s26;
	v22 =	vadd.f32 v36, v22;
	v36 =	vld [tilespmem:s25+$0x640]  }
0x3f3: {  	s29 =	sand.u32 $0xF800, s28;
	s28 =	sadd.s32 $0x100, s28;
	s30 =	sand.u32 $0x380, s26;
	v27 =	vadd.f32 v39, v27;
	v39 =	vld [tilespmem:s25+$0x650]  }
0x3f4: {  	s26 =	sor.u32 s30, s29;
	v40 =	vld [tilespmem:s25+$0x660]  }
0x3f5: {  	v41 =	vld [tilespmem:s26+$0x670]  }
0x3f6: {  	v42 =	vld [tilespmem:s26+$0x200]  }
0x3f7: {  	v43 =	vld [tilespmem:s26+$0x210]  }
0x3f8: {  	v44 =	vld [tilespmem:s26+$0x220]  }
0x3f9: {  	v45 =	vld [tilespmem:s26+$0x230]  }
0x3fa: {  	v46 =	vld [tilespmem:s26+$0x240]  }
0x3fb: {  	v47 =	vld [tilespmem:s26+$0x250]  }
0x3fc: {  	v48 =	vld [tilespmem:s26+$0x260]  }
0x3fd: {  	v49 =	vld [tilespmem:s26+$0x270]  }
0x3fe: {  	v50 =	vld [tilespmem:s26+$0x600]  }
0x3ff: {  	v51 =	vld [tilespmem:s26+$0x610]  }
0x400: {  	v52 =	vld [tilespmem:s26+$0x620]  }
0x401: {  	v53 =	vld [tilespmem:s26+$0x630]  }
0x402: {  	v54 =	vld [tilespmem:s26+$0x640];
	v34 =	vadd.f32 v42, v34  }
0x403: {  	v58 =	vld [tilespmem:s26+$0x650];
	v33 =	vadd.f32 v43, v33  }
0x404: {  	v59 =	vld [tilespmem:s26+$0x660];
	v32 =	vadd.f32 v44, v32;
	[tilespmem:$0x10200] =	vst v34  }
0x405: {  	v28 =	vadd.f32 v45, v28;
	[tilespmem:$0x10210] =	vst v33  }
0x406: {  	v29 =	vadd.f32 v46, v29;
	[tilespmem:$0x10220] =	vst v32  }
0x407: {  	v25 =	vadd.f32 v47, v25;
	[tilespmem:$0x10230] =	vst v28  }
0x408: {  	v26 =	vadd.f32 v48, v26;
	[tilespmem:$0x10240] =	vst v29  }
0x409: {  	v20 =	vadd.f32 v38, v20;
	v22 =	vadd.f32 v49, v22;
	[tilespmem:$0x10250] =	vst v25  }
0x40a: {  	v23 =	vadd.f32 v35, v23;
	v27 =	vadd.f32 v50, v27;
	[tilespmem:$0x10260] =	vst v26  }
0x40b: {  	v61 =	vadd.f32 v36, v31;
	v20 =	vadd.f32 v51, v20;
	[tilespmem:$0x10270] =	vst v22  }
0x40c: {  	v24 =	vadd.f32 v39, v24;
	v23 =	vadd.f32 v53, v23;
	[tilespmem:$0x10280] =	vst v27  }
0x40d: {  	v62 =	vadd.f32 v54, v61;
	[tilespmem:$0x10290] =	vst v20  }
0x40e: {  	v60 =	vadd.f32 v37, v30;
	v63 =	vadd.f32 v58, v24;
	[tilespmem:$0x102B0] =	vst v23  }
0x40f: {  	v19 =	vadd.f32 v41, v19;
	v20 =	vadd.f32 v40, v21;
	[tilespmem:$0x102C0] =	vst v62  }
0x410: {  	v25 =	vadd.f32 v52, v60;
	[tilespmem:$0x102D0] =	vst v63  }
0x411: {  	[tilespmem:$0x102F0] =	vst v19;
	v20 =	vadd.f32 v59, v20  }
0x412: {  	[tilespmem:$0x102A0] =	vst v25  }
0x413: {  	s29 =	rddreg [dreg:$0xb];
	[tilespmem:$0x102E0] =	vst v20  }
0x414: {  	[hbm4b:s29+s13] =	stream.strided.scatter [tilespmem:s23], [sflag:$0x2], $0x100, s14, s13, $0x38;
	[tilespmem:$0x10300] =	vst v63  }
0x415: {  	_ =	swait.ge [sflag:s15], $0x100  }
0x416: {  	s24 =	sadd.s32 $0x1, s24;
	s30 =	rddreg [dreg:$0xc]  }
0x417: {  	p0 =	sne.s32 s24, s30  }
.Ltmp4:
0x418: {  	_ = 	snop;
	(pc) =	sbr.rel @p0 .LBB2_1-.Ltmp4, $3  }
0x419: {  	_ =	sdelay $0x1  }
0x41a: {  	[sflag:s15] =	ssyncset.done $0x0  }
0x41b: {  	[sflag:s15] =	ssyncadd.s32 $0xFFFFFF00  }
0x41c: {  	_ =	sfence.sel $0x180000  }
0x41d: {  	[bflag:$0x0] =	sbarrier.arrive $0xFFFF  }
0x41e: {  	_ =	strace $0x90000047  }
0x41f: {  	s0 =	stileid.u32;
	[bflag:$0x2] =	sbarrier.arrive $0xFFFF  }
0x420: {  	p0 =	sne.s32 s0, $0x0;
	s0 =	rddreg [dreg:$0x3]  }
0x421: {  	s0 =	sadd.s32 @!p0 $0x100000, s0  }
0x422: {  	[sflag:s0] =	ssyncadd.tile.s32 @!p0 $0x1;
	_ =	shalt  }
.Lfunc_end2:
_tile_overlayer_lowered:
.L_overlay_start_2:
0x423: {  	(tag) =	ssettag $0x2  }
0x424: {  	s0 =	rddreg [dreg:$0x0];
	s2 =	stileid.u32  }
0x425: {  	s1 =	rddreg [dreg:$0x1];
	p0 =	sne.s32 s2, $0x0  }
0x426: {  	s3 =	rddreg [dreg:$0x2];
	[bflag:$0x3] =	sbarrier.arrive $0xFFFF;
	s2 =	simm.s32 @!p0 $0x1C02  }
0x427: {  	[timem:s3], [sflag:s2] =	dma.local @!p0 [hbm:s0], s1  }
0x428: {  	s0 =	simm.s32 @!p0 $0x2  }
0x429: {  	_ =	swait.ge @!p0 [sflag:s0], s1  }
0x42a: {  	s1 =	ssub.s32 @!p0 $0x0, s1;
	[sflag:s0] =	ssyncset.done @!p0 $0x0  }
0x42b: {  	[sflag:s0] =	ssyncadd.s32 @!p0 s1  }
0x42c: {  	[bflag:$0x3] =	sbarrier.arrive $0xFFFF  }
0x42d: {  	_ =	shalt  }

</sc_bundles>
